<compile_context>
chip_gen: v7x
topology: tpu7x:2x2x1
jax: 0.10.2.dev20260603
libtpu: 0.0.44.dev20260713+nightly
codegen_flags: <defaults>
</compile_context>

<pallas_src>
import functools

import jax
import jax.numpy as jnp
import numpy as np
from jax import lax
from jax.experimental import pallas as pl
from jax.experimental.pallas import tpu as pltpu
from jax.experimental.pallas import tpu_sc as plsc

_FIELDS = 26
_EMBED = 16
_NPAIRS = (_FIELDS * (_FIELDS - 1)) // 2

_NC = 2
_NS = 16
_NW = _NC * _NS
_G = 4
_BC = 16
_GPC = _BC // _G
_PD = _NPAIRS * _EMBED
_ROWW = _FIELDS * _EMBED


def _pairs_for_batch(rows_ref, ostage_ref, gb, lb_vec, iota16):
    rbase = gb * _FIELDS

    def body(p, carry):
        i, j = carry
        a = rows_ref[rbase + i, j, :]
        b = rows_ref[rbase + j, i, :]
        pd_vec = iota16 + p * _EMBED
        plsc.store_scatter(ostage_ref, [pd_vec, lb_vec], a * b)
        last = j == (_FIELDS - 1)
        i2 = jnp.where(last, i + 1, i)
        j2 = jnp.where(last, i + 2, j + 1)
        return (i2, j2)

    lax.fori_loop(0, _NPAIRS, body, (jnp.int32(0), jnp.int32(1)),
                  unroll=5)


def _sc_body(nb, nchunk, x_hbm, v_hbm, out_hbm,
             idx_v, rows_v, ostage, gsem, osem):
    wid = lax.axis_index("s") * _NC + lax.axis_index("c")
    base = wid * nb
    iota16 = lax.iota(jnp.int32, _EMBED)

    def out_copy(c):
        return pltpu.make_async_copy(
            ostage, out_hbm.at[:, pl.ds((base + c * _BC), _BC)], osem)

    def chunk_body(c, carry):
        for lg in range(_GPC):
            g = c * _GPC + lg
            pltpu.sync_copy(
                x_hbm.at[pl.ds((base + g * _G) * _FIELDS, _G * _FIELDS)],
                idx_v)
            gather = pltpu.make_async_copy(v_hbm.at[idx_v], rows_v, gsem)
            gather.start()
            if lg == 0:
                @pl.when(c > 0)
                def _():
                    out_copy(c - 1).wait()
            gather.wait()

            def inner(gb, cc):
                lb_vec = jnp.broadcast_to(lg * _G + gb, (_EMBED,))
                _pairs_for_batch(rows_v, ostage, gb, lb_vec, iota16)
                return cc

            lax.fori_loop(0, _G, inner, 0)
        out_copy(c).start()
        return carry

    lax.fori_loop(0, nchunk, chunk_body, 0)
    out_copy(nchunk - 1).wait()


_TS = 32
_NSTRIP = -(-100000 // _TS)
_TPW = 2 * -(-_NSTRIP // (2 * _NW))


def _t_body(vmax, vt_hbm, t2_hbm, stage0, stage1, trans0, trans1,
            isem0, isem1, osem0, osem1):
    stage = (stage0, stage1)
    trans = (trans0, trans1)
    isem = (isem0, isem1)
    osem = (osem0, osem1)
    wid = lax.axis_index("s") * _NC + lax.axis_index("c")
    iota416 = lax.iota(jnp.int32, _EMBED) * _ROWW

    def r0_of(t):
        return jnp.minimum((wid + t * _NW) * _TS, vmax - _TS)

    def in_copy(t, buf):
        return pltpu.make_async_copy(
            vt_hbm.at[:, :, pl.ds(r0_of(t), _TS)], stage[buf], isem[buf])

    def out_copy(t, buf):
        return pltpu.make_async_copy(
            trans[buf],
            t2_hbm.at[pl.ds(r0_of(t) * _ROWW, _TS * _ROWW)],
            osem[buf])

    in_copy(0, 0).start()

    def outer(tt, carry):
        for b in (0, 1):
            t = tt * 2 + b

            @pl.when(t + 1 < _TPW)
            def _():
                in_copy(t + 1, (b + 1) % 2).start()

            in_copy(t, b).wait()

            @pl.when(t >= 2)
            def _():
                out_copy(t - 2, b).wait()

            def per_field(f, cc):
                fbase = f * _EMBED
                for d in range(_EMBED):
                    for rc in range(_TS // _EMBED):
                        vals = stage[b][f, d, pl.ds(rc * _EMBED, _EMBED)]
                        idx = iota416 + (fbase + (rc * _EMBED * _ROWW + d))
                        plsc.store_scatter(trans[b], [idx], vals)
                return cc

            lax.fori_loop(0, _FIELDS, per_field, 0)
            out_copy(t, b).start()
        return carry

    lax.fori_loop(0, _TPW // 2, outer, 0)
    out_copy(_TPW - 2, 0).wait()
    out_copy(_TPW - 1, 1).wait()


def kernel(X, v):
    B, F = X.shape
    Vn, F2, D = v.shape
    assert F == _FIELDS and F2 == _FIELDS and D == _EMBED
    assert B % (_NW * _BC) == 0
    nb = B // _NW
    nchunk = nb // _BC

    x_flat = X.reshape(B * F).astype(jnp.int32)
    vt = jnp.transpose(v, (1, 2, 0))

    mesh = plsc.VectorSubcoreMesh(core_axis_name="c", subcore_axis_name="s")
    f32 = jnp.float32
    run_t = pl.kernel(
        functools.partial(_t_body, Vn),
        mesh=mesh,
        compiler_params=pltpu.CompilerParams(
            use_tc_tiling_on_sc=False, needs_layout_passes=False),
        out_type=jax.ShapeDtypeStruct((Vn * F * D,), f32),
        scratch_types=[
            pltpu.VMEM((_FIELDS, _EMBED, _TS), f32),
            pltpu.VMEM((_FIELDS, _EMBED, _TS), f32),
            pltpu.VMEM((_TS * _FIELDS * _EMBED,), f32),
            pltpu.VMEM((_TS * _FIELDS * _EMBED,), f32),
            pltpu.SemaphoreType.DMA,
            pltpu.SemaphoreType.DMA,
            pltpu.SemaphoreType.DMA,
            pltpu.SemaphoreType.DMA,
        ],
    )
    run = pl.kernel(
        functools.partial(_sc_body, nb, nchunk),
        mesh=mesh,
        compiler_params=pltpu.CompilerParams(
            use_tc_tiling_on_sc=False, needs_layout_passes=False),
        out_type=jax.ShapeDtypeStruct((_PD, B), f32),
        scratch_types=[
            pltpu.VMEM((_G * _FIELDS,), jnp.int32),
            pltpu.VMEM((_G * _FIELDS, _FIELDS, _EMBED), f32),
            pltpu.VMEM((_PD, _BC), f32),
            pltpu.SemaphoreType.DMA,
            pltpu.SemaphoreType.DMA,
        ],
    )
    table2 = run_t(vt).reshape(Vn, F, D)
    out2 = run(x_flat, table2)
    return out2.reshape(_NPAIRS, _EMBED, B).transpose(2, 0, 1)

# --- scband reference (transcript-rebuilt; emitter-appended) ---
"""Pipeline reference for scband-field-aware-interaction-layer-11974368821309 (READ-ONLY COPY).

The authoritative reference and input builder live on the scoring server;
editing this copy changes nothing except your own understanding.
"""

import jax, jax.numpy as jnp
import numpy as np

FIELDS = 26
FEATURE_DIMS = 100000
EMBED = 16
BATCH = 4096


def setup_inputs(seed: int = 0) -> dict:
    key = jax.random.key(seed)
    k1, k2 = jax.random.split(key)
    X = jax.random.randint(k1, (BATCH, FIELDS), 0, FEATURE_DIMS, dtype=jnp.int64)
    # learned embedding lookup table: (feature_dims, fields_cnt, embedding_dims)
    v = jax.random.normal(k2, (FEATURE_DIMS, FIELDS, EMBED), dtype=jnp.float32) * 0.05
    return {"X": X, "v": v}


def reference(X, v):
    # embedding_lookup: [B, F] int -> [B, F, F, D]
    embeddings = jnp.take(v, X, axis=0)
    embeddings_T = jnp.transpose(embeddings, (0, 2, 1, 3))
    interactions = embeddings * embeddings_T  # [B, F, F, D]
    num_fields = FIELDS
    # strict upper triangle, row-major order (matches tf band_part mask + boolean_mask)
    iu_r, iu_c = jnp.triu_indices(num_fields, k=1)
    interactions_final = interactions[:, iu_r, iu_c, :]  # [B, F*(F-1)//2, D]
    return interactions_final

if __name__ == "__main__":
    import jax
    _d = setup_inputs()
    print(jax.jit(kernel)(*tuple(_d.values())))

</pallas_src>

<mosaic_0001>
#map = affine_map<(d0, d1) -> (0)>
#map1 = affine_map<(d0, d1) -> (0, 0, 0)>
#map2 = affine_map<(d0, d1) -> (0, 0)>
module attributes {stable_mosaic.version = 14 : i64} {
  func.func @_sc_body(%arg0: i32, %arg1: i32, %arg2: memref<106496xi32, #tpu.memory_space<hbm>>, %arg3: memref<100000x26x16xf32, #tpu.memory_space<hbm>>, %arg4: memref<5200x4096xf32, #tpu.memory_space<hbm>>, %arg5: memref<104xi32, #tpu.memory_space<vmem>>, %arg6: memref<104x26x16xf32, #tpu.memory_space<vmem>>, %arg7: memref<5200x16xf32, #tpu.memory_space<vmem>>, %arg8: memref<!tpu.dma_semaphore, #tpu.memory_space<semaphore_mem>>, %arg9: memref<!tpu.dma_semaphore, #tpu.memory_space<semaphore_mem>>) attributes {dimension_semantics = [#tpu.dimension_semantics<core_parallel>, #tpu.dimension_semantics<subcore_parallel>], iteration_bounds = array<i64: 2, 16>, scalar_prefetch = 0 : i64, scratch_operands = 5 : i64, tpu.core_type = #tpu.core_type<sc_vector_subcore>, window_params = [{transform_indices = #map}, {transform_indices = #map1}, {transform_indices = #map2}]} {
    %mul3A = arith.constant 2 : i32
    %mul3A_0 = arith.muli %arg1, %mul3A : i32
    %add3A = arith.addi %mul3A_0, %arg0 : i32
    %mul3A_1 = arith.constant 128 : i32
    %mul3A_2 = arith.muli %add3A, %mul3A_1 : i32
    %iota3A = tpu.iota {dimensions = array<i32: 0>} : vector<16xi32>
    %scan3A = arith.constant 0 : i32
    %scan3A_3 = arith.constant 0 : i32
    %scan3A_4 = arith.constant 8 : i32
    %scan3A_5 = arith.addi %scan3A_3, %scan3A_4 : i32
    %scan3A_6 = arith.constant 1 : i32
    scf.for %scan3A_13 = %scan3A_3 to %scan3A_5 step %scan3A_6  : i32 {
      %mul3A_14 = arith.constant 4 : i32
      %mul3A_15 = arith.muli %scan3A_13, %mul3A_14 : i32
      %add3A_16 = arith.constant 0 : i32
      %add3A_17 = arith.addi %mul3A_15, %add3A_16 : i32
      %mul3A_18 = arith.constant 4 : i32
      %mul3A_19 = arith.muli %add3A_17, %mul3A_18 : i32
      %add3A_20 = arith.addi %mul3A_2, %mul3A_19 : i32
      %mul3A_21 = arith.constant 26 : i32
      %mul3A_22 = arith.muli %add3A_20, %mul3A_21 : i32
      "tpu.region"() ({
        %run_scoped3A = tpu.sem_alloc : memref<!tpu.dma_semaphore, #tpu.memory_space<semaphore_mem>>
        %dma_start3A_114 = tpu.memref_slice %arg2[%mul3A_22] : memref<106496xi32, #tpu.memory_space<hbm>> -> memref<104xi32, #tpu.memory_space<hbm>>
        %dma_start3A_115 = tpu.memref_slice %arg2[%mul3A_22] : memref<106496xi32, #tpu.memory_space<hbm>> -> memref<104xi32, #tpu.memory_space<hbm>>
        tpu.enqueue_dma source(%dma_start3A_115 : memref<104xi32, #tpu.memory_space<hbm>>) target(%arg5 : memref<104xi32, #tpu.memory_space<vmem>>) target_semaphore(%run_scoped3A : memref<!tpu.dma_semaphore, #tpu.memory_space<semaphore_mem>>)
        %dma_wait3A_116 = tpu.memref_slice %arg2[%mul3A_22] : memref<106496xi32, #tpu.memory_space<hbm>> -> memref<104xi32, #tpu.memory_space<hbm>>
        %dma_wait3A_117 = tpu.memref_slice %arg2[%mul3A_22] : memref<106496xi32, #tpu.memory_space<hbm>> -> memref<104xi32, #tpu.memory_space<hbm>>
        tpu.wait_dma2 semaphore(%run_scoped3A : memref<!tpu.dma_semaphore, #tpu.memory_space<semaphore_mem>>) src(%dma_wait3A_117 : memref<104xi32, #tpu.memory_space<hbm>>) dst(%arg5 : memref<104xi32, #tpu.memory_space<vmem>>)
        tpu.yield
      }) : () -> ()
      %dma_start3A = arith.constant 0 : i32
      %dma_start3A_23 = arith.constant 0 : i32
      %dma_start3A_24 = arith.constant 0 : i32
      %dma_start3A_25 = tpu.memref_slice %arg3[%dma_start3A, %dma_start3A_23, %dma_start3A_24] : memref<100000x26x16xf32, #tpu.memory_space<hbm>> -> memref<100000x26x16xf32, #tpu.memory_space<hbm>>
      tpu.enqueue_indirect_dma source(%dma_start3A_25 : memref<100000x26x16xf32, #tpu.memory_space<hbm>>) target(%arg6 : memref<104x26x16xf32, #tpu.memory_space<vmem>>) offsets(%arg5 : memref<104xi32, #tpu.memory_space<vmem>>) semaphore(%arg8 : memref<!tpu.dma_semaphore, #tpu.memory_space<semaphore_mem>>)
      %gt3A = arith.constant 0 : i32
      %gt3A_26 = arith.cmpi sgt, %scan3A_13, %gt3A : i32
      %convert_element_type3A = arith.extui %gt3A_26 : i1 to i32
      %cond3A = arith.constant 0 : i32
      %cond3A_27 = arith.cmpi ne, %convert_element_type3A, %cond3A : i32
      scf.if %cond3A_27 {
        %sub3A = arith.constant 1 : i32
        %sub3A_114 = arith.subi %scan3A_13, %sub3A : i32
        %mul3A_115 = arith.constant 16 : i32
        %mul3A_116 = arith.muli %sub3A_114, %mul3A_115 : i32
        %add3A_117 = arith.addi %mul3A_2, %mul3A_116 : i32
        %dma_wait3A_118 = arith.constant 0 : i32
        %dma_wait3A_119 = tpu.memref_slice %arg4[%dma_wait3A_118, %add3A_117] : memref<5200x4096xf32, #tpu.memory_space<hbm>> -> memref<5200x16xf32, #tpu.memory_space<hbm>>
        %dma_wait3A_120 = arith.constant 0 : i32
        %dma_wait3A_121 = tpu.memref_slice %arg4[%dma_wait3A_120, %add3A_117] : memref<5200x4096xf32, #tpu.memory_space<hbm>> -> memref<5200x16xf32, #tpu.memory_space<hbm>>
        tpu.wait_dma2 semaphore(%arg9 : memref<!tpu.dma_semaphore, #tpu.memory_space<semaphore_mem>>) src(%arg7 : memref<5200x16xf32, #tpu.memory_space<vmem>>) dst(%dma_wait3A_121 : memref<5200x16xf32, #tpu.memory_space<hbm>>)
      } else {
      }
      %dma_wait3A_28 = arith.constant 0 : i32
      %dma_wait3A_29 = arith.constant 0 : i32
      %dma_wait3A_30 = arith.constant 0 : i32
      %dma_wait3A_31 = tpu.memref_slice %arg3[%dma_wait3A_28, %dma_wait3A_29, %dma_wait3A_30] : memref<100000x26x16xf32, #tpu.memory_space<hbm>> -> memref<100000x26x16xf32, #tpu.memory_space<hbm>>
      tpu.wait_indirect_dma semaphore(%arg8 : memref<!tpu.dma_semaphore, #tpu.memory_space<semaphore_mem>>) src(%dma_wait3A_31 : memref<100000x26x16xf32, #tpu.memory_space<hbm>>) dst(%arg6 : memref<104x26x16xf32, #tpu.memory_space<vmem>>)
      %scan3A_32 = arith.constant 0 : i32
      %scan3A_33 = arith.constant 0 : i32
      %scan3A_34 = arith.constant 4 : i32
      %scan3A_35 = arith.addi %scan3A_33, %scan3A_34 : i32
      %scan3A_36 = arith.constant 1 : i32
      scf.for %scan3A_114 = %scan3A_33 to %scan3A_35 step %scan3A_36  : i32 {
        %add3A_115 = arith.constant 0 : i32
        %add3A_116 = arith.addi %add3A_115, %scan3A_114 : i32
        %broadcast_in_dim3A = vector.broadcast %add3A_116 : i32 to vector<16xi32>
        %mul3A_117 = arith.constant 26 : i32
        %mul3A_118 = arith.muli %scan3A_114, %mul3A_117 : i32
        %scan3A_119 = arith.constant 0 : i32
        %scan3A_120 = arith.constant 1 : i32
        %scan3A_121 = arith.constant 0 : i32
        %scan3A_122 = arith.constant 325 : i32
        %scan3A_123 = arith.addi %scan3A_121, %scan3A_122 : i32
        %scan3A_124 = arith.constant 5 : i32
        %scan3A_125:2 = scf.for %scan3A_127 = %scan3A_121 to %scan3A_123 step %scan3A_124 iter_args(%scan3A_128 = %scan3A_119, %scan3A_129 = %scan3A_120) -> (i32, i32)  : i32 {
          %add3A_130 = arith.addi %mul3A_118, %scan3A_128 : i32
          %get3A = arith.index_cast %add3A_130 : i32 to index
          %get3A_131 = arith.index_cast %scan3A_129 : i32 to index
          %get3A_132 = arith.constant 0 : index
          %get3A_133 = tpu.vector_load %arg6[%get3A, %get3A_131, %get3A_132] {strides = array<i32>} : memref<104x26x16xf32, #tpu.memory_space<vmem>>, vector<16xf32>,
          %add3A_134 = arith.addi %mul3A_118, %scan3A_129 : i32
          %get3A_135 = arith.index_cast %add3A_134 : i32 to index
          %get3A_136 = arith.index_cast %scan3A_128 : i32 to index
          %get3A_137 = arith.constant 0 : index
          %get3A_138 = tpu.vector_load %arg6[%get3A_135, %get3A_136, %get3A_137] {strides = array<i32>} : memref<104x26x16xf32, #tpu.memory_space<vmem>>, vector<16xf32>,
          %mul3A_139 = arith.constant 16 : i32
          %mul3A_140 = arith.muli %scan3A_127, %mul3A_139 : i32
          %add3A_141 = vector.broadcast %mul3A_140 : i32 to vector<16xi32>
          %add3A_142 = arith.addi %iota3A, %add3A_141 : vector<16xi32>
          %mul3A_143 = arith.mulf %get3A_133, %get3A_138 : vector<16xf32>
          tpu.vector_store_idx %arg7[%add3A_142, %broadcast_in_dim3A], %mul3A_143 : memref<5200x16xf32, #tpu.memory_space<vmem>>[vector<16xi32>, vector<16xi32>], vector<16xf32>,
          %eq3A = arith.constant 25 : i32
          %eq3A_144 = arith.cmpi eq, %scan3A_129, %eq3A : i32
          %add3A_145 = arith.constant 1 : i32
          %add3A_146 = arith.addi %scan3A_128, %add3A_145 : i32
          %select_n3A = arith.select %eq3A_144, %add3A_146, %scan3A_128 : i32
          %add3A_147 = arith.constant 2 : i32
          %add3A_148 = arith.addi %scan3A_128, %add3A_147 : i32
          %add3A_149 = arith.constant 1 : i32
          %add3A_150 = arith.addi %scan3A_129, %add3A_149 : i32
          %select_n3A_151 = arith.select %eq3A_144, %add3A_148, %add3A_150 : i32
          %scan3A_152 = arith.constant 1 : i32
          %scan3A_153 = arith.addi %scan3A_127, %scan3A_152 : i32
          %add3A_154 = arith.addi %mul3A_118, %select_n3A : i32
          %get3A_155 = arith.index_cast %add3A_154 : i32 to index
          %get3A_156 = arith.index_cast %select_n3A_151 : i32 to index
          %get3A_157 = arith.constant 0 : index
          %get3A_158 = tpu.vector_load %arg6[%get3A_155, %get3A_156, %get3A_157] {strides = array<i32>} : memref<104x26x16xf32, #tpu.memory_space<vmem>>, vector<16xf32>,
          %add3A_159 = arith.addi %mul3A_118, %select_n3A_151 : i32
          %get3A_160 = arith.index_cast %add3A_159 : i32 to index
          %get3A_161 = arith.index_cast %select_n3A : i32 to index
          %get3A_162 = arith.constant 0 : index
          %get3A_163 = tpu.vector_load %arg6[%get3A_160, %get3A_161, %get3A_162] {strides = array<i32>} : memref<104x26x16xf32, #tpu.memory_space<vmem>>, vector<16xf32>,
          %mul3A_164 = arith.constant 16 : i32
          %mul3A_165 = arith.muli %scan3A_153, %mul3A_164 : i32
          %add3A_166 = vector.broadcast %mul3A_165 : i32 to vector<16xi32>
          %add3A_167 = arith.addi %iota3A, %add3A_166 : vector<16xi32>
          %mul3A_168 = arith.mulf %get3A_158, %get3A_163 : vector<16xf32>
          tpu.vector_store_idx %arg7[%add3A_167, %broadcast_in_dim3A], %mul3A_168 : memref<5200x16xf32, #tpu.memory_space<vmem>>[vector<16xi32>, vector<16xi32>], vector<16xf32>,
          %eq3A_169 = arith.constant 25 : i32
          %eq3A_170 = arith.cmpi eq, %select_n3A_151, %eq3A_169 : i32
          %add3A_171 = arith.constant 1 : i32
          %add3A_172 = arith.addi %select_n3A, %add3A_171 : i32
          %select_n3A_173 = arith.select %eq3A_170, %add3A_172, %select_n3A : i32
          %add3A_174 = arith.constant 2 : i32
          %add3A_175 = arith.addi %select_n3A, %add3A_174 : i32
          %add3A_176 = arith.constant 1 : i32
          %add3A_177 = arith.addi %select_n3A_151, %add3A_176 : i32
          %select_n3A_178 = arith.select %eq3A_170, %add3A_175, %add3A_177 : i32
          %scan3A_179 = arith.constant 2 : i32
          %scan3A_180 = arith.addi %scan3A_127, %scan3A_179 : i32
          %add3A_181 = arith.addi %mul3A_118, %select_n3A_173 : i32
          %get3A_182 = arith.index_cast %add3A_181 : i32 to index
          %get3A_183 = arith.index_cast %select_n3A_178 : i32 to index
          %get3A_184 = arith.constant 0 : index
          %get3A_185 = tpu.vector_load %arg6[%get3A_182, %get3A_183, %get3A_184] {strides = array<i32>} : memref<104x26x16xf32, #tpu.memory_space<vmem>>, vector<16xf32>,
          %add3A_186 = arith.addi %mul3A_118, %select_n3A_178 : i32
          %get3A_187 = arith.index_cast %add3A_186 : i32 to index
          %get3A_188 = arith.index_cast %select_n3A_173 : i32 to index
          %get3A_189 = arith.constant 0 : index
          %get3A_190 = tpu.vector_load %arg6[%get3A_187, %get3A_188, %get3A_189] {strides = array<i32>} : memref<104x26x16xf32, #tpu.memory_space<vmem>>, vector<16xf32>,
          %mul3A_191 = arith.constant 16 : i32
          %mul3A_192 = arith.muli %scan3A_180, %mul3A_191 : i32
          %add3A_193 = vector.broadcast %mul3A_192 : i32 to vector<16xi32>
          %add3A_194 = arith.addi %iota3A, %add3A_193 : vector<16xi32>
          %mul3A_195 = arith.mulf %get3A_185, %get3A_190 : vector<16xf32>
          tpu.vector_store_idx %arg7[%add3A_194, %broadcast_in_dim3A], %mul3A_195 : memref<5200x16xf32, #tpu.memory_space<vmem>>[vector<16xi32>, vector<16xi32>], vector<16xf32>,
          %eq3A_196 = arith.constant 25 : i32
          %eq3A_197 = arith.cmpi eq, %select_n3A_178, %eq3A_196 : i32
          %add3A_198 = arith.constant 1 : i32
          %add3A_199 = arith.addi %select_n3A_173, %add3A_198 : i32
          %select_n3A_200 = arith.select %eq3A_197, %add3A_199, %select_n3A_173 : i32
          %add3A_201 = arith.constant 2 : i32
          %add3A_202 = arith.addi %select_n3A_173, %add3A_201 : i32
          %add3A_203 = arith.constant 1 : i32
          %add3A_204 = arith.addi %select_n3A_178, %add3A_203 : i32
          %select_n3A_205 = arith.select %eq3A_197, %add3A_202, %add3A_204 : i32
          %scan3A_206 = arith.constant 3 : i32
          %scan3A_207 = arith.addi %scan3A_127, %scan3A_206 : i32
          %add3A_208 = arith.addi %mul3A_118, %select_n3A_200 : i32
          %get3A_209 = arith.index_cast %add3A_208 : i32 to index
          %get3A_210 = arith.index_cast %select_n3A_205 : i32 to index
          %get3A_211 = arith.constant 0 : index
          %get3A_212 = tpu.vector_load %arg6[%get3A_209, %get3A_210, %get3A_211] {strides = array<i32>} : memref<104x26x16xf32, #tpu.memory_space<vmem>>, vector<16xf32>,
          %add3A_213 = arith.addi %mul3A_118, %select_n3A_205 : i32
          %get3A_214 = arith.index_cast %add3A_213 : i32 to index
          %get3A_215 = arith.index_cast %select_n3A_200 : i32 to index
          %get3A_216 = arith.constant 0 : index
          %get3A_217 = tpu.vector_load %arg6[%get3A_214, %get3A_215, %get3A_216] {strides = array<i32>} : memref<104x26x16xf32, #tpu.memory_space<vmem>>, vector<16xf32>,
          %mul3A_218 = arith.constant 16 : i32
          %mul3A_219 = arith.muli %scan3A_207, %mul3A_218 : i32
          %add3A_220 = vector.broadcast %mul3A_219 : i32 to vector<16xi32>
          %add3A_221 = arith.addi %iota3A, %add3A_220 : vector<16xi32>
          %mul3A_222 = arith.mulf %get3A_212, %get3A_217 : vector<16xf32>
          tpu.vector_store_idx %arg7[%add3A_221, %broadcast_in_dim3A], %mul3A_222 : memref<5200x16xf32, #tpu.memory_space<vmem>>[vector<16xi32>, vector<16xi32>], vector<16xf32>,
          %eq3A_223 = arith.constant 25 : i32
          %eq3A_224 = arith.cmpi eq, %select_n3A_205, %eq3A_223 : i32
          %add3A_225 = arith.constant 1 : i32
          %add3A_226 = arith.addi %select_n3A_200, %add3A_225 : i32
          %select_n3A_227 = arith.select %eq3A_224, %add3A_226, %select_n3A_200 : i32
          %add3A_228 = arith.constant 2 : i32
          %add3A_229 = arith.addi %select_n3A_200, %add3A_228 : i32
          %add3A_230 = arith.constant 1 : i32
          %add3A_231 = arith.addi %select_n3A_205, %add3A_230 : i32
          %select_n3A_232 = arith.select %eq3A_224, %add3A_229, %add3A_231 : i32
          %scan3A_233 = arith.constant 4 : i32
          %scan3A_234 = arith.addi %scan3A_127, %scan3A_233 : i32
          %add3A_235 = arith.addi %mul3A_118, %select_n3A_227 : i32
          %get3A_236 = arith.index_cast %add3A_235 : i32 to index
          %get3A_237 = arith.index_cast %select_n3A_232 : i32 to index
          %get3A_238 = arith.constant 0 : index
          %get3A_239 = tpu.vector_load %arg6[%get3A_236, %get3A_237, %get3A_238] {strides = array<i32>} : memref<104x26x16xf32, #tpu.memory_space<vmem>>, vector<16xf32>,
          %add3A_240 = arith.addi %mul3A_118, %select_n3A_232 : i32
          %get3A_241 = arith.index_cast %add3A_240 : i32 to index
          %get3A_242 = arith.index_cast %select_n3A_227 : i32 to index
          %get3A_243 = arith.constant 0 : index
          %get3A_244 = tpu.vector_load %arg6[%get3A_241, %get3A_242, %get3A_243] {strides = array<i32>} : memref<104x26x16xf32, #tpu.memory_space<vmem>>, vector<16xf32>,
          %mul3A_245 = arith.constant 16 : i32
          %mul3A_246 = arith.muli %scan3A_234, %mul3A_245 : i32
          %add3A_247 = vector.broadcast %mul3A_246 : i32 to vector<16xi32>
          %add3A_248 = arith.addi %iota3A, %add3A_247 : vector<16xi32>
          %mul3A_249 = arith.mulf %get3A_239, %get3A_244 : vector<16xf32>
          tpu.vector_store_idx %arg7[%add3A_248, %broadcast_in_dim3A], %mul3A_249 : memref<5200x16xf32, #tpu.memory_space<vmem>>[vector<16xi32>, vector<16xi32>], vector<16xf32>,
          %eq3A_250 = arith.constant 25 : i32
          %eq3A_251 = arith.cmpi eq, %select_n3A_232, %eq3A_250 : i32
          %add3A_252 = arith.constant 1 : i32
          %add3A_253 = arith.addi %select_n3A_227, %add3A_252 : i32
          %select_n3A_254 = arith.select %eq3A_251, %add3A_253, %select_n3A_227 : i32
          %add3A_255 = arith.constant 2 : i32
          %add3A_256 = arith.addi %select_n3A_227, %add3A_255 : i32
          %add3A_257 = arith.constant 1 : i32
          %add3A_258 = arith.addi %select_n3A_232, %add3A_257 : i32
          %select_n3A_259 = arith.select %eq3A_251, %add3A_256, %add3A_258 : i32
          scf.yield %select_n3A_254, %select_n3A_259 : i32, i32
        }
        %scan3A_126 = arith.constant 325 : i32
      }
      %scan3A_37 = arith.constant 4 : i32
      %mul3A_38 = arith.constant 4 : i32
      %mul3A_39 = arith.muli %scan3A_13, %mul3A_38 : i32
      %add3A_40 = arith.constant 1 : i32
      %add3A_41 = arith.addi %mul3A_39, %add3A_40 : i32
      %mul3A_42 = arith.constant 4 : i32
      %mul3A_43 = arith.muli %add3A_41, %mul3A_42 : i32
      %add3A_44 = arith.addi %mul3A_2, %mul3A_43 : i32
      %mul3A_45 = arith.constant 26 : i32
      %mul3A_46 = arith.muli %add3A_44, %mul3A_45 : i32
      "tpu.region"() ({
        %run_scoped3A = tpu.sem_alloc : memref<!tpu.dma_semaphore, #tpu.memory_space<semaphore_mem>>
        %dma_start3A_114 = tpu.memref_slice %arg2[%mul3A_46] : memref<106496xi32, #tpu.memory_space<hbm>> -> memref<104xi32, #tpu.memory_space<hbm>>
        %dma_start3A_115 = tpu.memref_slice %arg2[%mul3A_46] : memref<106496xi32, #tpu.memory_space<hbm>> -> memref<104xi32, #tpu.memory_space<hbm>>
        tpu.enqueue_dma source(%dma_start3A_115 : memref<104xi32, #tpu.memory_space<hbm>>) target(%arg5 : memref<104xi32, #tpu.memory_space<vmem>>) target_semaphore(%run_scoped3A : memref<!tpu.dma_semaphore, #tpu.memory_space<semaphore_mem>>)
        %dma_wait3A_116 = tpu.memref_slice %arg2[%mul3A_46] : memref<106496xi32, #tpu.memory_space<hbm>> -> memref<104xi32, #tpu.memory_space<hbm>>
        %dma_wait3A_117 = tpu.memref_slice %arg2[%mul3A_46] : memref<106496xi32, #tpu.memory_space<hbm>> -> memref<104xi32, #tpu.memory_space<hbm>>
        tpu.wait_dma2 semaphore(%run_scoped3A : memref<!tpu.dma_semaphore, #tpu.memory_space<semaphore_mem>>) src(%dma_wait3A_117 : memref<104xi32, #tpu.memory_space<hbm>>) dst(%arg5 : memref<104xi32, #tpu.memory_space<vmem>>)
        tpu.yield
      }) : () -> ()
      %dma_start3A_47 = arith.constant 0 : i32
      %dma_start3A_48 = arith.constant 0 : i32
      %dma_start3A_49 = arith.constant 0 : i32
      %dma_start3A_50 = tpu.memref_slice %arg3[%dma_start3A_47, %dma_start3A_48, %dma_start3A_49] : memref<100000x26x16xf32, #tpu.memory_space<hbm>> -> memref<100000x26x16xf32, #tpu.memory_space<hbm>>
      tpu.enqueue_indirect_dma source(%dma_start3A_50 : memref<100000x26x16xf32, #tpu.memory_space<hbm>>) target(%arg6 : memref<104x26x16xf32, #tpu.memory_space<vmem>>) offsets(%arg5 : memref<104xi32, #tpu.memory_space<vmem>>) semaphore(%arg8 : memref<!tpu.dma_semaphore, #tpu.memory_space<semaphore_mem>>)
      %dma_wait3A_51 = arith.constant 0 : i32
      %dma_wait3A_52 = arith.constant 0 : i32
      %dma_wait3A_53 = arith.constant 0 : i32
      %dma_wait3A_54 = tpu.memref_slice %arg3[%dma_wait3A_51, %dma_wait3A_52, %dma_wait3A_53] : memref<100000x26x16xf32, #tpu.memory_space<hbm>> -> memref<100000x26x16xf32, #tpu.memory_space<hbm>>
      tpu.wait_indirect_dma semaphore(%arg8 : memref<!tpu.dma_semaphore, #tpu.memory_space<semaphore_mem>>) src(%dma_wait3A_54 : memref<100000x26x16xf32, #tpu.memory_space<hbm>>) dst(%arg6 : memref<104x26x16xf32, #tpu.memory_space<vmem>>)
      %scan3A_55 = arith.constant 0 : i32
      %scan3A_56 = arith.constant 0 : i32
      %scan3A_57 = arith.constant 4 : i32
      %scan3A_58 = arith.addi %scan3A_56, %scan3A_57 : i32
      %scan3A_59 = arith.constant 1 : i32
      scf.for %scan3A_114 = %scan3A_56 to %scan3A_58 step %scan3A_59  : i32 {
        %add3A_115 = arith.constant 4 : i32
        %add3A_116 = arith.addi %add3A_115, %scan3A_114 : i32
        %broadcast_in_dim3A = vector.broadcast %add3A_116 : i32 to vector<16xi32>
        %mul3A_117 = arith.constant 26 : i32
        %mul3A_118 = arith.muli %scan3A_114, %mul3A_117 : i32
        %scan3A_119 = arith.constant 0 : i32
        %scan3A_120 = arith.constant 1 : i32
        %scan3A_121 = arith.constant 0 : i32
        %scan3A_122 = arith.constant 325 : i32
        %scan3A_123 = arith.addi %scan3A_121, %scan3A_122 : i32
        %scan3A_124 = arith.constant 5 : i32
        %scan3A_125:2 = scf.for %scan3A_127 = %scan3A_121 to %scan3A_123 step %scan3A_124 iter_args(%scan3A_128 = %scan3A_119, %scan3A_129 = %scan3A_120) -> (i32, i32)  : i32 {
          %add3A_130 = arith.addi %mul3A_118, %scan3A_128 : i32
          %get3A = arith.index_cast %add3A_130 : i32 to index
          %get3A_131 = arith.index_cast %scan3A_129 : i32 to index
          %get3A_132 = arith.constant 0 : index
          %get3A_133 = tpu.vector_load %arg6[%get3A, %get3A_131, %get3A_132] {strides = array<i32>} : memref<104x26x16xf32, #tpu.memory_space<vmem>>, vector<16xf32>,
          %add3A_134 = arith.addi %mul3A_118, %scan3A_129 : i32
          %get3A_135 = arith.index_cast %add3A_134 : i32 to index
          %get3A_136 = arith.index_cast %scan3A_128 : i32 to index
          %get3A_137 = arith.constant 0 : index
          %get3A_138 = tpu.vector_load %arg6[%get3A_135, %get3A_136, %get3A_137] {strides = array<i32>} : memref<104x26x16xf32, #tpu.memory_space<vmem>>, vector<16xf32>,
          %mul3A_139 = arith.constant 16 : i32
          %mul3A_140 = arith.muli %scan3A_127, %mul3A_139 : i32
          %add3A_141 = vector.broadcast %mul3A_140 : i32 to vector<16xi32>
          %add3A_142 = arith.addi %iota3A, %add3A_141 : vector<16xi32>
          %mul3A_143 = arith.mulf %get3A_133, %get3A_138 : vector<16xf32>
          tpu.vector_store_idx %arg7[%add3A_142, %broadcast_in_dim3A], %mul3A_143 : memref<5200x16xf32, #tpu.memory_space<vmem>>[vector<16xi32>, vector<16xi32>], vector<16xf32>,
          %eq3A = arith.constant 25 : i32
          %eq3A_144 = arith.cmpi eq, %scan3A_129, %eq3A : i32
          %add3A_145 = arith.constant 1 : i32
          %add3A_146 = arith.addi %scan3A_128, %add3A_145 : i32
          %select_n3A = arith.select %eq3A_144, %add3A_146, %scan3A_128 : i32
          %add3A_147 = arith.constant 2 : i32
          %add3A_148 = arith.addi %scan3A_128, %add3A_147 : i32
          %add3A_149 = arith.constant 1 : i32
          %add3A_150 = arith.addi %scan3A_129, %add3A_149 : i32
          %select_n3A_151 = arith.select %eq3A_144, %add3A_148, %add3A_150 : i32
          %scan3A_152 = arith.constant 1 : i32
          %scan3A_153 = arith.addi %scan3A_127, %scan3A_152 : i32
          %add3A_154 = arith.addi %mul3A_118, %select_n3A : i32
          %get3A_155 = arith.index_cast %add3A_154 : i32 to index
          %get3A_156 = arith.index_cast %select_n3A_151 : i32 to index
          %get3A_157 = arith.constant 0 : index
          %get3A_158 = tpu.vector_load %arg6[%get3A_155, %get3A_156, %get3A_157] {strides = array<i32>} : memref<104x26x16xf32, #tpu.memory_space<vmem>>, vector<16xf32>,
          %add3A_159 = arith.addi %mul3A_118, %select_n3A_151 : i32
          %get3A_160 = arith.index_cast %add3A_159 : i32 to index
          %get3A_161 = arith.index_cast %select_n3A : i32 to index
          %get3A_162 = arith.constant 0 : index
          %get3A_163 = tpu.vector_load %arg6[%get3A_160, %get3A_161, %get3A_162] {strides = array<i32>} : memref<104x26x16xf32, #tpu.memory_space<vmem>>, vector<16xf32>,
          %mul3A_164 = arith.constant 16 : i32
          %mul3A_165 = arith.muli %scan3A_153, %mul3A_164 : i32
          %add3A_166 = vector.broadcast %mul3A_165 : i32 to vector<16xi32>
          %add3A_167 = arith.addi %iota3A, %add3A_166 : vector<16xi32>
          %mul3A_168 = arith.mulf %get3A_158, %get3A_163 : vector<16xf32>
          tpu.vector_store_idx %arg7[%add3A_167, %broadcast_in_dim3A], %mul3A_168 : memref<5200x16xf32, #tpu.memory_space<vmem>>[vector<16xi32>, vector<16xi32>], vector<16xf32>,
          %eq3A_169 = arith.constant 25 : i32
          %eq3A_170 = arith.cmpi eq, %select_n3A_151, %eq3A_169 : i32
          %add3A_171 = arith.constant 1 : i32
          %add3A_172 = arith.addi %select_n3A, %add3A_171 : i32
          %select_n3A_173 = arith.select %eq3A_170, %add3A_172, %select_n3A : i32
          %add3A_174 = arith.constant 2 : i32
          %add3A_175 = arith.addi %select_n3A, %add3A_174 : i32
          %add3A_176 = arith.constant 1 : i32
          %add3A_177 = arith.addi %select_n3A_151, %add3A_176 : i32
          %select_n3A_178 = arith.select %eq3A_170, %add3A_175, %add3A_177 : i32
          %scan3A_179 = arith.constant 2 : i32
          %scan3A_180 = arith.addi %scan3A_127, %scan3A_179 : i32
          %add3A_181 = arith.addi %mul3A_118, %select_n3A_173 : i32
          %get3A_182 = arith.index_cast %add3A_181 : i32 to index
          %get3A_183 = arith.index_cast %select_n3A_178 : i32 to index
          %get3A_184 = arith.constant 0 : index
          %get3A_185 = tpu.vector_load %arg6[%get3A_182, %get3A_183, %get3A_184] {strides = array<i32>} : memref<104x26x16xf32, #tpu.memory_space<vmem>>, vector<16xf32>,
          %add3A_186 = arith.addi %mul3A_118, %select_n3A_178 : i32
          %get3A_187 = arith.index_cast %add3A_186 : i32 to index
          %get3A_188 = arith.index_cast %select_n3A_173 : i32 to index
          %get3A_189 = arith.constant 0 : index
          %get3A_190 = tpu.vector_load %arg6[%get3A_187, %get3A_188, %get3A_189] {strides = array<i32>} : memref<104x26x16xf32, #tpu.memory_space<vmem>>, vector<16xf32>,
          %mul3A_191 = arith.constant 16 : i32
          %mul3A_192 = arith.muli %scan3A_180, %mul3A_191 : i32
          %add3A_193 = vector.broadcast %mul3A_192 : i32 to vector<16xi32>
          %add3A_194 = arith.addi %iota3A, %add3A_193 : vector<16xi32>
          %mul3A_195 = arith.mulf %get3A_185, %get3A_190 : vector<16xf32>
          tpu.vector_store_idx %arg7[%add3A_194, %broadcast_in_dim3A], %mul3A_195 : memref<5200x16xf32, #tpu.memory_space<vmem>>[vector<16xi32>, vector<16xi32>], vector<16xf32>,
          %eq3A_196 = arith.constant 25 : i32
          %eq3A_197 = arith.cmpi eq, %select_n3A_178, %eq3A_196 : i32
          %add3A_198 = arith.constant 1 : i32
          %add3A_199 = arith.addi %select_n3A_173, %add3A_198 : i32
          %select_n3A_200 = arith.select %eq3A_197, %add3A_199, %select_n3A_173 : i32
          %add3A_201 = arith.constant 2 : i32
          %add3A_202 = arith.addi %select_n3A_173, %add3A_201 : i32
          %add3A_203 = arith.constant 1 : i32
          %add3A_204 = arith.addi %select_n3A_178, %add3A_203 : i32
          %select_n3A_205 = arith.select %eq3A_197, %add3A_202, %add3A_204 : i32
          %scan3A_206 = arith.constant 3 : i32
          %scan3A_207 = arith.addi %scan3A_127, %scan3A_206 : i32
          %add3A_208 = arith.addi %mul3A_118, %select_n3A_200 : i32
          %get3A_209 = arith.index_cast %add3A_208 : i32 to index
          %get3A_210 = arith.index_cast %select_n3A_205 : i32 to index
          %get3A_211 = arith.constant 0 : index
          %get3A_212 = tpu.vector_load %arg6[%get3A_209, %get3A_210, %get3A_211] {strides = array<i32>} : memref<104x26x16xf32, #tpu.memory_space<vmem>>, vector<16xf32>,
          %add3A_213 = arith.addi %mul3A_118, %select_n3A_205 : i32
          %get3A_214 = arith.index_cast %add3A_213 : i32 to index
          %get3A_215 = arith.index_cast %select_n3A_200 : i32 to index
          %get3A_216 = arith.constant 0 : index
          %get3A_217 = tpu.vector_load %arg6[%get3A_214, %get3A_215, %get3A_216] {strides = array<i32>} : memref<104x26x16xf32, #tpu.memory_space<vmem>>, vector<16xf32>,
          %mul3A_218 = arith.constant 16 : i32
          %mul3A_219 = arith.muli %scan3A_207, %mul3A_218 : i32
          %add3A_220 = vector.broadcast %mul3A_219 : i32 to vector<16xi32>
          %add3A_221 = arith.addi %iota3A, %add3A_220 : vector<16xi32>
          %mul3A_222 = arith.mulf %get3A_212, %get3A_217 : vector<16xf32>
          tpu.vector_store_idx %arg7[%add3A_221, %broadcast_in_dim3A], %mul3A_222 : memref<5200x16xf32, #tpu.memory_space<vmem>>[vector<16xi32>, vector<16xi32>], vector<16xf32>,
          %eq3A_223 = arith.constant 25 : i32
          %eq3A_224 = arith.cmpi eq, %select_n3A_205, %eq3A_223 : i32
          %add3A_225 = arith.constant 1 : i32
          %add3A_226 = arith.addi %select_n3A_200, %add3A_225 : i32
          %select_n3A_227 = arith.select %eq3A_224, %add3A_226, %select_n3A_200 : i32
          %add3A_228 = arith.constant 2 : i32
          %add3A_229 = arith.addi %select_n3A_200, %add3A_228 : i32
          %add3A_230 = arith.constant 1 : i32
          %add3A_231 = arith.addi %select_n3A_205, %add3A_230 : i32
          %select_n3A_232 = arith.select %eq3A_224, %add3A_229, %add3A_231 : i32
          %scan3A_233 = arith.constant 4 : i32
          %scan3A_234 = arith.addi %scan3A_127, %scan3A_233 : i32
          %add3A_235 = arith.addi %mul3A_118, %select_n3A_227 : i32
          %get3A_236 = arith.index_cast %add3A_235 : i32 to index
          %get3A_237 = arith.index_cast %select_n3A_232 : i32 to index
          %get3A_238 = arith.constant 0 : index
          %get3A_239 = tpu.vector_load %arg6[%get3A_236, %get3A_237, %get3A_238] {strides = array<i32>} : memref<104x26x16xf32, #tpu.memory_space<vmem>>, vector<16xf32>,
          %add3A_240 = arith.addi %mul3A_118, %select_n3A_232 : i32
          %get3A_241 = arith.index_cast %add3A_240 : i32 to index
          %get3A_242 = arith.index_cast %select_n3A_227 : i32 to index
          %get3A_243 = arith.constant 0 : index
          %get3A_244 = tpu.vector_load %arg6[%get3A_241, %get3A_242, %get3A_243] {strides = array<i32>} : memref<104x26x16xf32, #tpu.memory_space<vmem>>, vector<16xf32>,
          %mul3A_245 = arith.constant 16 : i32
          %mul3A_246 = arith.muli %scan3A_234, %mul3A_245 : i32
          %add3A_247 = vector.broadcast %mul3A_246 : i32 to vector<16xi32>
          %add3A_248 = arith.addi %iota3A, %add3A_247 : vector<16xi32>
          %mul3A_249 = arith.mulf %get3A_239, %get3A_244 : vector<16xf32>
          tpu.vector_store_idx %arg7[%add3A_248, %broadcast_in_dim3A], %mul3A_249 : memref<5200x16xf32, #tpu.memory_space<vmem>>[vector<16xi32>, vector<16xi32>], vector<16xf32>,
          %eq3A_250 = arith.constant 25 : i32
          %eq3A_251 = arith.cmpi eq, %select_n3A_232, %eq3A_250 : i32
          %add3A_252 = arith.constant 1 : i32
          %add3A_253 = arith.addi %select_n3A_227, %add3A_252 : i32
          %select_n3A_254 = arith.select %eq3A_251, %add3A_253, %select_n3A_227 : i32
          %add3A_255 = arith.constant 2 : i32
          %add3A_256 = arith.addi %select_n3A_227, %add3A_255 : i32
          %add3A_257 = arith.constant 1 : i32
          %add3A_258 = arith.addi %select_n3A_232, %add3A_257 : i32
          %select_n3A_259 = arith.select %eq3A_251, %add3A_256, %add3A_258 : i32
          scf.yield %select_n3A_254, %select_n3A_259 : i32, i32
        }
        %scan3A_126 = arith.constant 325 : i32
      }
      %scan3A_60 = arith.constant 4 : i32
      %mul3A_61 = arith.constant 4 : i32
      %mul3A_62 = arith.muli %scan3A_13, %mul3A_61 : i32
      %add3A_63 = arith.constant 2 : i32
      %add3A_64 = arith.addi %mul3A_62, %add3A_63 : i32
      %mul3A_65 = arith.constant 4 : i32
      %mul3A_66 = arith.muli %add3A_64, %mul3A_65 : i32
      %add3A_67 = arith.addi %mul3A_2, %mul3A_66 : i32
      %mul3A_68 = arith.constant 26 : i32
      %mul3A_69 = arith.muli %add3A_67, %mul3A_68 : i32
      "tpu.region"() ({
        %run_scoped3A = tpu.sem_alloc : memref<!tpu.dma_semaphore, #tpu.memory_space<semaphore_mem>>
        %dma_start3A_114 = tpu.memref_slice %arg2[%mul3A_69] : memref<106496xi32, #tpu.memory_space<hbm>> -> memref<104xi32, #tpu.memory_space<hbm>>
        %dma_start3A_115 = tpu.memref_slice %arg2[%mul3A_69] : memref<106496xi32, #tpu.memory_space<hbm>> -> memref<104xi32, #tpu.memory_space<hbm>>
        tpu.enqueue_dma source(%dma_start3A_115 : memref<104xi32, #tpu.memory_space<hbm>>) target(%arg5 : memref<104xi32, #tpu.memory_space<vmem>>) target_semaphore(%run_scoped3A : memref<!tpu.dma_semaphore, #tpu.memory_space<semaphore_mem>>)
        %dma_wait3A_116 = tpu.memref_slice %arg2[%mul3A_69] : memref<106496xi32, #tpu.memory_space<hbm>> -> memref<104xi32, #tpu.memory_space<hbm>>
        %dma_wait3A_117 = tpu.memref_slice %arg2[%mul3A_69] : memref<106496xi32, #tpu.memory_space<hbm>> -> memref<104xi32, #tpu.memory_space<hbm>>
        tpu.wait_dma2 semaphore(%run_scoped3A : memref<!tpu.dma_semaphore, #tpu.memory_space<semaphore_mem>>) src(%dma_wait3A_117 : memref<104xi32, #tpu.memory_space<hbm>>) dst(%arg5 : memref<104xi32, #tpu.memory_space<vmem>>)
        tpu.yield
      }) : () -> ()
      %dma_start3A_70 = arith.constant 0 : i32
      %dma_start3A_71 = arith.constant 0 : i32
      %dma_start3A_72 = arith.constant 0 : i32
      %dma_start3A_73 = tpu.memref_slice %arg3[%dma_start3A_70, %dma_start3A_71, %dma_start3A_72] : memref<100000x26x16xf32, #tpu.memory_space<hbm>> -> memref<100000x26x16xf32, #tpu.memory_space<hbm>>
      tpu.enqueue_indirect_dma source(%dma_start3A_73 : memref<100000x26x16xf32, #tpu.memory_space<hbm>>) target(%arg6 : memref<104x26x16xf32, #tpu.memory_space<vmem>>) offsets(%arg5 : memref<104xi32, #tpu.memory_space<vmem>>) semaphore(%arg8 : memref<!tpu.dma_semaphore, #tpu.memory_space<semaphore_mem>>)
      %dma_wait3A_74 = arith.constant 0 : i32
      %dma_wait3A_75 = arith.constant 0 : i32
      %dma_wait3A_76 = arith.constant 0 : i32
      %dma_wait3A_77 = tpu.memref_slice %arg3[%dma_wait3A_74, %dma_wait3A_75, %dma_wait3A_76] : memref<100000x26x16xf32, #tpu.memory_space<hbm>> -> memref<100000x26x16xf32, #tpu.memory_space<hbm>>
      tpu.wait_indirect_dma semaphore(%arg8 : memref<!tpu.dma_semaphore, #tpu.memory_space<semaphore_mem>>) src(%dma_wait3A_77 : memref<100000x26x16xf32, #tpu.memory_space<hbm>>) dst(%arg6 : memref<104x26x16xf32, #tpu.memory_space<vmem>>)
      %scan3A_78 = arith.constant 0 : i32
      %scan3A_79 = arith.constant 0 : i32
      %scan3A_80 = arith.constant 4 : i32
      %scan3A_81 = arith.addi %scan3A_79, %scan3A_80 : i32
      %scan3A_82 = arith.constant 1 : i32
      scf.for %scan3A_114 = %scan3A_79 to %scan3A_81 step %scan3A_82  : i32 {
        %add3A_115 = arith.constant 8 : i32
        %add3A_116 = arith.addi %add3A_115, %scan3A_114 : i32
        %broadcast_in_dim3A = vector.broadcast %add3A_116 : i32 to vector<16xi32>
        %mul3A_117 = arith.constant 26 : i32
        %mul3A_118 = arith.muli %scan3A_114, %mul3A_117 : i32
        %scan3A_119 = arith.constant 0 : i32
        %scan3A_120 = arith.constant 1 : i32
        %scan3A_121 = arith.constant 0 : i32
        %scan3A_122 = arith.constant 325 : i32
        %scan3A_123 = arith.addi %scan3A_121, %scan3A_122 : i32
        %scan3A_124 = arith.constant 5 : i32
        %scan3A_125:2 = scf.for %scan3A_127 = %scan3A_121 to %scan3A_123 step %scan3A_124 iter_args(%scan3A_128 = %scan3A_119, %scan3A_129 = %scan3A_120) -> (i32, i32)  : i32 {
          %add3A_130 = arith.addi %mul3A_118, %scan3A_128 : i32
          %get3A = arith.index_cast %add3A_130 : i32 to index
          %get3A_131 = arith.index_cast %scan3A_129 : i32 to index
          %get3A_132 = arith.constant 0 : index
          %get3A_133 = tpu.vector_load %arg6[%get3A, %get3A_131, %get3A_132] {strides = array<i32>} : memref<104x26x16xf32, #tpu.memory_space<vmem>>, vector<16xf32>,
          %add3A_134 = arith.addi %mul3A_118, %scan3A_129 : i32
          %get3A_135 = arith.index_cast %add3A_134 : i32 to index
          %get3A_136 = arith.index_cast %scan3A_128 : i32 to index
          %get3A_137 = arith.constant 0 : index
          %get3A_138 = tpu.vector_load %arg6[%get3A_135, %get3A_136, %get3A_137] {strides = array<i32>} : memref<104x26x16xf32, #tpu.memory_space<vmem>>, vector<16xf32>,
          %mul3A_139 = arith.constant 16 : i32
          %mul3A_140 = arith.muli %scan3A_127, %mul3A_139 : i32
          %add3A_141 = vector.broadcast %mul3A_140 : i32 to vector<16xi32>
          %add3A_142 = arith.addi %iota3A, %add3A_141 : vector<16xi32>
          %mul3A_143 = arith.mulf %get3A_133, %get3A_138 : vector<16xf32>
          tpu.vector_store_idx %arg7[%add3A_142, %broadcast_in_dim3A], %mul3A_143 : memref<5200x16xf32, #tpu.memory_space<vmem>>[vector<16xi32>, vector<16xi32>], vector<16xf32>,
          %eq3A = arith.constant 25 : i32
          %eq3A_144 = arith.cmpi eq, %scan3A_129, %eq3A : i32
          %add3A_145 = arith.constant 1 : i32
          %add3A_146 = arith.addi %scan3A_128, %add3A_145 : i32
          %select_n3A = arith.select %eq3A_144, %add3A_146, %scan3A_128 : i32
          %add3A_147 = arith.constant 2 : i32
          %add3A_148 = arith.addi %scan3A_128, %add3A_147 : i32
          %add3A_149 = arith.constant 1 : i32
          %add3A_150 = arith.addi %scan3A_129, %add3A_149 : i32
          %select_n3A_151 = arith.select %eq3A_144, %add3A_148, %add3A_150 : i32
          %scan3A_152 = arith.constant 1 : i32
          %scan3A_153 = arith.addi %scan3A_127, %scan3A_152 : i32
          %add3A_154 = arith.addi %mul3A_118, %select_n3A : i32
          %get3A_155 = arith.index_cast %add3A_154 : i32 to index
          %get3A_156 = arith.index_cast %select_n3A_151 : i32 to index
          %get3A_157 = arith.constant 0 : index
          %get3A_158 = tpu.vector_load %arg6[%get3A_155, %get3A_156, %get3A_157] {strides = array<i32>} : memref<104x26x16xf32, #tpu.memory_space<vmem>>, vector<16xf32>,
          %add3A_159 = arith.addi %mul3A_118, %select_n3A_151 : i32
          %get3A_160 = arith.index_cast %add3A_159 : i32 to index
          %get3A_161 = arith.index_cast %select_n3A : i32 to index
          %get3A_162 = arith.constant 0 : index
          %get3A_163 = tpu.vector_load %arg6[%get3A_160, %get3A_161, %get3A_162] {strides = array<i32>} : memref<104x26x16xf32, #tpu.memory_space<vmem>>, vector<16xf32>,
          %mul3A_164 = arith.constant 16 : i32
          %mul3A_165 = arith.muli %scan3A_153, %mul3A_164 : i32
          %add3A_166 = vector.broadcast %mul3A_165 : i32 to vector<16xi32>
          %add3A_167 = arith.addi %iota3A, %add3A_166 : vector<16xi32>
          %mul3A_168 = arith.mulf %get3A_158, %get3A_163 : vector<16xf32>
          tpu.vector_store_idx %arg7[%add3A_167, %broadcast_in_dim3A], %mul3A_168 : memref<5200x16xf32, #tpu.memory_space<vmem>>[vector<16xi32>, vector<16xi32>], vector<16xf32>,
          %eq3A_169 = arith.constant 25 : i32
          %eq3A_170 = arith.cmpi eq, %select_n3A_151, %eq3A_169 : i32
          %add3A_171 = arith.constant 1 : i32
          %add3A_172 = arith.addi %select_n3A, %add3A_171 : i32
          %select_n3A_173 = arith.select %eq3A_170, %add3A_172, %select_n3A : i32
          %add3A_174 = arith.constant 2 : i32
          %add3A_175 = arith.addi %select_n3A, %add3A_174 : i32
          %add3A_176 = arith.constant 1 : i32
          %add3A_177 = arith.addi %select_n3A_151, %add3A_176 : i32
          %select_n3A_178 = arith.select %eq3A_170, %add3A_175, %add3A_177 : i32
          %scan3A_179 = arith.constant 2 : i32
          %scan3A_180 = arith.addi %scan3A_127, %scan3A_179 : i32
          %add3A_181 = arith.addi %mul3A_118, %select_n3A_173 : i32
          %get3A_182 = arith.index_cast %add3A_181 : i32 to index
          %get3A_183 = arith.index_cast %select_n3A_178 : i32 to index
          %get3A_184 = arith.constant 0 : index
          %get3A_185 = tpu.vector_load %arg6[%get3A_182, %get3A_183, %get3A_184] {strides = array<i32>} : memref<104x26x16xf32, #tpu.memory_space<vmem>>, vector<16xf32>,
          %add3A_186 = arith.addi %mul3A_118, %select_n3A_178 : i32
          %get3A_187 = arith.index_cast %add3A_186 : i32 to index
          %get3A_188 = arith.index_cast %select_n3A_173 : i32 to index
          %get3A_189 = arith.constant 0 : index
          %get3A_190 = tpu.vector_load %arg6[%get3A_187, %get3A_188, %get3A_189] {strides = array<i32>} : memref<104x26x16xf32, #tpu.memory_space<vmem>>, vector<16xf32>,
          %mul3A_191 = arith.constant 16 : i32
          %mul3A_192 = arith.muli %scan3A_180, %mul3A_191 : i32
          %add3A_193 = vector.broadcast %mul3A_192 : i32 to vector<16xi32>
          %add3A_194 = arith.addi %iota3A, %add3A_193 : vector<16xi32>
          %mul3A_195 = arith.mulf %get3A_185, %get3A_190 : vector<16xf32>
          tpu.vector_store_idx %arg7[%add3A_194, %broadcast_in_dim3A], %mul3A_195 : memref<5200x16xf32, #tpu.memory_space<vmem>>[vector<16xi32>, vector<16xi32>], vector<16xf32>,
          %eq3A_196 = arith.constant 25 : i32
          %eq3A_197 = arith.cmpi eq, %select_n3A_178, %eq3A_196 : i32
          %add3A_198 = arith.constant 1 : i32
          %add3A_199 = arith.addi %select_n3A_173, %add3A_198 : i32
          %select_n3A_200 = arith.select %eq3A_197, %add3A_199, %select_n3A_173 : i32
          %add3A_201 = arith.constant 2 : i32
          %add3A_202 = arith.addi %select_n3A_173, %add3A_201 : i32
          %add3A_203 = arith.constant 1 : i32
          %add3A_204 = arith.addi %select_n3A_178, %add3A_203 : i32
          %select_n3A_205 = arith.select %eq3A_197, %add3A_202, %add3A_204 : i32
          %scan3A_206 = arith.constant 3 : i32
          %scan3A_207 = arith.addi %scan3A_127, %scan3A_206 : i32
          %add3A_208 = arith.addi %mul3A_118, %select_n3A_200 : i32
          %get3A_209 = arith.index_cast %add3A_208 : i32 to index
          %get3A_210 = arith.index_cast %select_n3A_205 : i32 to index
          %get3A_211 = arith.constant 0 : index
          %get3A_212 = tpu.vector_load %arg6[%get3A_209, %get3A_210, %get3A_211] {strides = array<i32>} : memref<104x26x16xf32, #tpu.memory_space<vmem>>, vector<16xf32>,
          %add3A_213 = arith.addi %mul3A_118, %select_n3A_205 : i32
          %get3A_214 = arith.index_cast %add3A_213 : i32 to index
          %get3A_215 = arith.index_cast %select_n3A_200 : i32 to index
          %get3A_216 = arith.constant 0 : index
          %get3A_217 = tpu.vector_load %arg6[%get3A_214, %get3A_215, %get3A_216] {strides = array<i32>} : memref<104x26x16xf32, #tpu.memory_space<vmem>>, vector<16xf32>,
          %mul3A_218 = arith.constant 16 : i32
          %mul3A_219 = arith.muli %scan3A_207, %mul3A_218 : i32
          %add3A_220 = vector.broadcast %mul3A_219 : i32 to vector<16xi32>
          %add3A_221 = arith.addi %iota3A, %add3A_220 : vector<16xi32>
          %mul3A_222 = arith.mulf %get3A_212, %get3A_217 : vector<16xf32>
          tpu.vector_store_idx %arg7[%add3A_221, %broadcast_in_dim3A], %mul3A_222 : memref<5200x16xf32, #tpu.memory_space<vmem>>[vector<16xi32>, vector<16xi32>], vector<16xf32>,
          %eq3A_223 = arith.constant 25 : i32
          %eq3A_224 = arith.cmpi eq, %select_n3A_205, %eq3A_223 : i32
          %add3A_225 = arith.constant 1 : i32
          %add3A_226 = arith.addi %select_n3A_200, %add3A_225 : i32
          %select_n3A_227 = arith.select %eq3A_224, %add3A_226, %select_n3A_200 : i32
          %add3A_228 = arith.constant 2 : i32
          %add3A_229 = arith.addi %select_n3A_200, %add3A_228 : i32
          %add3A_230 = arith.constant 1 : i32
          %add3A_231 = arith.addi %select_n3A_205, %add3A_230 : i32
          %select_n3A_232 = arith.select %eq3A_224, %add3A_229, %add3A_231 : i32
          %scan3A_233 = arith.constant 4 : i32
          %scan3A_234 = arith.addi %scan3A_127, %scan3A_233 : i32
          %add3A_235 = arith.addi %mul3A_118, %select_n3A_227 : i32
          %get3A_236 = arith.index_cast %add3A_235 : i32 to index
          %get3A_237 = arith.index_cast %select_n3A_232 : i32 to index
          %get3A_238 = arith.constant 0 : index
          %get3A_239 = tpu.vector_load %arg6[%get3A_236, %get3A_237, %get3A_238] {strides = array<i32>} : memref<104x26x16xf32, #tpu.memory_space<vmem>>, vector<16xf32>,
          %add3A_240 = arith.addi %mul3A_118, %select_n3A_232 : i32
          %get3A_241 = arith.index_cast %add3A_240 : i32 to index
          %get3A_242 = arith.index_cast %select_n3A_227 : i32 to index
          %get3A_243 = arith.constant 0 : index
          %get3A_244 = tpu.vector_load %arg6[%get3A_241, %get3A_242, %get3A_243] {strides = array<i32>} : memref<104x26x16xf32, #tpu.memory_space<vmem>>, vector<16xf32>,
          %mul3A_245 = arith.constant 16 : i32
          %mul3A_246 = arith.muli %scan3A_234, %mul3A_245 : i32
          %add3A_247 = vector.broadcast %mul3A_246 : i32 to vector<16xi32>
          %add3A_248 = arith.addi %iota3A, %add3A_247 : vector<16xi32>
          %mul3A_249 = arith.mulf %get3A_239, %get3A_244 : vector<16xf32>
          tpu.vector_store_idx %arg7[%add3A_248, %broadcast_in_dim3A], %mul3A_249 : memref<5200x16xf32, #tpu.memory_space<vmem>>[vector<16xi32>, vector<16xi32>], vector<16xf32>,
          %eq3A_250 = arith.constant 25 : i32
          %eq3A_251 = arith.cmpi eq, %select_n3A_232, %eq3A_250 : i32
          %add3A_252 = arith.constant 1 : i32
          %add3A_253 = arith.addi %select_n3A_227, %add3A_252 : i32
          %select_n3A_254 = arith.select %eq3A_251, %add3A_253, %select_n3A_227 : i32
          %add3A_255 = arith.constant 2 : i32
          %add3A_256 = arith.addi %select_n3A_227, %add3A_255 : i32
          %add3A_257 = arith.constant 1 : i32
          %add3A_258 = arith.addi %select_n3A_232, %add3A_257 : i32
          %select_n3A_259 = arith.select %eq3A_251, %add3A_256, %add3A_258 : i32
          scf.yield %select_n3A_254, %select_n3A_259 : i32, i32
        }
        %scan3A_126 = arith.constant 325 : i32
      }
      %scan3A_83 = arith.constant 4 : i32
      %mul3A_84 = arith.constant 4 : i32
      %mul3A_85 = arith.muli %scan3A_13, %mul3A_84 : i32
      %add3A_86 = arith.constant 3 : i32
      %add3A_87 = arith.addi %mul3A_85, %add3A_86 : i32
      %mul3A_88 = arith.constant 4 : i32
      %mul3A_89 = arith.muli %add3A_87, %mul3A_88 : i32
      %add3A_90 = arith.addi %mul3A_2, %mul3A_89 : i32
      %mul3A_91 = arith.constant 26 : i32
      %mul3A_92 = arith.muli %add3A_90, %mul3A_91 : i32
      "tpu.region"() ({
        %run_scoped3A = tpu.sem_alloc : memref<!tpu.dma_semaphore, #tpu.memory_space<semaphore_mem>>
        %dma_start3A_114 = tpu.memref_slice %arg2[%mul3A_92] : memref<106496xi32, #tpu.memory_space<hbm>> -> memref<104xi32, #tpu.memory_space<hbm>>
        %dma_start3A_115 = tpu.memref_slice %arg2[%mul3A_92] : memref<106496xi32, #tpu.memory_space<hbm>> -> memref<104xi32, #tpu.memory_space<hbm>>
        tpu.enqueue_dma source(%dma_start3A_115 : memref<104xi32, #tpu.memory_space<hbm>>) target(%arg5 : memref<104xi32, #tpu.memory_space<vmem>>) target_semaphore(%run_scoped3A : memref<!tpu.dma_semaphore, #tpu.memory_space<semaphore_mem>>)
        %dma_wait3A_116 = tpu.memref_slice %arg2[%mul3A_92] : memref<106496xi32, #tpu.memory_space<hbm>> -> memref<104xi32, #tpu.memory_space<hbm>>
        %dma_wait3A_117 = tpu.memref_slice %arg2[%mul3A_92] : memref<106496xi32, #tpu.memory_space<hbm>> -> memref<104xi32, #tpu.memory_space<hbm>>
        tpu.wait_dma2 semaphore(%run_scoped3A : memref<!tpu.dma_semaphore, #tpu.memory_space<semaphore_mem>>) src(%dma_wait3A_117 : memref<104xi32, #tpu.memory_space<hbm>>) dst(%arg5 : memref<104xi32, #tpu.memory_space<vmem>>)
        tpu.yield
      }) : () -> ()
      %dma_start3A_93 = arith.constant 0 : i32
      %dma_start3A_94 = arith.constant 0 : i32
      %dma_start3A_95 = arith.constant 0 : i32
      %dma_start3A_96 = tpu.memref_slice %arg3[%dma_start3A_93, %dma_start3A_94, %dma_start3A_95] : memref<100000x26x16xf32, #tpu.memory_space<hbm>> -> memref<100000x26x16xf32, #tpu.memory_space<hbm>>
      tpu.enqueue_indirect_dma source(%dma_start3A_96 : memref<100000x26x16xf32, #tpu.memory_space<hbm>>) target(%arg6 : memref<104x26x16xf32, #tpu.memory_space<vmem>>) offsets(%arg5 : memref<104xi32, #tpu.memory_space<vmem>>) semaphore(%arg8 : memref<!tpu.dma_semaphore, #tpu.memory_space<semaphore_mem>>)
      %dma_wait3A_97 = arith.constant 0 : i32
      %dma_wait3A_98 = arith.constant 0 : i32
      %dma_wait3A_99 = arith.constant 0 : i32
      %dma_wait3A_100 = tpu.memref_slice %arg3[%dma_wait3A_97, %dma_wait3A_98, %dma_wait3A_99] : memref<100000x26x16xf32, #tpu.memory_space<hbm>> -> memref<100000x26x16xf32, #tpu.memory_space<hbm>>
      tpu.wait_indirect_dma semaphore(%arg8 : memref<!tpu.dma_semaphore, #tpu.memory_space<semaphore_mem>>) src(%dma_wait3A_100 : memref<100000x26x16xf32, #tpu.memory_space<hbm>>) dst(%arg6 : memref<104x26x16xf32, #tpu.memory_space<vmem>>)
      %scan3A_101 = arith.constant 0 : i32
      %scan3A_102 = arith.constant 0 : i32
      %scan3A_103 = arith.constant 4 : i32
      %scan3A_104 = arith.addi %scan3A_102, %scan3A_103 : i32
      %scan3A_105 = arith.constant 1 : i32
      scf.for %scan3A_114 = %scan3A_102 to %scan3A_104 step %scan3A_105  : i32 {
        %add3A_115 = arith.constant 12 : i32
        %add3A_116 = arith.addi %add3A_115, %scan3A_114 : i32
        %broadcast_in_dim3A = vector.broadcast %add3A_116 : i32 to vector<16xi32>
        %mul3A_117 = arith.constant 26 : i32
        %mul3A_118 = arith.muli %scan3A_114, %mul3A_117 : i32
        %scan3A_119 = arith.constant 0 : i32
        %scan3A_120 = arith.constant 1 : i32
        %scan3A_121 = arith.constant 0 : i32
        %scan3A_122 = arith.constant 325 : i32
        %scan3A_123 = arith.addi %scan3A_121, %scan3A_122 : i32
        %scan3A_124 = arith.constant 5 : i32
        %scan3A_125:2 = scf.for %scan3A_127 = %scan3A_121 to %scan3A_123 step %scan3A_124 iter_args(%scan3A_128 = %scan3A_119, %scan3A_129 = %scan3A_120) -> (i32, i32)  : i32 {
          %add3A_130 = arith.addi %mul3A_118, %scan3A_128 : i32
          %get3A = arith.index_cast %add3A_130 : i32 to index
          %get3A_131 = arith.index_cast %scan3A_129 : i32 to index
          %get3A_132 = arith.constant 0 : index
          %get3A_133 = tpu.vector_load %arg6[%get3A, %get3A_131, %get3A_132] {strides = array<i32>} : memref<104x26x16xf32, #tpu.memory_space<vmem>>, vector<16xf32>,
          %add3A_134 = arith.addi %mul3A_118, %scan3A_129 : i32
          %get3A_135 = arith.index_cast %add3A_134 : i32 to index
          %get3A_136 = arith.index_cast %scan3A_128 : i32 to index
          %get3A_137 = arith.constant 0 : index
          %get3A_138 = tpu.vector_load %arg6[%get3A_135, %get3A_136, %get3A_137] {strides = array<i32>} : memref<104x26x16xf32, #tpu.memory_space<vmem>>, vector<16xf32>,
          %mul3A_139 = arith.constant 16 : i32
          %mul3A_140 = arith.muli %scan3A_127, %mul3A_139 : i32
          %add3A_141 = vector.broadcast %mul3A_140 : i32 to vector<16xi32>
          %add3A_142 = arith.addi %iota3A, %add3A_141 : vector<16xi32>
          %mul3A_143 = arith.mulf %get3A_133, %get3A_138 : vector<16xf32>
          tpu.vector_store_idx %arg7[%add3A_142, %broadcast_in_dim3A], %mul3A_143 : memref<5200x16xf32, #tpu.memory_space<vmem>>[vector<16xi32>, vector<16xi32>], vector<16xf32>,
          %eq3A = arith.constant 25 : i32
          %eq3A_144 = arith.cmpi eq, %scan3A_129, %eq3A : i32
          %add3A_145 = arith.constant 1 : i32
          %add3A_146 = arith.addi %scan3A_128, %add3A_145 : i32
          %select_n3A = arith.select %eq3A_144, %add3A_146, %scan3A_128 : i32
          %add3A_147 = arith.constant 2 : i32
          %add3A_148 = arith.addi %scan3A_128, %add3A_147 : i32
          %add3A_149 = arith.constant 1 : i32
          %add3A_150 = arith.addi %scan3A_129, %add3A_149 : i32
          %select_n3A_151 = arith.select %eq3A_144, %add3A_148, %add3A_150 : i32
          %scan3A_152 = arith.constant 1 : i32
          %scan3A_153 = arith.addi %scan3A_127, %scan3A_152 : i32
          %add3A_154 = arith.addi %mul3A_118, %select_n3A : i32
          %get3A_155 = arith.index_cast %add3A_154 : i32 to index
          %get3A_156 = arith.index_cast %select_n3A_151 : i32 to index
          %get3A_157 = arith.constant 0 : index
          %get3A_158 = tpu.vector_load %arg6[%get3A_155, %get3A_156, %get3A_157] {strides = array<i32>} : memref<104x26x16xf32, #tpu.memory_space<vmem>>, vector<16xf32>,
          %add3A_159 = arith.addi %mul3A_118, %select_n3A_151 : i32
          %get3A_160 = arith.index_cast %add3A_159 : i32 to index
          %get3A_161 = arith.index_cast %select_n3A : i32 to index
          %get3A_162 = arith.constant 0 : index
          %get3A_163 = tpu.vector_load %arg6[%get3A_160, %get3A_161, %get3A_162] {strides = array<i32>} : memref<104x26x16xf32, #tpu.memory_space<vmem>>, vector<16xf32>,
          %mul3A_164 = arith.constant 16 : i32
          %mul3A_165 = arith.muli %scan3A_153, %mul3A_164 : i32
          %add3A_166 = vector.broadcast %mul3A_165 : i32 to vector<16xi32>
          %add3A_167 = arith.addi %iota3A, %add3A_166 : vector<16xi32>
          %mul3A_168 = arith.mulf %get3A_158, %get3A_163 : vector<16xf32>
          tpu.vector_store_idx %arg7[%add3A_167, %broadcast_in_dim3A], %mul3A_168 : memref<5200x16xf32, #tpu.memory_space<vmem>>[vector<16xi32>, vector<16xi32>], vector<16xf32>,
          %eq3A_169 = arith.constant 25 : i32
          %eq3A_170 = arith.cmpi eq, %select_n3A_151, %eq3A_169 : i32
          %add3A_171 = arith.constant 1 : i32
          %add3A_172 = arith.addi %select_n3A, %add3A_171 : i32
          %select_n3A_173 = arith.select %eq3A_170, %add3A_172, %select_n3A : i32
          %add3A_174 = arith.constant 2 : i32
          %add3A_175 = arith.addi %select_n3A, %add3A_174 : i32
          %add3A_176 = arith.constant 1 : i32
          %add3A_177 = arith.addi %select_n3A_151, %add3A_176 : i32
          %select_n3A_178 = arith.select %eq3A_170, %add3A_175, %add3A_177 : i32
          %scan3A_179 = arith.constant 2 : i32
          %scan3A_180 = arith.addi %scan3A_127, %scan3A_179 : i32
          %add3A_181 = arith.addi %mul3A_118, %select_n3A_173 : i32
          %get3A_182 = arith.index_cast %add3A_181 : i32 to index
          %get3A_183 = arith.index_cast %select_n3A_178 : i32 to index
          %get3A_184 = arith.constant 0 : index
          %get3A_185 = tpu.vector_load %arg6[%get3A_182, %get3A_183, %get3A_184] {strides = array<i32>} : memref<104x26x16xf32, #tpu.memory_space<vmem>>, vector<16xf32>,
          %add3A_186 = arith.addi %mul3A_118, %select_n3A_178 : i32
          %get3A_187 = arith.index_cast %add3A_186 : i32 to index
          %get3A_188 = arith.index_cast %select_n3A_173 : i32 to index
          %get3A_189 = arith.constant 0 : index
          %get3A_190 = tpu.vector_load %arg6[%get3A_187, %get3A_188, %get3A_189] {strides = array<i32>} : memref<104x26x16xf32, #tpu.memory_space<vmem>>, vector<16xf32>,
          %mul3A_191 = arith.constant 16 : i32
          %mul3A_192 = arith.muli %scan3A_180, %mul3A_191 : i32
          %add3A_193 = vector.broadcast %mul3A_192 : i32 to vector<16xi32>
          %add3A_194 = arith.addi %iota3A, %add3A_193 : vector<16xi32>
          %mul3A_195 = arith.mulf %get3A_185, %get3A_190 : vector<16xf32>
          tpu.vector_store_idx %arg7[%add3A_194, %broadcast_in_dim3A], %mul3A_195 : memref<5200x16xf32, #tpu.memory_space<vmem>>[vector<16xi32>, vector<16xi32>], vector<16xf32>,
          %eq3A_196 = arith.constant 25 : i32
          %eq3A_197 = arith.cmpi eq, %select_n3A_178, %eq3A_196 : i32
          %add3A_198 = arith.constant 1 : i32
          %add3A_199 = arith.addi %select_n3A_173, %add3A_198 : i32
          %select_n3A_200 = arith.select %eq3A_197, %add3A_199, %select_n3A_173 : i32
          %add3A_201 = arith.constant 2 : i32
          %add3A_202 = arith.addi %select_n3A_173, %add3A_201 : i32
          %add3A_203 = arith.constant 1 : i32
          %add3A_204 = arith.addi %select_n3A_178, %add3A_203 : i32
          %select_n3A_205 = arith.select %eq3A_197, %add3A_202, %add3A_204 : i32
          %scan3A_206 = arith.constant 3 : i32
          %scan3A_207 = arith.addi %scan3A_127, %scan3A_206 : i32
          %add3A_208 = arith.addi %mul3A_118, %select_n3A_200 : i32
          %get3A_209 = arith.index_cast %add3A_208 : i32 to index
          %get3A_210 = arith.index_cast %select_n3A_205 : i32 to index
          %get3A_211 = arith.constant 0 : index
          %get3A_212 = tpu.vector_load %arg6[%get3A_209, %get3A_210, %get3A_211] {strides = array<i32>} : memref<104x26x16xf32, #tpu.memory_space<vmem>>, vector<16xf32>,
          %add3A_213 = arith.addi %mul3A_118, %select_n3A_205 : i32
          %get3A_214 = arith.index_cast %add3A_213 : i32 to index
          %get3A_215 = arith.index_cast %select_n3A_200 : i32 to index
          %get3A_216 = arith.constant 0 : index
          %get3A_217 = tpu.vector_load %arg6[%get3A_214, %get3A_215, %get3A_216] {strides = array<i32>} : memref<104x26x16xf32, #tpu.memory_space<vmem>>, vector<16xf32>,
          %mul3A_218 = arith.constant 16 : i32
          %mul3A_219 = arith.muli %scan3A_207, %mul3A_218 : i32
          %add3A_220 = vector.broadcast %mul3A_219 : i32 to vector<16xi32>
          %add3A_221 = arith.addi %iota3A, %add3A_220 : vector<16xi32>
          %mul3A_222 = arith.mulf %get3A_212, %get3A_217 : vector<16xf32>
          tpu.vector_store_idx %arg7[%add3A_221, %broadcast_in_dim3A], %mul3A_222 : memref<5200x16xf32, #tpu.memory_space<vmem>>[vector<16xi32>, vector<16xi32>], vector<16xf32>,
          %eq3A_223 = arith.constant 25 : i32
          %eq3A_224 = arith.cmpi eq, %select_n3A_205, %eq3A_223 : i32
          %add3A_225 = arith.constant 1 : i32
          %add3A_226 = arith.addi %select_n3A_200, %add3A_225 : i32
          %select_n3A_227 = arith.select %eq3A_224, %add3A_226, %select_n3A_200 : i32
          %add3A_228 = arith.constant 2 : i32
          %add3A_229 = arith.addi %select_n3A_200, %add3A_228 : i32
          %add3A_230 = arith.constant 1 : i32
          %add3A_231 = arith.addi %select_n3A_205, %add3A_230 : i32
          %select_n3A_232 = arith.select %eq3A_224, %add3A_229, %add3A_231 : i32
          %scan3A_233 = arith.constant 4 : i32
          %scan3A_234 = arith.addi %scan3A_127, %scan3A_233 : i32
          %add3A_235 = arith.addi %mul3A_118, %select_n3A_227 : i32
          %get3A_236 = arith.index_cast %add3A_235 : i32 to index
          %get3A_237 = arith.index_cast %select_n3A_232 : i32 to index
          %get3A_238 = arith.constant 0 : index
          %get3A_239 = tpu.vector_load %arg6[%get3A_236, %get3A_237, %get3A_238] {strides = array<i32>} : memref<104x26x16xf32, #tpu.memory_space<vmem>>, vector<16xf32>,
          %add3A_240 = arith.addi %mul3A_118, %select_n3A_232 : i32
          %get3A_241 = arith.index_cast %add3A_240 : i32 to index
          %get3A_242 = arith.index_cast %select_n3A_227 : i32 to index
          %get3A_243 = arith.constant 0 : index
          %get3A_244 = tpu.vector_load %arg6[%get3A_241, %get3A_242, %get3A_243] {strides = array<i32>} : memref<104x26x16xf32, #tpu.memory_space<vmem>>, vector<16xf32>,
          %mul3A_245 = arith.constant 16 : i32
          %mul3A_246 = arith.muli %scan3A_234, %mul3A_245 : i32
          %add3A_247 = vector.broadcast %mul3A_246 : i32 to vector<16xi32>
          %add3A_248 = arith.addi %iota3A, %add3A_247 : vector<16xi32>
          %mul3A_249 = arith.mulf %get3A_239, %get3A_244 : vector<16xf32>
          tpu.vector_store_idx %arg7[%add3A_248, %broadcast_in_dim3A], %mul3A_249 : memref<5200x16xf32, #tpu.memory_space<vmem>>[vector<16xi32>, vector<16xi32>], vector<16xf32>,
          %eq3A_250 = arith.constant 25 : i32
          %eq3A_251 = arith.cmpi eq, %select_n3A_232, %eq3A_250 : i32
          %add3A_252 = arith.constant 1 : i32
          %add3A_253 = arith.addi %select_n3A_227, %add3A_252 : i32
          %select_n3A_254 = arith.select %eq3A_251, %add3A_253, %select_n3A_227 : i32
          %add3A_255 = arith.constant 2 : i32
          %add3A_256 = arith.addi %select_n3A_227, %add3A_255 : i32
          %add3A_257 = arith.constant 1 : i32
          %add3A_258 = arith.addi %select_n3A_232, %add3A_257 : i32
          %select_n3A_259 = arith.select %eq3A_251, %add3A_256, %add3A_258 : i32
          scf.yield %select_n3A_254, %select_n3A_259 : i32, i32
        }
        %scan3A_126 = arith.constant 325 : i32
      }
      %scan3A_106 = arith.constant 4 : i32
      %mul3A_107 = arith.constant 16 : i32
      %mul3A_108 = arith.muli %scan3A_13, %mul3A_107 : i32
      %add3A_109 = arith.addi %mul3A_2, %mul3A_108 : i32
      %dma_start3A_110 = arith.constant 0 : i32
      %dma_start3A_111 = tpu.memref_slice %arg4[%dma_start3A_110, %add3A_109] : memref<5200x4096xf32, #tpu.memory_space<hbm>> -> memref<5200x16xf32, #tpu.memory_space<hbm>>
      %dma_start3A_112 = arith.constant 0 : i32
      %dma_start3A_113 = tpu.memref_slice %arg4[%dma_start3A_112, %add3A_109] : memref<5200x4096xf32, #tpu.memory_space<hbm>> -> memref<5200x16xf32, #tpu.memory_space<hbm>>
      tpu.enqueue_dma source(%arg7 : memref<5200x16xf32, #tpu.memory_space<vmem>>) target(%dma_start3A_113 : memref<5200x16xf32, #tpu.memory_space<hbm>>) target_semaphore(%arg9 : memref<!tpu.dma_semaphore, #tpu.memory_space<semaphore_mem>>)
    }
    %scan3A_7 = arith.constant 8 : i32
    %add3A_8 = arith.constant 112 : i32
    %add3A_9 = arith.addi %mul3A_2, %add3A_8 : i32
    %dma_wait3A = arith.constant 0 : i32
    %dma_wait3A_10 = tpu.memref_slice %arg4[%dma_wait3A, %add3A_9] : memref<5200x4096xf32, #tpu.memory_space<hbm>> -> memref<5200x16xf32, #tpu.memory_space<hbm>>
    %dma_wait3A_11 = arith.constant 0 : i32
    %dma_wait3A_12 = tpu.memref_slice %arg4[%dma_wait3A_11, %add3A_9] : memref<5200x4096xf32, #tpu.memory_space<hbm>> -> memref<5200x16xf32, #tpu.memory_space<hbm>>
    tpu.wait_dma2 semaphore(%arg9 : memref<!tpu.dma_semaphore, #tpu.memory_space<semaphore_mem>>) src(%arg7 : memref<5200x16xf32, #tpu.memory_space<vmem>>) dst(%dma_wait3A_12 : memref<5200x16xf32, #tpu.memory_space<hbm>>)
    return
  }
}

#map = affine_map<(d0, d1) -> (0, 0, 0)>
#map1 = affine_map<(d0, d1) -> (0)>
module attributes {stable_mosaic.version = 14 : i64} {
  func.func @_t_body(%arg0: i32, %arg1: i32, %arg2: memref<26x16x100000xf32, #tpu.memory_space<hbm>>, %arg3: memref<41600000xf32, #tpu.memory_space<hbm>>, %arg4: memref<26x16x32xf32, #tpu.memory_space<vmem>>, %arg5: memref<26x16x32xf32, #tpu.memory_space<vmem>>, %arg6: memref<13312xf32, #tpu.memory_space<vmem>>, %arg7: memref<13312xf32, #tpu.memory_space<vmem>>, %arg8: memref<!tpu.dma_semaphore, #tpu.memory_space<semaphore_mem>>, %arg9: memref<!tpu.dma_semaphore, #tpu.memory_space<semaphore_mem>>, %arg10: memref<!tpu.dma_semaphore, #tpu.memory_space<semaphore_mem>>, %arg11: memref<!tpu.dma_semaphore, #tpu.memory_space<semaphore_mem>>) attributes {dimension_semantics = [#tpu.dimension_semantics<core_parallel>, #tpu.dimension_semantics<subcore_parallel>], iteration_bounds = array<i64: 2, 16>, scalar_prefetch = 0 : i64, scratch_operands = 8 : i64, tpu.core_type = #tpu.core_type<sc_vector_subcore>, window_params = [{transform_indices = #map}, {transform_indices = #map1}]} {
    %mul3A = arith.constant 2 : i32
    %mul3A_0 = arith.muli %arg1, %mul3A : i32
    %add3A = arith.addi %mul3A_0, %arg0 : i32
    %iota3A = tpu.iota {dimensions = array<i32: 0>} : vector<16xi32>
    %mul3A_1 = arith.constant 416 : i32
    %mul3A_2 = vector.broadcast %mul3A_1 : i32 to vector<16xi32>
    %mul3A_3 = arith.muli %iota3A, %mul3A_2 : vector<16xi32>
    %add3A_4 = arith.constant 0 : i32
    %add3A_5 = arith.addi %add3A, %add3A_4 : i32
    %mul3A_6 = arith.constant 32 : i32
    %mul3A_7 = arith.muli %add3A_5, %mul3A_6 : i32
    %min3A = arith.constant 99968 : i32
    %min3A_8 = arith.minsi %mul3A_7, %min3A : i32
    %dma_start3A = arith.constant 0 : i32
    %dma_start3A_9 = arith.constant 0 : i32
    %dma_start3A_10 = tpu.memref_slice %arg2[%dma_start3A, %dma_start3A_9, %min3A_8] : memref<26x16x100000xf32, #tpu.memory_space<hbm>> -> memref<26x16x32xf32, #tpu.memory_space<hbm>>
    %dma_start3A_11 = arith.constant 0 : i32
    %dma_start3A_12 = arith.constant 0 : i32
    %dma_start3A_13 = tpu.memref_slice %arg2[%dma_start3A_11, %dma_start3A_12, %min3A_8] : memref<26x16x100000xf32, #tpu.memory_space<hbm>> -> memref<26x16x32xf32, #tpu.memory_space<hbm>>
    tpu.enqueue_dma source(%dma_start3A_13 : memref<26x16x32xf32, #tpu.memory_space<hbm>>) target(%arg4 : memref<26x16x32xf32, #tpu.memory_space<vmem>>) target_semaphore(%arg8 : memref<!tpu.dma_semaphore, #tpu.memory_space<semaphore_mem>>)
    %scan3A = arith.constant 0 : i32
    %scan3A_14 = arith.constant 0 : i32
    %scan3A_15 = arith.constant 49 : i32
    %scan3A_16 = arith.addi %scan3A_14, %scan3A_15 : i32
    %scan3A_17 = arith.constant 1 : i32
    scf.for %scan3A_38 = %scan3A_14 to %scan3A_16 step %scan3A_17  : i32 {
      %mul3A_39 = arith.constant 2 : i32
      %mul3A_40 = arith.muli %scan3A_38, %mul3A_39 : i32
      %add3A_41 = arith.constant 0 : i32
      %add3A_42 = arith.addi %mul3A_40, %add3A_41 : i32
      %add3A_43 = arith.constant 1 : i32
      %add3A_44 = arith.addi %add3A_42, %add3A_43 : i32
      %lt3A = arith.constant 98 : i32
      %lt3A_45 = arith.cmpi slt, %add3A_44, %lt3A : i32
      %convert_element_type3A = arith.extui %lt3A_45 : i1 to i32
      %cond3A = arith.constant 0 : i32
      %cond3A_46 = arith.cmpi ne, %convert_element_type3A, %cond3A : i32
      scf.if %cond3A_46 {
        %add3A_127 = arith.constant 1 : i32
        %add3A_128 = arith.addi %add3A_42, %add3A_127 : i32
        %mul3A_129 = arith.constant 32 : i32
        %mul3A_130 = arith.muli %add3A_128, %mul3A_129 : i32
        %add3A_131 = arith.addi %add3A, %mul3A_130 : i32
        %mul3A_132 = arith.constant 32 : i32
        %mul3A_133 = arith.muli %add3A_131, %mul3A_132 : i32
        %min3A_134 = arith.constant 99968 : i32
        %min3A_135 = arith.minsi %mul3A_133, %min3A_134 : i32
        %dma_start3A_136 = arith.constant 0 : i32
        %dma_start3A_137 = arith.constant 0 : i32
        %dma_start3A_138 = tpu.memref_slice %arg2[%dma_start3A_136, %dma_start3A_137, %min3A_135] : memref<26x16x100000xf32, #tpu.memory_space<hbm>> -> memref<26x16x32xf32, #tpu.memory_space<hbm>>
        %dma_start3A_139 = arith.constant 0 : i32
        %dma_start3A_140 = arith.constant 0 : i32
        %dma_start3A_141 = tpu.memref_slice %arg2[%dma_start3A_139, %dma_start3A_140, %min3A_135] : memref<26x16x100000xf32, #tpu.memory_space<hbm>> -> memref<26x16x32xf32, #tpu.memory_space<hbm>>
        tpu.enqueue_dma source(%dma_start3A_141 : memref<26x16x32xf32, #tpu.memory_space<hbm>>) target(%arg5 : memref<26x16x32xf32, #tpu.memory_space<vmem>>) target_semaphore(%arg9 : memref<!tpu.dma_semaphore, #tpu.memory_space<semaphore_mem>>)
      } else {
      }
      %mul3A_47 = arith.constant 32 : i32
      %mul3A_48 = arith.muli %add3A_42, %mul3A_47 : i32
      %add3A_49 = arith.addi %add3A, %mul3A_48 : i32
      %mul3A_50 = arith.constant 32 : i32
      %mul3A_51 = arith.muli %add3A_49, %mul3A_50 : i32
      %min3A_52 = arith.constant 99968 : i32
      %min3A_53 = arith.minsi %mul3A_51, %min3A_52 : i32
      %dma_wait3A_54 = arith.constant 0 : i32
      %dma_wait3A_55 = arith.constant 0 : i32
      %dma_wait3A_56 = tpu.memref_slice %arg2[%dma_wait3A_54, %dma_wait3A_55, %min3A_53] : memref<26x16x100000xf32, #tpu.memory_space<hbm>> -> memref<26x16x32xf32, #tpu.memory_space<hbm>>
      %dma_wait3A_57 = arith.constant 0 : i32
      %dma_wait3A_58 = arith.constant 0 : i32
      %dma_wait3A_59 = tpu.memref_slice %arg2[%dma_wait3A_57, %dma_wait3A_58, %min3A_53] : memref<26x16x100000xf32, #tpu.memory_space<hbm>> -> memref<26x16x32xf32, #tpu.memory_space<hbm>>
      tpu.wait_dma2 semaphore(%arg8 : memref<!tpu.dma_semaphore, #tpu.memory_space<semaphore_mem>>) src(%dma_wait3A_59 : memref<26x16x32xf32, #tpu.memory_space<hbm>>) dst(%arg4 : memref<26x16x32xf32, #tpu.memory_space<vmem>>)
      %ge3A = arith.constant 2 : i32
      %ge3A_60 = arith.cmpi sge, %add3A_42, %ge3A : i32
      %convert_element_type3A_61 = arith.extui %ge3A_60 : i1 to i32
      %cond3A_62 = arith.constant 0 : i32
      %cond3A_63 = arith.cmpi ne, %convert_element_type3A_61, %cond3A_62 : i32
      scf.if %cond3A_63 {
        %sub3A = arith.constant 2 : i32
        %sub3A_127 = arith.subi %add3A_42, %sub3A : i32
        %mul3A_128 = arith.constant 32 : i32
        %mul3A_129 = arith.muli %sub3A_127, %mul3A_128 : i32
        %add3A_130 = arith.addi %add3A, %mul3A_129 : i32
        %mul3A_131 = arith.constant 32 : i32
        %mul3A_132 = arith.muli %add3A_130, %mul3A_131 : i32
        %min3A_133 = arith.constant 99968 : i32
        %min3A_134 = arith.minsi %mul3A_132, %min3A_133 : i32
        %mul3A_135 = arith.constant 416 : i32
        %mul3A_136 = arith.muli %min3A_134, %mul3A_135 : i32
        %dma_wait3A_137 = tpu.memref_slice %arg3[%mul3A_136] : memref<41600000xf32, #tpu.memory_space<hbm>> -> memref<13312xf32, #tpu.memory_space<hbm>>
        %dma_wait3A_138 = tpu.memref_slice %arg3[%mul3A_136] : memref<41600000xf32, #tpu.memory_space<hbm>> -> memref<13312xf32, #tpu.memory_space<hbm>>
        tpu.wait_dma2 semaphore(%arg10 : memref<!tpu.dma_semaphore, #tpu.memory_space<semaphore_mem>>) src(%arg6 : memref<13312xf32, #tpu.memory_space<vmem>>) dst(%dma_wait3A_138 : memref<13312xf32, #tpu.memory_space<hbm>>)
      } else {
      }
      %scan3A_64 = arith.constant 0 : i32
      %scan3A_65 = arith.constant 0 : i32
      %scan3A_66 = arith.constant 26 : i32
      %scan3A_67 = arith.addi %scan3A_65, %scan3A_66 : i32
      %scan3A_68 = arith.constant 1 : i32
      scf.for %scan3A_127 = %scan3A_65 to %scan3A_67 step %scan3A_68  : i32 {
        %mul3A_128 = arith.constant 16 : i32
        %mul3A_129 = arith.muli %scan3A_127, %mul3A_128 : i32
        %get3A = arith.constant 0 : i32
        %get3A_130 = arith.index_cast %scan3A_127 : i32 to index
        %get3A_131 = arith.index_cast %get3A : i32 to index
        %get3A_132 = arith.constant 0 : index
        %get3A_133 = tpu.vector_load %arg4[%get3A_130, %get3A_131, %get3A_132] {strides = array<i32>} : memref<26x16x32xf32, #tpu.memory_space<vmem>>, vector<16xf32>,
        %add3A_134 = arith.constant 0 : i32
        %add3A_135 = arith.addi %mul3A_129, %add3A_134 : i32
        %add3A_136 = vector.broadcast %add3A_135 : i32 to vector<16xi32>
        %add3A_137 = arith.addi %mul3A_3, %add3A_136 : vector<16xi32>
        tpu.vector_store_idx %arg6[%add3A_137], %get3A_133 : memref<13312xf32, #tpu.memory_space<vmem>>[vector<16xi32>], vector<16xf32>,
        %get3A_138 = arith.constant 0 : i32
        %get3A_139 = arith.index_cast %scan3A_127 : i32 to index
        %get3A_140 = arith.index_cast %get3A_138 : i32 to index
        %get3A_141 = arith.constant 16 : index
        %get3A_142 = tpu.vector_load %arg4[%get3A_139, %get3A_140, %get3A_141] {strides = array<i32>} : memref<26x16x32xf32, #tpu.memory_space<vmem>>, vector<16xf32>,
        %add3A_143 = arith.constant 6656 : i32
        %add3A_144 = arith.addi %mul3A_129, %add3A_143 : i32
        %add3A_145 = vector.broadcast %add3A_144 : i32 to vector<16xi32>
        %add3A_146 = arith.addi %mul3A_3, %add3A_145 : vector<16xi32>
        tpu.vector_store_idx %arg6[%add3A_146], %get3A_142 : memref<13312xf32, #tpu.memory_space<vmem>>[vector<16xi32>], vector<16xf32>,
        %get3A_147 = arith.constant 1 : i32
        %get3A_148 = arith.index_cast %scan3A_127 : i32 to index
        %get3A_149 = arith.index_cast %get3A_147 : i32 to index
        %get3A_150 = arith.constant 0 : index
        %get3A_151 = tpu.vector_load %arg4[%get3A_148, %get3A_149, %get3A_150] {strides = array<i32>} : memref<26x16x32xf32, #tpu.memory_space<vmem>>, vector<16xf32>,
        %add3A_152 = arith.constant 1 : i32
        %add3A_153 = arith.addi %mul3A_129, %add3A_152 : i32
        %add3A_154 = vector.broadcast %add3A_153 : i32 to vector<16xi32>
        %add3A_155 = arith.addi %mul3A_3, %add3A_154 : vector<16xi32>
        tpu.vector_store_idx %arg6[%add3A_155], %get3A_151 : memref<13312xf32, #tpu.memory_space<vmem>>[vector<16xi32>], vector<16xf32>,
        %get3A_156 = arith.constant 1 : i32
        %get3A_157 = arith.index_cast %scan3A_127 : i32 to index
        %get3A_158 = arith.index_cast %get3A_156 : i32 to index
        %get3A_159 = arith.constant 16 : index
        %get3A_160 = tpu.vector_load %arg4[%get3A_157, %get3A_158, %get3A_159] {strides = array<i32>} : memref<26x16x32xf32, #tpu.memory_space<vmem>>, vector<16xf32>,
        %add3A_161 = arith.constant 6657 : i32
        %add3A_162 = arith.addi %mul3A_129, %add3A_161 : i32
        %add3A_163 = vector.broadcast %add3A_162 : i32 to vector<16xi32>
        %add3A_164 = arith.addi %mul3A_3, %add3A_163 : vector<16xi32>
        tpu.vector_store_idx %arg6[%add3A_164], %get3A_160 : memref<13312xf32, #tpu.memory_space<vmem>>[vector<16xi32>], vector<16xf32>,
        %get3A_165 = arith.constant 2 : i32
        %get3A_166 = arith.index_cast %scan3A_127 : i32 to index
        %get3A_167 = arith.index_cast %get3A_165 : i32 to index
        %get3A_168 = arith.constant 0 : index
        %get3A_169 = tpu.vector_load %arg4[%get3A_166, %get3A_167, %get3A_168] {strides = array<i32>} : memref<26x16x32xf32, #tpu.memory_space<vmem>>, vector<16xf32>,
        %add3A_170 = arith.constant 2 : i32
        %add3A_171 = arith.addi %mul3A_129, %add3A_170 : i32
        %add3A_172 = vector.broadcast %add3A_171 : i32 to vector<16xi32>
        %add3A_173 = arith.addi %mul3A_3, %add3A_172 : vector<16xi32>
        tpu.vector_store_idx %arg6[%add3A_173], %get3A_169 : memref<13312xf32, #tpu.memory_space<vmem>>[vector<16xi32>], vector<16xf32>,
        %get3A_174 = arith.constant 2 : i32
        %get3A_175 = arith.index_cast %scan3A_127 : i32 to index
        %get3A_176 = arith.index_cast %get3A_174 : i32 to index
        %get3A_177 = arith.constant 16 : index
        %get3A_178 = tpu.vector_load %arg4[%get3A_175, %get3A_176, %get3A_177] {strides = array<i32>} : memref<26x16x32xf32, #tpu.memory_space<vmem>>, vector<16xf32>,
        %add3A_179 = arith.constant 6658 : i32
        %add3A_180 = arith.addi %mul3A_129, %add3A_179 : i32
        %add3A_181 = vector.broadcast %add3A_180 : i32 to vector<16xi32>
        %add3A_182 = arith.addi %mul3A_3, %add3A_181 : vector<16xi32>
        tpu.vector_store_idx %arg6[%add3A_182], %get3A_178 : memref<13312xf32, #tpu.memory_space<vmem>>[vector<16xi32>], vector<16xf32>,
        %get3A_183 = arith.constant 3 : i32
        %get3A_184 = arith.index_cast %scan3A_127 : i32 to index
        %get3A_185 = arith.index_cast %get3A_183 : i32 to index
        %get3A_186 = arith.constant 0 : index
        %get3A_187 = tpu.vector_load %arg4[%get3A_184, %get3A_185, %get3A_186] {strides = array<i32>} : memref<26x16x32xf32, #tpu.memory_space<vmem>>, vector<16xf32>,
        %add3A_188 = arith.constant 3 : i32
        %add3A_189 = arith.addi %mul3A_129, %add3A_188 : i32
        %add3A_190 = vector.broadcast %add3A_189 : i32 to vector<16xi32>
        %add3A_191 = arith.addi %mul3A_3, %add3A_190 : vector<16xi32>
        tpu.vector_store_idx %arg6[%add3A_191], %get3A_187 : memref<13312xf32, #tpu.memory_space<vmem>>[vector<16xi32>], vector<16xf32>,
        %get3A_192 = arith.constant 3 : i32
        %get3A_193 = arith.index_cast %scan3A_127 : i32 to index
        %get3A_194 = arith.index_cast %get3A_192 : i32 to index
        %get3A_195 = arith.constant 16 : index
        %get3A_196 = tpu.vector_load %arg4[%get3A_193, %get3A_194, %get3A_195] {strides = array<i32>} : memref<26x16x32xf32, #tpu.memory_space<vmem>>, vector<16xf32>,
        %add3A_197 = arith.constant 6659 : i32
        %add3A_198 = arith.addi %mul3A_129, %add3A_197 : i32
        %add3A_199 = vector.broadcast %add3A_198 : i32 to vector<16xi32>
        %add3A_200 = arith.addi %mul3A_3, %add3A_199 : vector<16xi32>
        tpu.vector_store_idx %arg6[%add3A_200], %get3A_196 : memref<13312xf32, #tpu.memory_space<vmem>>[vector<16xi32>], vector<16xf32>,
        %get3A_201 = arith.constant 4 : i32
        %get3A_202 = arith.index_cast %scan3A_127 : i32 to index
        %get3A_203 = arith.index_cast %get3A_201 : i32 to index
        %get3A_204 = arith.constant 0 : index
        %get3A_205 = tpu.vector_load %arg4[%get3A_202, %get3A_203, %get3A_204] {strides = array<i32>} : memref<26x16x32xf32, #tpu.memory_space<vmem>>, vector<16xf32>,
        %add3A_206 = arith.constant 4 : i32
        %add3A_207 = arith.addi %mul3A_129, %add3A_206 : i32
        %add3A_208 = vector.broadcast %add3A_207 : i32 to vector<16xi32>
        %add3A_209 = arith.addi %mul3A_3, %add3A_208 : vector<16xi32>
        tpu.vector_store_idx %arg6[%add3A_209], %get3A_205 : memref<13312xf32, #tpu.memory_space<vmem>>[vector<16xi32>], vector<16xf32>,
        %get3A_210 = arith.constant 4 : i32
        %get3A_211 = arith.index_cast %scan3A_127 : i32 to index
        %get3A_212 = arith.index_cast %get3A_210 : i32 to index
        %get3A_213 = arith.constant 16 : index
        %get3A_214 = tpu.vector_load %arg4[%get3A_211, %get3A_212, %get3A_213] {strides = array<i32>} : memref<26x16x32xf32, #tpu.memory_space<vmem>>, vector<16xf32>,
        %add3A_215 = arith.constant 6660 : i32
        %add3A_216 = arith.addi %mul3A_129, %add3A_215 : i32
        %add3A_217 = vector.broadcast %add3A_216 : i32 to vector<16xi32>
        %add3A_218 = arith.addi %mul3A_3, %add3A_217 : vector<16xi32>
        tpu.vector_store_idx %arg6[%add3A_218], %get3A_214 : memref<13312xf32, #tpu.memory_space<vmem>>[vector<16xi32>], vector<16xf32>,
        %get3A_219 = arith.constant 5 : i32
        %get3A_220 = arith.index_cast %scan3A_127 : i32 to index
        %get3A_221 = arith.index_cast %get3A_219 : i32 to index
        %get3A_222 = arith.constant 0 : index
        %get3A_223 = tpu.vector_load %arg4[%get3A_220, %get3A_221, %get3A_222] {strides = array<i32>} : memref<26x16x32xf32, #tpu.memory_space<vmem>>, vector<16xf32>,
        %add3A_224 = arith.constant 5 : i32
        %add3A_225 = arith.addi %mul3A_129, %add3A_224 : i32
        %add3A_226 = vector.broadcast %add3A_225 : i32 to vector<16xi32>
        %add3A_227 = arith.addi %mul3A_3, %add3A_226 : vector<16xi32>
        tpu.vector_store_idx %arg6[%add3A_227], %get3A_223 : memref<13312xf32, #tpu.memory_space<vmem>>[vector<16xi32>], vector<16xf32>,
        %get3A_228 = arith.constant 5 : i32
        %get3A_229 = arith.index_cast %scan3A_127 : i32 to index
        %get3A_230 = arith.index_cast %get3A_228 : i32 to index
        %get3A_231 = arith.constant 16 : index
        %get3A_232 = tpu.vector_load %arg4[%get3A_229, %get3A_230, %get3A_231] {strides = array<i32>} : memref<26x16x32xf32, #tpu.memory_space<vmem>>, vector<16xf32>,
        %add3A_233 = arith.constant 6661 : i32
        %add3A_234 = arith.addi %mul3A_129, %add3A_233 : i32
        %add3A_235 = vector.broadcast %add3A_234 : i32 to vector<16xi32>
        %add3A_236 = arith.addi %mul3A_3, %add3A_235 : vector<16xi32>
        tpu.vector_store_idx %arg6[%add3A_236], %get3A_232 : memref<13312xf32, #tpu.memory_space<vmem>>[vector<16xi32>], vector<16xf32>,
        %get3A_237 = arith.constant 6 : i32
        %get3A_238 = arith.index_cast %scan3A_127 : i32 to index
        %get3A_239 = arith.index_cast %get3A_237 : i32 to index
        %get3A_240 = arith.constant 0 : index
        %get3A_241 = tpu.vector_load %arg4[%get3A_238, %get3A_239, %get3A_240] {strides = array<i32>} : memref<26x16x32xf32, #tpu.memory_space<vmem>>, vector<16xf32>,
        %add3A_242 = arith.constant 6 : i32
        %add3A_243 = arith.addi %mul3A_129, %add3A_242 : i32
        %add3A_244 = vector.broadcast %add3A_243 : i32 to vector<16xi32>
        %add3A_245 = arith.addi %mul3A_3, %add3A_244 : vector<16xi32>
        tpu.vector_store_idx %arg6[%add3A_245], %get3A_241 : memref<13312xf32, #tpu.memory_space<vmem>>[vector<16xi32>], vector<16xf32>,
        %get3A_246 = arith.constant 6 : i32
        %get3A_247 = arith.index_cast %scan3A_127 : i32 to index
        %get3A_248 = arith.index_cast %get3A_246 : i32 to index
        %get3A_249 = arith.constant 16 : index
        %get3A_250 = tpu.vector_load %arg4[%get3A_247, %get3A_248, %get3A_249] {strides = array<i32>} : memref<26x16x32xf32, #tpu.memory_space<vmem>>, vector<16xf32>,
        %add3A_251 = arith.constant 6662 : i32
        %add3A_252 = arith.addi %mul3A_129, %add3A_251 : i32
        %add3A_253 = vector.broadcast %add3A_252 : i32 to vector<16xi32>
        %add3A_254 = arith.addi %mul3A_3, %add3A_253 : vector<16xi32>
        tpu.vector_store_idx %arg6[%add3A_254], %get3A_250 : memref<13312xf32, #tpu.memory_space<vmem>>[vector<16xi32>], vector<16xf32>,
        %get3A_255 = arith.constant 7 : i32
        %get3A_256 = arith.index_cast %scan3A_127 : i32 to index
        %get3A_257 = arith.index_cast %get3A_255 : i32 to index
        %get3A_258 = arith.constant 0 : index
        %get3A_259 = tpu.vector_load %arg4[%get3A_256, %get3A_257, %get3A_258] {strides = array<i32>} : memref<26x16x32xf32, #tpu.memory_space<vmem>>, vector<16xf32>,
        %add3A_260 = arith.constant 7 : i32
        %add3A_261 = arith.addi %mul3A_129, %add3A_260 : i32
        %add3A_262 = vector.broadcast %add3A_261 : i32 to vector<16xi32>
        %add3A_263 = arith.addi %mul3A_3, %add3A_262 : vector<16xi32>
        tpu.vector_store_idx %arg6[%add3A_263], %get3A_259 : memref<13312xf32, #tpu.memory_space<vmem>>[vector<16xi32>], vector<16xf32>,
        %get3A_264 = arith.constant 7 : i32
        %get3A_265 = arith.index_cast %scan3A_127 : i32 to index
        %get3A_266 = arith.index_cast %get3A_264 : i32 to index
        %get3A_267 = arith.constant 16 : index
        %get3A_268 = tpu.vector_load %arg4[%get3A_265, %get3A_266, %get3A_267] {strides = array<i32>} : memref<26x16x32xf32, #tpu.memory_space<vmem>>, vector<16xf32>,
        %add3A_269 = arith.constant 6663 : i32
        %add3A_270 = arith.addi %mul3A_129, %add3A_269 : i32
        %add3A_271 = vector.broadcast %add3A_270 : i32 to vector<16xi32>
        %add3A_272 = arith.addi %mul3A_3, %add3A_271 : vector<16xi32>
        tpu.vector_store_idx %arg6[%add3A_272], %get3A_268 : memref<13312xf32, #tpu.memory_space<vmem>>[vector<16xi32>], vector<16xf32>,
        %get3A_273 = arith.constant 8 : i32
        %get3A_274 = arith.index_cast %scan3A_127 : i32 to index
        %get3A_275 = arith.index_cast %get3A_273 : i32 to index
        %get3A_276 = arith.constant 0 : index
        %get3A_277 = tpu.vector_load %arg4[%get3A_274, %get3A_275, %get3A_276] {strides = array<i32>} : memref<26x16x32xf32, #tpu.memory_space<vmem>>, vector<16xf32>,
        %add3A_278 = arith.constant 8 : i32
        %add3A_279 = arith.addi %mul3A_129, %add3A_278 : i32
        %add3A_280 = vector.broadcast %add3A_279 : i32 to vector<16xi32>
        %add3A_281 = arith.addi %mul3A_3, %add3A_280 : vector<16xi32>
        tpu.vector_store_idx %arg6[%add3A_281], %get3A_277 : memref<13312xf32, #tpu.memory_space<vmem>>[vector<16xi32>], vector<16xf32>,
        %get3A_282 = arith.constant 8 : i32
        %get3A_283 = arith.index_cast %scan3A_127 : i32 to index
        %get3A_284 = arith.index_cast %get3A_282 : i32 to index
        %get3A_285 = arith.constant 16 : index
        %get3A_286 = tpu.vector_load %arg4[%get3A_283, %get3A_284, %get3A_285] {strides = array<i32>} : memref<26x16x32xf32, #tpu.memory_space<vmem>>, vector<16xf32>,
        %add3A_287 = arith.constant 6664 : i32
        %add3A_288 = arith.addi %mul3A_129, %add3A_287 : i32
        %add3A_289 = vector.broadcast %add3A_288 : i32 to vector<16xi32>
        %add3A_290 = arith.addi %mul3A_3, %add3A_289 : vector<16xi32>
        tpu.vector_store_idx %arg6[%add3A_290], %get3A_286 : memref<13312xf32, #tpu.memory_space<vmem>>[vector<16xi32>], vector<16xf32>,
        %get3A_291 = arith.constant 9 : i32
        %get3A_292 = arith.index_cast %scan3A_127 : i32 to index
        %get3A_293 = arith.index_cast %get3A_291 : i32 to index
        %get3A_294 = arith.constant 0 : index
        %get3A_295 = tpu.vector_load %arg4[%get3A_292, %get3A_293, %get3A_294] {strides = array<i32>} : memref<26x16x32xf32, #tpu.memory_space<vmem>>, vector<16xf32>,
        %add3A_296 = arith.constant 9 : i32
        %add3A_297 = arith.addi %mul3A_129, %add3A_296 : i32
        %add3A_298 = vector.broadcast %add3A_297 : i32 to vector<16xi32>
        %add3A_299 = arith.addi %mul3A_3, %add3A_298 : vector<16xi32>
        tpu.vector_store_idx %arg6[%add3A_299], %get3A_295 : memref<13312xf32, #tpu.memory_space<vmem>>[vector<16xi32>], vector<16xf32>,
        %get3A_300 = arith.constant 9 : i32
        %get3A_301 = arith.index_cast %scan3A_127 : i32 to index
        %get3A_302 = arith.index_cast %get3A_300 : i32 to index
        %get3A_303 = arith.constant 16 : index
        %get3A_304 = tpu.vector_load %arg4[%get3A_301, %get3A_302, %get3A_303] {strides = array<i32>} : memref<26x16x32xf32, #tpu.memory_space<vmem>>, vector<16xf32>,
        %add3A_305 = arith.constant 6665 : i32
        %add3A_306 = arith.addi %mul3A_129, %add3A_305 : i32
        %add3A_307 = vector.broadcast %add3A_306 : i32 to vector<16xi32>
        %add3A_308 = arith.addi %mul3A_3, %add3A_307 : vector<16xi32>
        tpu.vector_store_idx %arg6[%add3A_308], %get3A_304 : memref<13312xf32, #tpu.memory_space<vmem>>[vector<16xi32>], vector<16xf32>,
        %get3A_309 = arith.constant 10 : i32
        %get3A_310 = arith.index_cast %scan3A_127 : i32 to index
        %get3A_311 = arith.index_cast %get3A_309 : i32 to index
        %get3A_312 = arith.constant 0 : index
        %get3A_313 = tpu.vector_load %arg4[%get3A_310, %get3A_311, %get3A_312] {strides = array<i32>} : memref<26x16x32xf32, #tpu.memory_space<vmem>>, vector<16xf32>,
        %add3A_314 = arith.constant 10 : i32
        %add3A_315 = arith.addi %mul3A_129, %add3A_314 : i32
        %add3A_316 = vector.broadcast %add3A_315 : i32 to vector<16xi32>
        %add3A_317 = arith.addi %mul3A_3, %add3A_316 : vector<16xi32>
        tpu.vector_store_idx %arg6[%add3A_317], %get3A_313 : memref<13312xf32, #tpu.memory_space<vmem>>[vector<16xi32>], vector<16xf32>,
        %get3A_318 = arith.constant 10 : i32
        %get3A_319 = arith.index_cast %scan3A_127 : i32 to index
        %get3A_320 = arith.index_cast %get3A_318 : i32 to index
        %get3A_321 = arith.constant 16 : index
        %get3A_322 = tpu.vector_load %arg4[%get3A_319, %get3A_320, %get3A_321] {strides = array<i32>} : memref<26x16x32xf32, #tpu.memory_space<vmem>>, vector<16xf32>,
        %add3A_323 = arith.constant 6666 : i32
        %add3A_324 = arith.addi %mul3A_129, %add3A_323 : i32
        %add3A_325 = vector.broadcast %add3A_324 : i32 to vector<16xi32>
        %add3A_326 = arith.addi %mul3A_3, %add3A_325 : vector<16xi32>
        tpu.vector_store_idx %arg6[%add3A_326], %get3A_322 : memref<13312xf32, #tpu.memory_space<vmem>>[vector<16xi32>], vector<16xf32>,
        %get3A_327 = arith.constant 11 : i32
        %get3A_328 = arith.index_cast %scan3A_127 : i32 to index
        %get3A_329 = arith.index_cast %get3A_327 : i32 to index
        %get3A_330 = arith.constant 0 : index
        %get3A_331 = tpu.vector_load %arg4[%get3A_328, %get3A_329, %get3A_330] {strides = array<i32>} : memref<26x16x32xf32, #tpu.memory_space<vmem>>, vector<16xf32>,
        %add3A_332 = arith.constant 11 : i32
        %add3A_333 = arith.addi %mul3A_129, %add3A_332 : i32
        %add3A_334 = vector.broadcast %add3A_333 : i32 to vector<16xi32>
        %add3A_335 = arith.addi %mul3A_3, %add3A_334 : vector<16xi32>
        tpu.vector_store_idx %arg6[%add3A_335], %get3A_331 : memref<13312xf32, #tpu.memory_space<vmem>>[vector<16xi32>], vector<16xf32>,
        %get3A_336 = arith.constant 11 : i32
        %get3A_337 = arith.index_cast %scan3A_127 : i32 to index
        %get3A_338 = arith.index_cast %get3A_336 : i32 to index
        %get3A_339 = arith.constant 16 : index
        %get3A_340 = tpu.vector_load %arg4[%get3A_337, %get3A_338, %get3A_339] {strides = array<i32>} : memref<26x16x32xf32, #tpu.memory_space<vmem>>, vector<16xf32>,
        %add3A_341 = arith.constant 6667 : i32
        %add3A_342 = arith.addi %mul3A_129, %add3A_341 : i32
        %add3A_343 = vector.broadcast %add3A_342 : i32 to vector<16xi32>
        %add3A_344 = arith.addi %mul3A_3, %add3A_343 : vector<16xi32>
        tpu.vector_store_idx %arg6[%add3A_344], %get3A_340 : memref<13312xf32, #tpu.memory_space<vmem>>[vector<16xi32>], vector<16xf32>,
        %get3A_345 = arith.constant 12 : i32
        %get3A_346 = arith.index_cast %scan3A_127 : i32 to index
        %get3A_347 = arith.index_cast %get3A_345 : i32 to index
        %get3A_348 = arith.constant 0 : index
        %get3A_349 = tpu.vector_load %arg4[%get3A_346, %get3A_347, %get3A_348] {strides = array<i32>} : memref<26x16x32xf32, #tpu.memory_space<vmem>>, vector<16xf32>,
        %add3A_350 = arith.constant 12 : i32
        %add3A_351 = arith.addi %mul3A_129, %add3A_350 : i32
        %add3A_352 = vector.broadcast %add3A_351 : i32 to vector<16xi32>
        %add3A_353 = arith.addi %mul3A_3, %add3A_352 : vector<16xi32>
        tpu.vector_store_idx %arg6[%add3A_353], %get3A_349 : memref<13312xf32, #tpu.memory_space<vmem>>[vector<16xi32>], vector<16xf32>,
        %get3A_354 = arith.constant 12 : i32
        %get3A_355 = arith.index_cast %scan3A_127 : i32 to index
        %get3A_356 = arith.index_cast %get3A_354 : i32 to index
        %get3A_357 = arith.constant 16 : index
        %get3A_358 = tpu.vector_load %arg4[%get3A_355, %get3A_356, %get3A_357] {strides = array<i32>} : memref<26x16x32xf32, #tpu.memory_space<vmem>>, vector<16xf32>,
        %add3A_359 = arith.constant 6668 : i32
        %add3A_360 = arith.addi %mul3A_129, %add3A_359 : i32
        %add3A_361 = vector.broadcast %add3A_360 : i32 to vector<16xi32>
        %add3A_362 = arith.addi %mul3A_3, %add3A_361 : vector<16xi32>
        tpu.vector_store_idx %arg6[%add3A_362], %get3A_358 : memref<13312xf32, #tpu.memory_space<vmem>>[vector<16xi32>], vector<16xf32>,
        %get3A_363 = arith.constant 13 : i32
        %get3A_364 = arith.index_cast %scan3A_127 : i32 to index
        %get3A_365 = arith.index_cast %get3A_363 : i32 to index
        %get3A_366 = arith.constant 0 : index
        %get3A_367 = tpu.vector_load %arg4[%get3A_364, %get3A_365, %get3A_366] {strides = array<i32>} : memref<26x16x32xf32, #tpu.memory_space<vmem>>, vector<16xf32>,
        %add3A_368 = arith.constant 13 : i32
        %add3A_369 = arith.addi %mul3A_129, %add3A_368 : i32
        %add3A_370 = vector.broadcast %add3A_369 : i32 to vector<16xi32>
        %add3A_371 = arith.addi %mul3A_3, %add3A_370 : vector<16xi32>
        tpu.vector_store_idx %arg6[%add3A_371], %get3A_367 : memref<13312xf32, #tpu.memory_space<vmem>>[vector<16xi32>], vector<16xf32>,
        %get3A_372 = arith.constant 13 : i32
        %get3A_373 = arith.index_cast %scan3A_127 : i32 to index
        %get3A_374 = arith.index_cast %get3A_372 : i32 to index
        %get3A_375 = arith.constant 16 : index
        %get3A_376 = tpu.vector_load %arg4[%get3A_373, %get3A_374, %get3A_375] {strides = array<i32>} : memref<26x16x32xf32, #tpu.memory_space<vmem>>, vector<16xf32>,
        %add3A_377 = arith.constant 6669 : i32
        %add3A_378 = arith.addi %mul3A_129, %add3A_377 : i32
        %add3A_379 = vector.broadcast %add3A_378 : i32 to vector<16xi32>
        %add3A_380 = arith.addi %mul3A_3, %add3A_379 : vector<16xi32>
        tpu.vector_store_idx %arg6[%add3A_380], %get3A_376 : memref<13312xf32, #tpu.memory_space<vmem>>[vector<16xi32>], vector<16xf32>,
        %get3A_381 = arith.constant 14 : i32
        %get3A_382 = arith.index_cast %scan3A_127 : i32 to index
        %get3A_383 = arith.index_cast %get3A_381 : i32 to index
        %get3A_384 = arith.constant 0 : index
        %get3A_385 = tpu.vector_load %arg4[%get3A_382, %get3A_383, %get3A_384] {strides = array<i32>} : memref<26x16x32xf32, #tpu.memory_space<vmem>>, vector<16xf32>,
        %add3A_386 = arith.constant 14 : i32
        %add3A_387 = arith.addi %mul3A_129, %add3A_386 : i32
        %add3A_388 = vector.broadcast %add3A_387 : i32 to vector<16xi32>
        %add3A_389 = arith.addi %mul3A_3, %add3A_388 : vector<16xi32>
        tpu.vector_store_idx %arg6[%add3A_389], %get3A_385 : memref<13312xf32, #tpu.memory_space<vmem>>[vector<16xi32>], vector<16xf32>,
        %get3A_390 = arith.constant 14 : i32
        %get3A_391 = arith.index_cast %scan3A_127 : i32 to index
        %get3A_392 = arith.index_cast %get3A_390 : i32 to index
        %get3A_393 = arith.constant 16 : index
        %get3A_394 = tpu.vector_load %arg4[%get3A_391, %get3A_392, %get3A_393] {strides = array<i32>} : memref<26x16x32xf32, #tpu.memory_space<vmem>>, vector<16xf32>,
        %add3A_395 = arith.constant 6670 : i32
        %add3A_396 = arith.addi %mul3A_129, %add3A_395 : i32
        %add3A_397 = vector.broadcast %add3A_396 : i32 to vector<16xi32>
        %add3A_398 = arith.addi %mul3A_3, %add3A_397 : vector<16xi32>
        tpu.vector_store_idx %arg6[%add3A_398], %get3A_394 : memref<13312xf32, #tpu.memory_space<vmem>>[vector<16xi32>], vector<16xf32>,
        %get3A_399 = arith.constant 15 : i32
        %get3A_400 = arith.index_cast %scan3A_127 : i32 to index
        %get3A_401 = arith.index_cast %get3A_399 : i32 to index
        %get3A_402 = arith.constant 0 : index
        %get3A_403 = tpu.vector_load %arg4[%get3A_400, %get3A_401, %get3A_402] {strides = array<i32>} : memref<26x16x32xf32, #tpu.memory_space<vmem>>, vector<16xf32>,
        %add3A_404 = arith.constant 15 : i32
        %add3A_405 = arith.addi %mul3A_129, %add3A_404 : i32
        %add3A_406 = vector.broadcast %add3A_405 : i32 to vector<16xi32>
        %add3A_407 = arith.addi %mul3A_3, %add3A_406 : vector<16xi32>
        tpu.vector_store_idx %arg6[%add3A_407], %get3A_403 : memref<13312xf32, #tpu.memory_space<vmem>>[vector<16xi32>], vector<16xf32>,
        %get3A_408 = arith.constant 15 : i32
        %get3A_409 = arith.index_cast %scan3A_127 : i32 to index
        %get3A_410 = arith.index_cast %get3A_408 : i32 to index
        %get3A_411 = arith.constant 16 : index
        %get3A_412 = tpu.vector_load %arg4[%get3A_409, %get3A_410, %get3A_411] {strides = array<i32>} : memref<26x16x32xf32, #tpu.memory_space<vmem>>, vector<16xf32>,
        %add3A_413 = arith.constant 6671 : i32
        %add3A_414 = arith.addi %mul3A_129, %add3A_413 : i32
        %add3A_415 = vector.broadcast %add3A_414 : i32 to vector<16xi32>
        %add3A_416 = arith.addi %mul3A_3, %add3A_415 : vector<16xi32>
        tpu.vector_store_idx %arg6[%add3A_416], %get3A_412 : memref<13312xf32, #tpu.memory_space<vmem>>[vector<16xi32>], vector<16xf32>,
      }
      %scan3A_69 = arith.constant 26 : i32
      %mul3A_70 = arith.constant 32 : i32
      %mul3A_71 = arith.muli %add3A_42, %mul3A_70 : i32
      %add3A_72 = arith.addi %add3A, %mul3A_71 : i32
      %mul3A_73 = arith.constant 32 : i32
      %mul3A_74 = arith.muli %add3A_72, %mul3A_73 : i32
      %min3A_75 = arith.constant 99968 : i32
      %min3A_76 = arith.minsi %mul3A_74, %min3A_75 : i32
      %mul3A_77 = arith.constant 416 : i32
      %mul3A_78 = arith.muli %min3A_76, %mul3A_77 : i32
      %dma_start3A_79 = tpu.memref_slice %arg3[%mul3A_78] : memref<41600000xf32, #tpu.memory_space<hbm>> -> memref<13312xf32, #tpu.memory_space<hbm>>
      %dma_start3A_80 = tpu.memref_slice %arg3[%mul3A_78] : memref<41600000xf32, #tpu.memory_space<hbm>> -> memref<13312xf32, #tpu.memory_space<hbm>>
      tpu.enqueue_dma source(%arg6 : memref<13312xf32, #tpu.memory_space<vmem>>) target(%dma_start3A_80 : memref<13312xf32, #tpu.memory_space<hbm>>) target_semaphore(%arg10 : memref<!tpu.dma_semaphore, #tpu.memory_space<semaphore_mem>>)
      %mul3A_81 = arith.constant 2 : i32
      %mul3A_82 = arith.muli %scan3A_38, %mul3A_81 : i32
      %add3A_83 = arith.constant 1 : i32
      %add3A_84 = arith.addi %mul3A_82, %add3A_83 : i32
      %add3A_85 = arith.constant 1 : i32
      %add3A_86 = arith.addi %add3A_84, %add3A_85 : i32
      %lt3A_87 = arith.constant 98 : i32
      %lt3A_88 = arith.cmpi slt, %add3A_86, %lt3A_87 : i32
      %convert_element_type3A_89 = arith.extui %lt3A_88 : i1 to i32
      %cond3A_90 = arith.constant 0 : i32
      %cond3A_91 = arith.cmpi ne, %convert_element_type3A_89, %cond3A_90 : i32
      scf.if %cond3A_91 {
        %add3A_127 = arith.constant 1 : i32
        %add3A_128 = arith.addi %add3A_84, %add3A_127 : i32
        %mul3A_129 = arith.constant 32 : i32
        %mul3A_130 = arith.muli %add3A_128, %mul3A_129 : i32
        %add3A_131 = arith.addi %add3A, %mul3A_130 : i32
        %mul3A_132 = arith.constant 32 : i32
        %mul3A_133 = arith.muli %add3A_131, %mul3A_132 : i32
        %min3A_134 = arith.constant 99968 : i32
        %min3A_135 = arith.minsi %mul3A_133, %min3A_134 : i32
        %dma_start3A_136 = arith.constant 0 : i32
        %dma_start3A_137 = arith.constant 0 : i32
        %dma_start3A_138 = tpu.memref_slice %arg2[%dma_start3A_136, %dma_start3A_137, %min3A_135] : memref<26x16x100000xf32, #tpu.memory_space<hbm>> -> memref<26x16x32xf32, #tpu.memory_space<hbm>>
        %dma_start3A_139 = arith.constant 0 : i32
        %dma_start3A_140 = arith.constant 0 : i32
        %dma_start3A_141 = tpu.memref_slice %arg2[%dma_start3A_139, %dma_start3A_140, %min3A_135] : memref<26x16x100000xf32, #tpu.memory_space<hbm>> -> memref<26x16x32xf32, #tpu.memory_space<hbm>>
        tpu.enqueue_dma source(%dma_start3A_141 : memref<26x16x32xf32, #tpu.memory_space<hbm>>) target(%arg4 : memref<26x16x32xf32, #tpu.memory_space<vmem>>) target_semaphore(%arg8 : memref<!tpu.dma_semaphore, #tpu.memory_space<semaphore_mem>>)
      } else {
      }
      %mul3A_92 = arith.constant 32 : i32
      %mul3A_93 = arith.muli %add3A_84, %mul3A_92 : i32
      %add3A_94 = arith.addi %add3A, %mul3A_93 : i32
      %mul3A_95 = arith.constant 32 : i32
      %mul3A_96 = arith.muli %add3A_94, %mul3A_95 : i32
      %min3A_97 = arith.constant 99968 : i32
      %min3A_98 = arith.minsi %mul3A_96, %min3A_97 : i32
      %dma_wait3A_99 = arith.constant 0 : i32
      %dma_wait3A_100 = arith.constant 0 : i32
      %dma_wait3A_101 = tpu.memref_slice %arg2[%dma_wait3A_99, %dma_wait3A_100, %min3A_98] : memref<26x16x100000xf32, #tpu.memory_space<hbm>> -> memref<26x16x32xf32, #tpu.memory_space<hbm>>
      %dma_wait3A_102 = arith.constant 0 : i32
      %dma_wait3A_103 = arith.constant 0 : i32
      %dma_wait3A_104 = tpu.memref_slice %arg2[%dma_wait3A_102, %dma_wait3A_103, %min3A_98] : memref<26x16x100000xf32, #tpu.memory_space<hbm>> -> memref<26x16x32xf32, #tpu.memory_space<hbm>>
      tpu.wait_dma2 semaphore(%arg9 : memref<!tpu.dma_semaphore, #tpu.memory_space<semaphore_mem>>) src(%dma_wait3A_104 : memref<26x16x32xf32, #tpu.memory_space<hbm>>) dst(%arg5 : memref<26x16x32xf32, #tpu.memory_space<vmem>>)
      %ge3A_105 = arith.constant 2 : i32
      %ge3A_106 = arith.cmpi sge, %add3A_84, %ge3A_105 : i32
      %convert_element_type3A_107 = arith.extui %ge3A_106 : i1 to i32
      %cond3A_108 = arith.constant 0 : i32
      %cond3A_109 = arith.cmpi ne, %convert_element_type3A_107, %cond3A_108 : i32
      scf.if %cond3A_109 {
        %sub3A = arith.constant 2 : i32
        %sub3A_127 = arith.subi %add3A_84, %sub3A : i32
        %mul3A_128 = arith.constant 32 : i32
        %mul3A_129 = arith.muli %sub3A_127, %mul3A_128 : i32
        %add3A_130 = arith.addi %add3A, %mul3A_129 : i32
        %mul3A_131 = arith.constant 32 : i32
        %mul3A_132 = arith.muli %add3A_130, %mul3A_131 : i32
        %min3A_133 = arith.constant 99968 : i32
        %min3A_134 = arith.minsi %mul3A_132, %min3A_133 : i32
        %mul3A_135 = arith.constant 416 : i32
        %mul3A_136 = arith.muli %min3A_134, %mul3A_135 : i32
        %dma_wait3A_137 = tpu.memref_slice %arg3[%mul3A_136] : memref<41600000xf32, #tpu.memory_space<hbm>> -> memref<13312xf32, #tpu.memory_space<hbm>>
        %dma_wait3A_138 = tpu.memref_slice %arg3[%mul3A_136] : memref<41600000xf32, #tpu.memory_space<hbm>> -> memref<13312xf32, #tpu.memory_space<hbm>>
        tpu.wait_dma2 semaphore(%arg11 : memref<!tpu.dma_semaphore, #tpu.memory_space<semaphore_mem>>) src(%arg7 : memref<13312xf32, #tpu.memory_space<vmem>>) dst(%dma_wait3A_138 : memref<13312xf32, #tpu.memory_space<hbm>>)
      } else {
      }
      %scan3A_110 = arith.constant 0 : i32
      %scan3A_111 = arith.constant 0 : i32
      %scan3A_112 = arith.constant 26 : i32
      %scan3A_113 = arith.addi %scan3A_111, %scan3A_112 : i32
      %scan3A_114 = arith.constant 1 : i32
      scf.for %scan3A_127 = %scan3A_111 to %scan3A_113 step %scan3A_114  : i32 {
        %mul3A_128 = arith.constant 16 : i32
        %mul3A_129 = arith.muli %scan3A_127, %mul3A_128 : i32
        %get3A = arith.constant 0 : i32
        %get3A_130 = arith.index_cast %scan3A_127 : i32 to index
        %get3A_131 = arith.index_cast %get3A : i32 to index
        %get3A_132 = arith.constant 0 : index
        %get3A_133 = tpu.vector_load %arg5[%get3A_130, %get3A_131, %get3A_132] {strides = array<i32>} : memref<26x16x32xf32, #tpu.memory_space<vmem>>, vector<16xf32>,
        %add3A_134 = arith.constant 0 : i32
        %add3A_135 = arith.addi %mul3A_129, %add3A_134 : i32
        %add3A_136 = vector.broadcast %add3A_135 : i32 to vector<16xi32>
        %add3A_137 = arith.addi %mul3A_3, %add3A_136 : vector<16xi32>
        tpu.vector_store_idx %arg7[%add3A_137], %get3A_133 : memref<13312xf32, #tpu.memory_space<vmem>>[vector<16xi32>], vector<16xf32>,
        %get3A_138 = arith.constant 0 : i32
        %get3A_139 = arith.index_cast %scan3A_127 : i32 to index
        %get3A_140 = arith.index_cast %get3A_138 : i32 to index
        %get3A_141 = arith.constant 16 : index
        %get3A_142 = tpu.vector_load %arg5[%get3A_139, %get3A_140, %get3A_141] {strides = array<i32>} : memref<26x16x32xf32, #tpu.memory_space<vmem>>, vector<16xf32>,
        %add3A_143 = arith.constant 6656 : i32
        %add3A_144 = arith.addi %mul3A_129, %add3A_143 : i32
        %add3A_145 = vector.broadcast %add3A_144 : i32 to vector<16xi32>
        %add3A_146 = arith.addi %mul3A_3, %add3A_145 : vector<16xi32>
        tpu.vector_store_idx %arg7[%add3A_146], %get3A_142 : memref<13312xf32, #tpu.memory_space<vmem>>[vector<16xi32>], vector<16xf32>,
        %get3A_147 = arith.constant 1 : i32
        %get3A_148 = arith.index_cast %scan3A_127 : i32 to index
        %get3A_149 = arith.index_cast %get3A_147 : i32 to index
        %get3A_150 = arith.constant 0 : index
        %get3A_151 = tpu.vector_load %arg5[%get3A_148, %get3A_149, %get3A_150] {strides = array<i32>} : memref<26x16x32xf32, #tpu.memory_space<vmem>>, vector<16xf32>,
        %add3A_152 = arith.constant 1 : i32
        %add3A_153 = arith.addi %mul3A_129, %add3A_152 : i32
        %add3A_154 = vector.broadcast %add3A_153 : i32 to vector<16xi32>
        %add3A_155 = arith.addi %mul3A_3, %add3A_154 : vector<16xi32>
        tpu.vector_store_idx %arg7[%add3A_155], %get3A_151 : memref<13312xf32, #tpu.memory_space<vmem>>[vector<16xi32>], vector<16xf32>,
        %get3A_156 = arith.constant 1 : i32
        %get3A_157 = arith.index_cast %scan3A_127 : i32 to index
        %get3A_158 = arith.index_cast %get3A_156 : i32 to index
        %get3A_159 = arith.constant 16 : index
        %get3A_160 = tpu.vector_load %arg5[%get3A_157, %get3A_158, %get3A_159] {strides = array<i32>} : memref<26x16x32xf32, #tpu.memory_space<vmem>>, vector<16xf32>,
        %add3A_161 = arith.constant 6657 : i32
        %add3A_162 = arith.addi %mul3A_129, %add3A_161 : i32
        %add3A_163 = vector.broadcast %add3A_162 : i32 to vector<16xi32>
        %add3A_164 = arith.addi %mul3A_3, %add3A_163 : vector<16xi32>
        tpu.vector_store_idx %arg7[%add3A_164], %get3A_160 : memref<13312xf32, #tpu.memory_space<vmem>>[vector<16xi32>], vector<16xf32>,
        %get3A_165 = arith.constant 2 : i32
        %get3A_166 = arith.index_cast %scan3A_127 : i32 to index
        %get3A_167 = arith.index_cast %get3A_165 : i32 to index
        %get3A_168 = arith.constant 0 : index
        %get3A_169 = tpu.vector_load %arg5[%get3A_166, %get3A_167, %get3A_168] {strides = array<i32>} : memref<26x16x32xf32, #tpu.memory_space<vmem>>, vector<16xf32>,
        %add3A_170 = arith.constant 2 : i32
        %add3A_171 = arith.addi %mul3A_129, %add3A_170 : i32
        %add3A_172 = vector.broadcast %add3A_171 : i32 to vector<16xi32>
        %add3A_173 = arith.addi %mul3A_3, %add3A_172 : vector<16xi32>
        tpu.vector_store_idx %arg7[%add3A_173], %get3A_169 : memref<13312xf32, #tpu.memory_space<vmem>>[vector<16xi32>], vector<16xf32>,
        %get3A_174 = arith.constant 2 : i32
        %get3A_175 = arith.index_cast %scan3A_127 : i32 to index
        %get3A_176 = arith.index_cast %get3A_174 : i32 to index
        %get3A_177 = arith.constant 16 : index
        %get3A_178 = tpu.vector_load %arg5[%get3A_175, %get3A_176, %get3A_177] {strides = array<i32>} : memref<26x16x32xf32, #tpu.memory_space<vmem>>, vector<16xf32>,
        %add3A_179 = arith.constant 6658 : i32
        %add3A_180 = arith.addi %mul3A_129, %add3A_179 : i32
        %add3A_181 = vector.broadcast %add3A_180 : i32 to vector<16xi32>
        %add3A_182 = arith.addi %mul3A_3, %add3A_181 : vector<16xi32>
        tpu.vector_store_idx %arg7[%add3A_182], %get3A_178 : memref<13312xf32, #tpu.memory_space<vmem>>[vector<16xi32>], vector<16xf32>,
        %get3A_183 = arith.constant 3 : i32
        %get3A_184 = arith.index_cast %scan3A_127 : i32 to index
        %get3A_185 = arith.index_cast %get3A_183 : i32 to index
        %get3A_186 = arith.constant 0 : index
        %get3A_187 = tpu.vector_load %arg5[%get3A_184, %get3A_185, %get3A_186] {strides = array<i32>} : memref<26x16x32xf32, #tpu.memory_space<vmem>>, vector<16xf32>,
        %add3A_188 = arith.constant 3 : i32
        %add3A_189 = arith.addi %mul3A_129, %add3A_188 : i32
        %add3A_190 = vector.broadcast %add3A_189 : i32 to vector<16xi32>
        %add3A_191 = arith.addi %mul3A_3, %add3A_190 : vector<16xi32>
        tpu.vector_store_idx %arg7[%add3A_191], %get3A_187 : memref<13312xf32, #tpu.memory_space<vmem>>[vector<16xi32>], vector<16xf32>,
        %get3A_192 = arith.constant 3 : i32
        %get3A_193 = arith.index_cast %scan3A_127 : i32 to index
        %get3A_194 = arith.index_cast %get3A_192 : i32 to index
        %get3A_195 = arith.constant 16 : index
        %get3A_196 = tpu.vector_load %arg5[%get3A_193, %get3A_194, %get3A_195] {strides = array<i32>} : memref<26x16x32xf32, #tpu.memory_space<vmem>>, vector<16xf32>,
        %add3A_197 = arith.constant 6659 : i32
        %add3A_198 = arith.addi %mul3A_129, %add3A_197 : i32
        %add3A_199 = vector.broadcast %add3A_198 : i32 to vector<16xi32>
        %add3A_200 = arith.addi %mul3A_3, %add3A_199 : vector<16xi32>
        tpu.vector_store_idx %arg7[%add3A_200], %get3A_196 : memref<13312xf32, #tpu.memory_space<vmem>>[vector<16xi32>], vector<16xf32>,
        %get3A_201 = arith.constant 4 : i32
        %get3A_202 = arith.index_cast %scan3A_127 : i32 to index
        %get3A_203 = arith.index_cast %get3A_201 : i32 to index
        %get3A_204 = arith.constant 0 : index
        %get3A_205 = tpu.vector_load %arg5[%get3A_202, %get3A_203, %get3A_204] {strides = array<i32>} : memref<26x16x32xf32, #tpu.memory_space<vmem>>, vector<16xf32>,
        %add3A_206 = arith.constant 4 : i32
        %add3A_207 = arith.addi %mul3A_129, %add3A_206 : i32
        %add3A_208 = vector.broadcast %add3A_207 : i32 to vector<16xi32>
        %add3A_209 = arith.addi %mul3A_3, %add3A_208 : vector<16xi32>
        tpu.vector_store_idx %arg7[%add3A_209], %get3A_205 : memref<13312xf32, #tpu.memory_space<vmem>>[vector<16xi32>], vector<16xf32>,
        %get3A_210 = arith.constant 4 : i32
        %get3A_211 = arith.index_cast %scan3A_127 : i32 to index
        %get3A_212 = arith.index_cast %get3A_210 : i32 to index
        %get3A_213 = arith.constant 16 : index
        %get3A_214 = tpu.vector_load %arg5[%get3A_211, %get3A_212, %get3A_213] {strides = array<i32>} : memref<26x16x32xf32, #tpu.memory_space<vmem>>, vector<16xf32>,
        %add3A_215 = arith.constant 6660 : i32
        %add3A_216 = arith.addi %mul3A_129, %add3A_215 : i32
        %add3A_217 = vector.broadcast %add3A_216 : i32 to vector<16xi32>
        %add3A_218 = arith.addi %mul3A_3, %add3A_217 : vector<16xi32>
        tpu.vector_store_idx %arg7[%add3A_218], %get3A_214 : memref<13312xf32, #tpu.memory_space<vmem>>[vector<16xi32>], vector<16xf32>,
        %get3A_219 = arith.constant 5 : i32
        %get3A_220 = arith.index_cast %scan3A_127 : i32 to index
        %get3A_221 = arith.index_cast %get3A_219 : i32 to index
        %get3A_222 = arith.constant 0 : index
        %get3A_223 = tpu.vector_load %arg5[%get3A_220, %get3A_221, %get3A_222] {strides = array<i32>} : memref<26x16x32xf32, #tpu.memory_space<vmem>>, vector<16xf32>,
        %add3A_224 = arith.constant 5 : i32
        %add3A_225 = arith.addi %mul3A_129, %add3A_224 : i32
        %add3A_226 = vector.broadcast %add3A_225 : i32 to vector<16xi32>
        %add3A_227 = arith.addi %mul3A_3, %add3A_226 : vector<16xi32>
        tpu.vector_store_idx %arg7[%add3A_227], %get3A_223 : memref<13312xf32, #tpu.memory_space<vmem>>[vector<16xi32>], vector<16xf32>,
        %get3A_228 = arith.constant 5 : i32
        %get3A_229 = arith.index_cast %scan3A_127 : i32 to index
        %get3A_230 = arith.index_cast %get3A_228 : i32 to index
        %get3A_231 = arith.constant 16 : index
        %get3A_232 = tpu.vector_load %arg5[%get3A_229, %get3A_230, %get3A_231] {strides = array<i32>} : memref<26x16x32xf32, #tpu.memory_space<vmem>>, vector<16xf32>,
        %add3A_233 = arith.constant 6661 : i32
        %add3A_234 = arith.addi %mul3A_129, %add3A_233 : i32
        %add3A_235 = vector.broadcast %add3A_234 : i32 to vector<16xi32>
        %add3A_236 = arith.addi %mul3A_3, %add3A_235 : vector<16xi32>
        tpu.vector_store_idx %arg7[%add3A_236], %get3A_232 : memref<13312xf32, #tpu.memory_space<vmem>>[vector<16xi32>], vector<16xf32>,
        %get3A_237 = arith.constant 6 : i32
        %get3A_238 = arith.index_cast %scan3A_127 : i32 to index
        %get3A_239 = arith.index_cast %get3A_237 : i32 to index
        %get3A_240 = arith.constant 0 : index
        %get3A_241 = tpu.vector_load %arg5[%get3A_238, %get3A_239, %get3A_240] {strides = array<i32>} : memref<26x16x32xf32, #tpu.memory_space<vmem>>, vector<16xf32>,
        %add3A_242 = arith.constant 6 : i32
        %add3A_243 = arith.addi %mul3A_129, %add3A_242 : i32
        %add3A_244 = vector.broadcast %add3A_243 : i32 to vector<16xi32>
        %add3A_245 = arith.addi %mul3A_3, %add3A_244 : vector<16xi32>
        tpu.vector_store_idx %arg7[%add3A_245], %get3A_241 : memref<13312xf32, #tpu.memory_space<vmem>>[vector<16xi32>], vector<16xf32>,
        %get3A_246 = arith.constant 6 : i32
        %get3A_247 = arith.index_cast %scan3A_127 : i32 to index
        %get3A_248 = arith.index_cast %get3A_246 : i32 to index
        %get3A_249 = arith.constant 16 : index
        %get3A_250 = tpu.vector_load %arg5[%get3A_247, %get3A_248, %get3A_249] {strides = array<i32>} : memref<26x16x32xf32, #tpu.memory_space<vmem>>, vector<16xf32>,
        %add3A_251 = arith.constant 6662 : i32
        %add3A_252 = arith.addi %mul3A_129, %add3A_251 : i32
        %add3A_253 = vector.broadcast %add3A_252 : i32 to vector<16xi32>
        %add3A_254 = arith.addi %mul3A_3, %add3A_253 : vector<16xi32>
        tpu.vector_store_idx %arg7[%add3A_254], %get3A_250 : memref<13312xf32, #tpu.memory_space<vmem>>[vector<16xi32>], vector<16xf32>,
        %get3A_255 = arith.constant 7 : i32
        %get3A_256 = arith.index_cast %scan3A_127 : i32 to index
        %get3A_257 = arith.index_cast %get3A_255 : i32 to index
        %get3A_258 = arith.constant 0 : index
        %get3A_259 = tpu.vector_load %arg5[%get3A_256, %get3A_257, %get3A_258] {strides = array<i32>} : memref<26x16x32xf32, #tpu.memory_space<vmem>>, vector<16xf32>,
        %add3A_260 = arith.constant 7 : i32
        %add3A_261 = arith.addi %mul3A_129, %add3A_260 : i32
        %add3A_262 = vector.broadcast %add3A_261 : i32 to vector<16xi32>
        %add3A_263 = arith.addi %mul3A_3, %add3A_262 : vector<16xi32>
        tpu.vector_store_idx %arg7[%add3A_263], %get3A_259 : memref<13312xf32, #tpu.memory_space<vmem>>[vector<16xi32>], vector<16xf32>,
        %get3A_264 = arith.constant 7 : i32
        %get3A_265 = arith.index_cast %scan3A_127 : i32 to index
        %get3A_266 = arith.index_cast %get3A_264 : i32 to index
        %get3A_267 = arith.constant 16 : index
        %get3A_268 = tpu.vector_load %arg5[%get3A_265, %get3A_266, %get3A_267] {strides = array<i32>} : memref<26x16x32xf32, #tpu.memory_space<vmem>>, vector<16xf32>,
        %add3A_269 = arith.constant 6663 : i32
        %add3A_270 = arith.addi %mul3A_129, %add3A_269 : i32
        %add3A_271 = vector.broadcast %add3A_270 : i32 to vector<16xi32>
        %add3A_272 = arith.addi %mul3A_3, %add3A_271 : vector<16xi32>
        tpu.vector_store_idx %arg7[%add3A_272], %get3A_268 : memref<13312xf32, #tpu.memory_space<vmem>>[vector<16xi32>], vector<16xf32>,
        %get3A_273 = arith.constant 8 : i32
        %get3A_274 = arith.index_cast %scan3A_127 : i32 to index
        %get3A_275 = arith.index_cast %get3A_273 : i32 to index
        %get3A_276 = arith.constant 0 : index
        %get3A_277 = tpu.vector_load %arg5[%get3A_274, %get3A_275, %get3A_276] {strides = array<i32>} : memref<26x16x32xf32, #tpu.memory_space<vmem>>, vector<16xf32>,
        %add3A_278 = arith.constant 8 : i32
        %add3A_279 = arith.addi %mul3A_129, %add3A_278 : i32
        %add3A_280 = vector.broadcast %add3A_279 : i32 to vector<16xi32>
        %add3A_281 = arith.addi %mul3A_3, %add3A_280 : vector<16xi32>
        tpu.vector_store_idx %arg7[%add3A_281], %get3A_277 : memref<13312xf32, #tpu.memory_space<vmem>>[vector<16xi32>], vector<16xf32>,
        %get3A_282 = arith.constant 8 : i32
        %get3A_283 = arith.index_cast %scan3A_127 : i32 to index
        %get3A_284 = arith.index_cast %get3A_282 : i32 to index
        %get3A_285 = arith.constant 16 : index
        %get3A_286 = tpu.vector_load %arg5[%get3A_283, %get3A_284, %get3A_285] {strides = array<i32>} : memref<26x16x32xf32, #tpu.memory_space<vmem>>, vector<16xf32>,
        %add3A_287 = arith.constant 6664 : i32
        %add3A_288 = arith.addi %mul3A_129, %add3A_287 : i32
        %add3A_289 = vector.broadcast %add3A_288 : i32 to vector<16xi32>
        %add3A_290 = arith.addi %mul3A_3, %add3A_289 : vector<16xi32>
        tpu.vector_store_idx %arg7[%add3A_290], %get3A_286 : memref<13312xf32, #tpu.memory_space<vmem>>[vector<16xi32>], vector<16xf32>,
        %get3A_291 = arith.constant 9 : i32
        %get3A_292 = arith.index_cast %scan3A_127 : i32 to index
        %get3A_293 = arith.index_cast %get3A_291 : i32 to index
        %get3A_294 = arith.constant 0 : index
        %get3A_295 = tpu.vector_load %arg5[%get3A_292, %get3A_293, %get3A_294] {strides = array<i32>} : memref<26x16x32xf32, #tpu.memory_space<vmem>>, vector<16xf32>,
        %add3A_296 = arith.constant 9 : i32
        %add3A_297 = arith.addi %mul3A_129, %add3A_296 : i32
        %add3A_298 = vector.broadcast %add3A_297 : i32 to vector<16xi32>
        %add3A_299 = arith.addi %mul3A_3, %add3A_298 : vector<16xi32>
        tpu.vector_store_idx %arg7[%add3A_299], %get3A_295 : memref<13312xf32, #tpu.memory_space<vmem>>[vector<16xi32>], vector<16xf32>,
        %get3A_300 = arith.constant 9 : i32
        %get3A_301 = arith.index_cast %scan3A_127 : i32 to index
        %get3A_302 = arith.index_cast %get3A_300 : i32 to index
        %get3A_303 = arith.constant 16 : index
        %get3A_304 = tpu.vector_load %arg5[%get3A_301, %get3A_302, %get3A_303] {strides = array<i32>} : memref<26x16x32xf32, #tpu.memory_space<vmem>>, vector<16xf32>,
        %add3A_305 = arith.constant 6665 : i32
        %add3A_306 = arith.addi %mul3A_129, %add3A_305 : i32
        %add3A_307 = vector.broadcast %add3A_306 : i32 to vector<16xi32>
        %add3A_308 = arith.addi %mul3A_3, %add3A_307 : vector<16xi32>
        tpu.vector_store_idx %arg7[%add3A_308], %get3A_304 : memref<13312xf32, #tpu.memory_space<vmem>>[vector<16xi32>], vector<16xf32>,
        %get3A_309 = arith.constant 10 : i32
        %get3A_310 = arith.index_cast %scan3A_127 : i32 to index
        %get3A_311 = arith.index_cast %get3A_309 : i32 to index
        %get3A_312 = arith.constant 0 : index
        %get3A_313 = tpu.vector_load %arg5[%get3A_310, %get3A_311, %get3A_312] {strides = array<i32>} : memref<26x16x32xf32, #tpu.memory_space<vmem>>, vector<16xf32>,
        %add3A_314 = arith.constant 10 : i32
        %add3A_315 = arith.addi %mul3A_129, %add3A_314 : i32
        %add3A_316 = vector.broadcast %add3A_315 : i32 to vector<16xi32>
        %add3A_317 = arith.addi %mul3A_3, %add3A_316 : vector<16xi32>
        tpu.vector_store_idx %arg7[%add3A_317], %get3A_313 : memref<13312xf32, #tpu.memory_space<vmem>>[vector<16xi32>], vector<16xf32>,
        %get3A_318 = arith.constant 10 : i32
        %get3A_319 = arith.index_cast %scan3A_127 : i32 to index
        %get3A_320 = arith.index_cast %get3A_318 : i32 to index
        %get3A_321 = arith.constant 16 : index
        %get3A_322 = tpu.vector_load %arg5[%get3A_319, %get3A_320, %get3A_321] {strides = array<i32>} : memref<26x16x32xf32, #tpu.memory_space<vmem>>, vector<16xf32>,
        %add3A_323 = arith.constant 6666 : i32
        %add3A_324 = arith.addi %mul3A_129, %add3A_323 : i32
        %add3A_325 = vector.broadcast %add3A_324 : i32 to vector<16xi32>
        %add3A_326 = arith.addi %mul3A_3, %add3A_325 : vector<16xi32>
        tpu.vector_store_idx %arg7[%add3A_326], %get3A_322 : memref<13312xf32, #tpu.memory_space<vmem>>[vector<16xi32>], vector<16xf32>,
        %get3A_327 = arith.constant 11 : i32
        %get3A_328 = arith.index_cast %scan3A_127 : i32 to index
        %get3A_329 = arith.index_cast %get3A_327 : i32 to index
        %get3A_330 = arith.constant 0 : index
        %get3A_331 = tpu.vector_load %arg5[%get3A_328, %get3A_329, %get3A_330] {strides = array<i32>} : memref<26x16x32xf32, #tpu.memory_space<vmem>>, vector<16xf32>,
        %add3A_332 = arith.constant 11 : i32
        %add3A_333 = arith.addi %mul3A_129, %add3A_332 : i32
        %add3A_334 = vector.broadcast %add3A_333 : i32 to vector<16xi32>
        %add3A_335 = arith.addi %mul3A_3, %add3A_334 : vector<16xi32>
        tpu.vector_store_idx %arg7[%add3A_335], %get3A_331 : memref<13312xf32, #tpu.memory_space<vmem>>[vector<16xi32>], vector<16xf32>,
        %get3A_336 = arith.constant 11 : i32
        %get3A_337 = arith.index_cast %scan3A_127 : i32 to index
        %get3A_338 = arith.index_cast %get3A_336 : i32 to index
        %get3A_339 = arith.constant 16 : index
        %get3A_340 = tpu.vector_load %arg5[%get3A_337, %get3A_338, %get3A_339] {strides = array<i32>} : memref<26x16x32xf32, #tpu.memory_space<vmem>>, vector<16xf32>,
        %add3A_341 = arith.constant 6667 : i32
        %add3A_342 = arith.addi %mul3A_129, %add3A_341 : i32
        %add3A_343 = vector.broadcast %add3A_342 : i32 to vector<16xi32>
        %add3A_344 = arith.addi %mul3A_3, %add3A_343 : vector<16xi32>
        tpu.vector_store_idx %arg7[%add3A_344], %get3A_340 : memref<13312xf32, #tpu.memory_space<vmem>>[vector<16xi32>], vector<16xf32>,
        %get3A_345 = arith.constant 12 : i32
        %get3A_346 = arith.index_cast %scan3A_127 : i32 to index
        %get3A_347 = arith.index_cast %get3A_345 : i32 to index
        %get3A_348 = arith.constant 0 : index
        %get3A_349 = tpu.vector_load %arg5[%get3A_346, %get3A_347, %get3A_348] {strides = array<i32>} : memref<26x16x32xf32, #tpu.memory_space<vmem>>, vector<16xf32>,
        %add3A_350 = arith.constant 12 : i32
        %add3A_351 = arith.addi %mul3A_129, %add3A_350 : i32
        %add3A_352 = vector.broadcast %add3A_351 : i32 to vector<16xi32>
        %add3A_353 = arith.addi %mul3A_3, %add3A_352 : vector<16xi32>
        tpu.vector_store_idx %arg7[%add3A_353], %get3A_349 : memref<13312xf32, #tpu.memory_space<vmem>>[vector<16xi32>], vector<16xf32>,
        %get3A_354 = arith.constant 12 : i32
        %get3A_355 = arith.index_cast %scan3A_127 : i32 to index
        %get3A_356 = arith.index_cast %get3A_354 : i32 to index
        %get3A_357 = arith.constant 16 : index
        %get3A_358 = tpu.vector_load %arg5[%get3A_355, %get3A_356, %get3A_357] {strides = array<i32>} : memref<26x16x32xf32, #tpu.memory_space<vmem>>, vector<16xf32>,
        %add3A_359 = arith.constant 6668 : i32
        %add3A_360 = arith.addi %mul3A_129, %add3A_359 : i32
        %add3A_361 = vector.broadcast %add3A_360 : i32 to vector<16xi32>
        %add3A_362 = arith.addi %mul3A_3, %add3A_361 : vector<16xi32>
        tpu.vector_store_idx %arg7[%add3A_362], %get3A_358 : memref<13312xf32, #tpu.memory_space<vmem>>[vector<16xi32>], vector<16xf32>,
        %get3A_363 = arith.constant 13 : i32
        %get3A_364 = arith.index_cast %scan3A_127 : i32 to index
        %get3A_365 = arith.index_cast %get3A_363 : i32 to index
        %get3A_366 = arith.constant 0 : index
        %get3A_367 = tpu.vector_load %arg5[%get3A_364, %get3A_365, %get3A_366] {strides = array<i32>} : memref<26x16x32xf32, #tpu.memory_space<vmem>>, vector<16xf32>,
        %add3A_368 = arith.constant 13 : i32
        %add3A_369 = arith.addi %mul3A_129, %add3A_368 : i32
        %add3A_370 = vector.broadcast %add3A_369 : i32 to vector<16xi32>
        %add3A_371 = arith.addi %mul3A_3, %add3A_370 : vector<16xi32>
        tpu.vector_store_idx %arg7[%add3A_371], %get3A_367 : memref<13312xf32, #tpu.memory_space<vmem>>[vector<16xi32>], vector<16xf32>,
        %get3A_372 = arith.constant 13 : i32
        %get3A_373 = arith.index_cast %scan3A_127 : i32 to index
        %get3A_374 = arith.index_cast %get3A_372 : i32 to index
        %get3A_375 = arith.constant 16 : index
        %get3A_376 = tpu.vector_load %arg5[%get3A_373, %get3A_374, %get3A_375] {strides = array<i32>} : memref<26x16x32xf32, #tpu.memory_space<vmem>>, vector<16xf32>,
        %add3A_377 = arith.constant 6669 : i32
        %add3A_378 = arith.addi %mul3A_129, %add3A_377 : i32
        %add3A_379 = vector.broadcast %add3A_378 : i32 to vector<16xi32>
        %add3A_380 = arith.addi %mul3A_3, %add3A_379 : vector<16xi32>
        tpu.vector_store_idx %arg7[%add3A_380], %get3A_376 : memref<13312xf32, #tpu.memory_space<vmem>>[vector<16xi32>], vector<16xf32>,
        %get3A_381 = arith.constant 14 : i32
        %get3A_382 = arith.index_cast %scan3A_127 : i32 to index
        %get3A_383 = arith.index_cast %get3A_381 : i32 to index
        %get3A_384 = arith.constant 0 : index
        %get3A_385 = tpu.vector_load %arg5[%get3A_382, %get3A_383, %get3A_384] {strides = array<i32>} : memref<26x16x32xf32, #tpu.memory_space<vmem>>, vector<16xf32>,
        %add3A_386 = arith.constant 14 : i32
        %add3A_387 = arith.addi %mul3A_129, %add3A_386 : i32
        %add3A_388 = vector.broadcast %add3A_387 : i32 to vector<16xi32>
        %add3A_389 = arith.addi %mul3A_3, %add3A_388 : vector<16xi32>
        tpu.vector_store_idx %arg7[%add3A_389], %get3A_385 : memref<13312xf32, #tpu.memory_space<vmem>>[vector<16xi32>], vector<16xf32>,
        %get3A_390 = arith.constant 14 : i32
        %get3A_391 = arith.index_cast %scan3A_127 : i32 to index
        %get3A_392 = arith.index_cast %get3A_390 : i32 to index
        %get3A_393 = arith.constant 16 : index
        %get3A_394 = tpu.vector_load %arg5[%get3A_391, %get3A_392, %get3A_393] {strides = array<i32>} : memref<26x16x32xf32, #tpu.memory_space<vmem>>, vector<16xf32>,
        %add3A_395 = arith.constant 6670 : i32
        %add3A_396 = arith.addi %mul3A_129, %add3A_395 : i32
        %add3A_397 = vector.broadcast %add3A_396 : i32 to vector<16xi32>
        %add3A_398 = arith.addi %mul3A_3, %add3A_397 : vector<16xi32>
        tpu.vector_store_idx %arg7[%add3A_398], %get3A_394 : memref<13312xf32, #tpu.memory_space<vmem>>[vector<16xi32>], vector<16xf32>,
        %get3A_399 = arith.constant 15 : i32
        %get3A_400 = arith.index_cast %scan3A_127 : i32 to index
        %get3A_401 = arith.index_cast %get3A_399 : i32 to index
        %get3A_402 = arith.constant 0 : index
        %get3A_403 = tpu.vector_load %arg5[%get3A_400, %get3A_401, %get3A_402] {strides = array<i32>} : memref<26x16x32xf32, #tpu.memory_space<vmem>>, vector<16xf32>,
        %add3A_404 = arith.constant 15 : i32
        %add3A_405 = arith.addi %mul3A_129, %add3A_404 : i32
        %add3A_406 = vector.broadcast %add3A_405 : i32 to vector<16xi32>
        %add3A_407 = arith.addi %mul3A_3, %add3A_406 : vector<16xi32>
        tpu.vector_store_idx %arg7[%add3A_407], %get3A_403 : memref<13312xf32, #tpu.memory_space<vmem>>[vector<16xi32>], vector<16xf32>,
        %get3A_408 = arith.constant 15 : i32
        %get3A_409 = arith.index_cast %scan3A_127 : i32 to index
        %get3A_410 = arith.index_cast %get3A_408 : i32 to index
        %get3A_411 = arith.constant 16 : index
        %get3A_412 = tpu.vector_load %arg5[%get3A_409, %get3A_410, %get3A_411] {strides = array<i32>} : memref<26x16x32xf32, #tpu.memory_space<vmem>>, vector<16xf32>,
        %add3A_413 = arith.constant 6671 : i32
        %add3A_414 = arith.addi %mul3A_129, %add3A_413 : i32
        %add3A_415 = vector.broadcast %add3A_414 : i32 to vector<16xi32>
        %add3A_416 = arith.addi %mul3A_3, %add3A_415 : vector<16xi32>
        tpu.vector_store_idx %arg7[%add3A_416], %get3A_412 : memref<13312xf32, #tpu.memory_space<vmem>>[vector<16xi32>], vector<16xf32>,
      }
      %scan3A_115 = arith.constant 26 : i32
      %mul3A_116 = arith.constant 32 : i32
      %mul3A_117 = arith.muli %add3A_84, %mul3A_116 : i32
      %add3A_118 = arith.addi %add3A, %mul3A_117 : i32
      %mul3A_119 = arith.constant 32 : i32
      %mul3A_120 = arith.muli %add3A_118, %mul3A_119 : i32
      %min3A_121 = arith.constant 99968 : i32
      %min3A_122 = arith.minsi %mul3A_120, %min3A_121 : i32
      %mul3A_123 = arith.constant 416 : i32
      %mul3A_124 = arith.muli %min3A_122, %mul3A_123 : i32
      %dma_start3A_125 = tpu.memref_slice %arg3[%mul3A_124] : memref<41600000xf32, #tpu.memory_space<hbm>> -> memref<13312xf32, #tpu.memory_space<hbm>>
      %dma_start3A_126 = tpu.memref_slice %arg3[%mul3A_124] : memref<41600000xf32, #tpu.memory_space<hbm>> -> memref<13312xf32, #tpu.memory_space<hbm>>
      tpu.enqueue_dma source(%arg7 : memref<13312xf32, #tpu.memory_space<vmem>>) target(%dma_start3A_126 : memref<13312xf32, #tpu.memory_space<hbm>>) target_semaphore(%arg11 : memref<!tpu.dma_semaphore, #tpu.memory_space<semaphore_mem>>)
    }
    %scan3A_18 = arith.constant 49 : i32
    %add3A_19 = arith.constant 3072 : i32
    %add3A_20 = arith.addi %add3A, %add3A_19 : i32
    %mul3A_21 = arith.constant 32 : i32
    %mul3A_22 = arith.muli %add3A_20, %mul3A_21 : i32
    %min3A_23 = arith.constant 99968 : i32
    %min3A_24 = arith.minsi %mul3A_22, %min3A_23 : i32
    %mul3A_25 = arith.constant 416 : i32
    %mul3A_26 = arith.muli %min3A_24, %mul3A_25 : i32
    %dma_wait3A = tpu.memref_slice %arg3[%mul3A_26] : memref<41600000xf32, #tpu.memory_space<hbm>> -> memref<13312xf32, #tpu.memory_space<hbm>>
    %dma_wait3A_27 = tpu.memref_slice %arg3[%mul3A_26] : memref<41600000xf32, #tpu.memory_space<hbm>> -> memref<13312xf32, #tpu.memory_space<hbm>>
    tpu.wait_dma2 semaphore(%arg10 : memref<!tpu.dma_semaphore, #tpu.memory_space<semaphore_mem>>) src(%arg6 : memref<13312xf32, #tpu.memory_space<vmem>>) dst(%dma_wait3A_27 : memref<13312xf32, #tpu.memory_space<hbm>>)
    %add3A_28 = arith.constant 3104 : i32
    %add3A_29 = arith.addi %add3A, %add3A_28 : i32
    %mul3A_30 = arith.constant 32 : i32
    %mul3A_31 = arith.muli %add3A_29, %mul3A_30 : i32
    %min3A_32 = arith.constant 99968 : i32
    %min3A_33 = arith.minsi %mul3A_31, %min3A_32 : i32
    %mul3A_34 = arith.constant 416 : i32
    %mul3A_35 = arith.muli %min3A_33, %mul3A_34 : i32
    %dma_wait3A_36 = tpu.memref_slice %arg3[%mul3A_35] : memref<41600000xf32, #tpu.memory_space<hbm>> -> memref<13312xf32, #tpu.memory_space<hbm>>
    %dma_wait3A_37 = tpu.memref_slice %arg3[%mul3A_35] : memref<41600000xf32, #tpu.memory_space<hbm>> -> memref<13312xf32, #tpu.memory_space<hbm>>
    tpu.wait_dma2 semaphore(%arg11 : memref<!tpu.dma_semaphore, #tpu.memory_space<semaphore_mem>>) src(%arg7 : memref<13312xf32, #tpu.memory_space<vmem>>) dst(%dma_wait3A_37 : memref<13312xf32, #tpu.memory_space<hbm>>)
    return
  }
}

</mosaic_0001>

<sc_bundles>
// kernel: kernel.4.cloned.1.call-start
scs
__scs_entry_jumppad:
0x0: {  	(pc) =	sbr.rel $0x88, $3  }
0x1: {  	(tag) =	ssettag $0x0;
	lr =	simm.s32 $0x1  }
0x2: {  	[smem:$0x3F9F] =	sst lr;
	_ =	strace $0xD0000000  }
0x3: {  	_ = 	snop  }
0x4: {  	_ = 	snop  }
0x5: {  	_ = 	snop  }
0x6: {  	_ = 	snop  }
0x7: {  	_ = 	snop  }
__scs_overlays_trampoline_lowered:
0x8: {  	[smem:$0x3FAE] =	sst s0  }
0x9: {  	[smem:$0x3FAF] =	sst s1  }
0xa: {  	[smem:$0x3FB0] =	sst s2  }
0xb: {  	[smem:$0x3FB1] =	sst s3  }
0xc: {  	[smem:$0x3FB2] =	sst s4  }
0xd: {  	[smem:$0x3FB3] =	sst s5  }
0xe: {  	[smem:$0x3FB4] =	sst s6  }
0xf: {  	[smem:$0x3FB5] =	sst s7  }
0x10: {  	[smem:$0x3FB6] =	sst s8  }
0x11: {  	[smem:$0x3FB7] =	sst s9;
	s0 =	simm.s32 @!p0 $0x0  }
0x12: {  	s1 =	sld [smem:$0x3F9D];
	s0 =	simm.s32 @p0 $0x1  }
0x13: {  	[smem:$0x3FB8] =	sst s0;
	s0 =	simm.s32 @!p1 $0x0  }
0x14: {  	s2 =	sld [smem:$0x3F9C];
	s0 =	simm.s32 @p1 $0x1  }
0x15: {  	[smem:$0x3FB9] =	sst s0;
	s0 =	simm.s32 @!p2 $0x0  }
0x16: {  	s3 =	sld [smem:$0x3FDB];
	s0 =	simm.s32 @p2 $0x1  }
0x17: {  	s4 =	simm.s32 $0x1BF5;
	[smem:$0x3FBB] =	sst s0  }
0x18: {  	s0 =	sld [smem:$0x3F9E];
	_ =	swait.ge [sflag:s4], $0x0  }
0x19: {  	s7 =	sld [smem:$0x3F9F]  }
0x1a: {  	s8 =	sadd.s32 $0xFFFFE003, lr  }
0x1b: {  	s9 =	sadd.s32 $0xFFFFFEF7, lr;
	s5 =	simm.s32 $0xFFFFFFFF;
	p2 =	slt.u32 s8, $0xFFFFF086  }
0x1c: {  	p1 =	slt.u32 s9, $0xF7A;
	s5 =	simm.s32 @!p2 $0x0  }
0x1d: {  	s5 =	simm.s32 @p1 $0x1;
	p0 =	seq.s32 s7, s2  }
0x1e: {  	s7 =	smul.u32 @!p0 $0xF7A, s2;
	p2 =	seq.s32 @!p0 s5, $0x0  }
0x1f: {  	s9 =	smul.u32 $0xF7A, s1;
	s8 =	simm.s32 @!p0 $0x1BF5;
	p2 =	por !p2, p0  }
0x20: {  	[sflag:s8] =	ssyncset.s32 @!p0 $0xFFFFF086;
	s6 =	sadd.s32 @!p0 s3, s7;
	s7 =	simm.s32 @!p0 $0x108  }
0x21: {  	s3 =	sadd.s32 s3, s9;
	s6 =	sadd.s32 @!p0 $0x88, s6;
	s7 =	simm.s32 @p2 $0x1082  }
0x22: {  	[simem:s7], [sflag:s8] =	dma.local @!p0 [hbm:s6], $0xF7A  }
0x23: {  	s9 =	sor.u32 $0xD0000000, s2;
	s6 =	simm.s32 $0x108;
	_ =	swait.ge @!p0 [sflag:s8], $0x0  }
0x24: {  	s3 =	sadd.s32 $0x88, s3;
	s6 =	simm.s32 @!p1 $0x1082;
	[sflag:s4] =	ssyncset.s32 $0xFFFFF086  }
0x25: {  	[simem:s6], [sflag:s4] =	dma.local [hbm:s3], $0xF7A  }
0x26: {  	[smem:$0x3F9F] =	sst s1;
	(tag) =	ssettag s2;
	_ =	strace s9  }
0x27: {  	s1 =	sld [smem:$0x3FAF]  }
0x28: {  	s2 =	sld [smem:$0x3FB0]  }
0x29: {  	s4 =	sld [smem:$0x3FB2]  }
0x2a: {  	p0 =	seq.s32 s5, $0x0;
	s5 =	sld [smem:$0x3FB3]  }
0x2b: {  	s6 =	sld [smem:$0x3FB4]  }
0x2c: {  	s7 =	sld [smem:$0x3FB5]  }
0x2d: {  	s3 =	simm.s32 $0x108;
	s8 =	sld [smem:$0x3FB6]  }
0x2e: {  	s3 =	simm.s32 @!p0 $0x1082;
	s9 =	sld [smem:$0x3FB7]  }
0x2f: {  	lr =	sadd.s32 s0, s3;
	s0 =	sld [smem:$0x3FAE]  }
0x30: {  	s3 =	sld [smem:$0x3FB1]  }
0x31: {  	[smem:$0x3FBA] =	sst s10  }
0x32: {  	s10 =	sld [smem:$0x3FB8];
	_ =	sdelay $0x3  }
0x33: {  	p0 =	seq.s32 s10, $0x1;
	s10 =	sld [smem:$0x3FBA];
	_ =	sdelay $0x3  }
0x34: {  	[smem:$0x3FBA] =	sst s10  }
0x35: {  	s10 =	sld [smem:$0x3FB9];
	_ =	sdelay $0x3  }
0x36: {  	p1 =	seq.s32 s10, $0x1;
	s10 =	sld [smem:$0x3FBA];
	_ =	sdelay $0x3  }
0x37: {  	[smem:$0x3FBA] =	sst s10  }
0x38: {  	s10 =	sld [smem:$0x3FBB]  }
0x39: {  	_ = 	snop;
	(pc) =	sbr.ind lr, $3  }
0x3a: {  	_ = 	snop  }
0x3b: {  	_ = 	snop  }
0x3c: {  	p2 =	seq.s32 s10, $0x1;
	s10 =	sld [smem:$0x3FBA]  }
0x3d: {  	_ =	shalt  }
0x3e: {  	_ =	shalt  }
0x3f: {  	_ =	shalt  }
0x40: {  	_ =	shalt  }
0x41: {  	_ =	shalt  }
0x42: {  	_ =	shalt  }
0x43: {  	_ =	shalt  }
0x44: {  	_ =	shalt  }
0x45: {  	_ =	shalt  }
0x46: {  	_ =	shalt  }
0x47: {  	_ =	shalt  }
0x48: {  	_ =	shalt  }
0x49: {  	_ =	shalt  }
0x4a: {  	_ =	shalt  }
0x4b: {  	_ =	shalt  }
0x4c: {  	_ =	shalt  }
0x4d: {  	_ =	shalt  }
0x4e: {  	_ =	shalt  }
0x4f: {  	_ =	shalt  }
0x50: {  	_ =	shalt  }
0x51: {  	_ =	shalt  }
0x52: {  	_ =	shalt  }
0x53: {  	_ =	shalt  }
0x54: {  	_ =	shalt  }
0x55: {  	_ =	shalt  }
0x56: {  	_ =	shalt  }
0x57: {  	_ =	shalt  }
0x58: {  	_ =	shalt  }
0x59: {  	_ =	shalt  }
0x5a: {  	_ =	shalt  }
0x5b: {  	_ =	shalt  }
0x5c: {  	_ =	shalt  }
0x5d: {  	_ =	shalt  }
0x5e: {  	_ =	shalt  }
0x5f: {  	_ =	shalt  }
0x60: {  	_ =	shalt  }
0x61: {  	_ =	shalt  }
0x62: {  	_ =	shalt  }
0x63: {  	_ =	shalt  }
0x64: {  	_ =	shalt  }
0x65: {  	_ =	shalt  }
0x66: {  	_ =	shalt  }
0x67: {  	_ =	shalt  }
0x68: {  	_ =	shalt  }
0x69: {  	_ =	shalt  }
0x6a: {  	_ =	shalt  }
0x6b: {  	_ =	shalt  }
0x6c: {  	_ =	shalt  }
0x6d: {  	_ =	shalt  }
0x6e: {  	_ =	shalt  }
0x6f: {  	_ =	shalt  }
0x70: {  	_ =	shalt  }
0x71: {  	_ =	shalt  }
0x72: {  	_ =	shalt  }
0x73: {  	_ =	shalt  }
0x74: {  	_ =	shalt  }
0x75: {  	_ =	shalt  }
0x76: {  	_ =	shalt  }
0x77: {  	_ =	shalt  }
0x78: {  	_ =	shalt  }
0x79: {  	_ =	shalt  }
0x7a: {  	_ =	shalt  }
0x7b: {  	_ =	shalt  }
0x7c: {  	_ =	shalt  }
0x7d: {  	_ =	shalt  }
0x7e: {  	_ =	shalt  }
0x7f: {  	_ =	shalt  }
0x80: {  	_ =	shalt  }
0x81: {  	_ =	shalt  }
0x82: {  	_ =	shalt  }
0x83: {  	_ =	shalt  }
0x84: {  	_ =	shalt  }
0x85: {  	_ =	shalt  }
0x86: {  	_ =	shalt  }
0x87: {  	_ =	shalt  }
.Lfunc_end0:
.L_simem_size_0:
called_computation_lowered:
.L_overlay_start_0:
0x88: {  	s2 =	sld [smem:$0x3FD9]  }
0x89: {  	s3 =	sld [smem:$0x3FFE];
	_ =	sdelay $0x1  }
0x8a: {  	s1 =	srdreg.scid  }
0x8b: {  	s0 =	sand.u32 $0x1, s1  }
0x8c: {  	s16 =	sshll.u32 s0, $0xA;
	s2 =	sadd.s32 s3, s2  }
0x8d: {  	s2 =	sadd.s32 s2, s16  }
0x8e: {  	[smem:$0x3FC6] =	sst s2  }
0x8f: {  	_ = 	snop  }
0x90: {  	(tm) =	ssettm $0x1  }
0x91: {  	s17 =	sld [smem:$0x3FFB];
	_ =	sdelay $0x3  }
0x92: {  	_ =	strace s17  }
0x93: {  	s2 =	sld [smem:$0x3FFC];
	_ =	sdelay $0x3  }
0x94: {  	_ =	strace s2  }
0x95: {  	s2 =	sld [smem:$0x3FFD];
	_ =	sdelay $0x3  }
0x96: {  	_ =	strace s2  }
0x97: {  	_ =	strace $0x8FFFFFFF  }
0x98: {  	s18 =	sld [smem:$0x3FDB];
	_ =	sdelay $0x1  }
0x99: {  	s19 =	simm.s32 $_scs_section_size  }
0x9a: {  	s4 =	simm.s32 $_size__tile_overlayer_lowered;
	s5 =	simm.s32 $_tile_overlayer_lowered  }
0x9b: {  	s22 =	simm.s32 $0x1BFF;
	s21 =	sshll.u32 s5, $0x1;
	s2 =	sadd.s32 s19, s18  }
0x9c: {  	s6 =	simm.s32 $0x0;
	s20 =	sshll.u32 s4, $0x1;
	s4 =	sadd.s32 s21, s2  }
0x9d: {  	[timem:s6], [sflag:s22] =	dma.local [hbm:s4], s20  }
0x9e: {  	_ =	swait.ge [sflag:s22], s20  }
0x9f: {  	s3 =	ssub.s32 $0x0, s20;
	[sflag:s22] =	ssyncset.done $0x0  }
0xa0: {  	[sflag:s22] =	ssyncadd.s32 s3;
	_ =	sdelay $0x1  }
0xa1: {  	s23 =	simm.s32 $0x1B8B  }
0xa2: {  	_ =	swait.ge [sflag:s23], $0x1  }
0xa3: {  	[sflag:s23] =	ssyncset.done $0x0  }
0xa4: {  	s25 =	simm.s32 $0x1B8E;
	s24 =	sld [smem:$0x3FFE];
	[sflag:s23] =	ssyncadd.s32 $0xFFFFFFFF  }
0xa5: {  	s26 =	simm.s32 $execute0_lowered;
	[smem:$0x3FD2] =	sst s25  }
0xa6: {  	s4 =	sshll.u32 s26, $0x1;
	_ =	strace $0x80000046;
	[dreg:$0x1] =	wrdreg $0xFFFFFFFF  }
0xa7: {  	s28 =	simm.s32 $_size_execute0_lowered;
	s2 =	sadd.s32 s2, s4;
	[dreg:$0x0] =	wrdreg $0x0  }
0xa8: {  	s4 =	sshll.u32 s28, $0x1;
	[dreg:$0x2] =	wrdreg s2  }
0xa9: {  	[dreg:$0x3] =	wrdreg s4  }
0xaa: {  	[dreg:$0x4] =	wrdreg $0xC0  }
0xab: {  	_ =	task [dreg:s6], $0x5FFFF  }
0xac: {  	[dreg:$0x1] =	wrdreg $0xFFFFFFFF  }
0xad: {  	[dreg:$0x0] =	wrdreg $0x60  }
0xae: {  	[dreg:$0x2] =	wrdreg s24  }
0xaf: {  	[dreg:$0x3] =	wrdreg $0x9  }
0xb0: {  	_ =	task.clear_ibuf [dreg:s6], $0x4FFFF;
	_ =	strace $0x90000046  }
0xb1: {  	s29 =	simm.s32 $0x9;
	_ =	strace $0x80000048  }
0xb2: {  	_ =	swait.ge [sflag:s29], $0x1  }
0xb3: {  	[sflag:s29] =	ssyncadd.s32 $0xFFFFFFFF  }
0xb4: {  	_ =	strace $0x90000048  }
0xb5: {  	_ =	sfence  }
0xb6: {  	s30 =	sld [smem:$0x0];
	_ =	sdelay $0x2  }
0xb7: {  	s31 =	sshll.u32 s1, $0xD;
	s1 =	sshrl.u32 s1, $0x2  }
0xb8: {  	s3 =	sand.u32 $0x4000, s31;
	s1 =	sadd.s32 s1, s30  }
0xb9: {  	s0 =	sor.u32 s3, s0;
	s1 =	sshll.u32 s1, $0x11  }
0xba: {  	s0 =	sor.u32 s1, s0  }
0xbb: {  	s0 =	sadd.s32 $0x8F2B, s0  }
0xbc: {  	[sflag:s0] =	ssyncadd.remote.s32 $0x1  }
0xbd: {  	_ =	sfence.sel $0xFFFF  }
0xbe: {  	[dreg:$0x0] =	wrdreg $0xFFFFFFFF;
	(pc) =	sbr.abs _section_cstart, $3  }
0xbf: {  	[dreg:$0x1] =	wrdreg $0xFFFFFFFF  }
0xc0: {  	_ =	task.clear_ibuf [dreg:s6], $0x2FFFF;
	_ =	strace $0x9FFFFFFF  }
0xc1: {  	(tm) =	ssettm $0x7FFFFFFF  }
tec
execute0_lowered:
.L_overlay_start_1:
0x0: {  	(tag) =	ssettag $0x1  }
0x1: {  	s5 =	rddreg [dreg:$0x0]  }
0x2: {  	s0 =	rddreg [dreg:$0x1];
	s2 =	simm.s32 $0x0;
	s3 =	srdreg.scid  }
0x3: {  	s1 =	stileid.u32;
	s10 =	simm.s32 $0x20;
	s11 =	simm.s32 $0x186A0  }
0x4: {  	s12 =	simm.s32 $0x3400;
	s13 =	simm.s32 $0x1;
	s14 =	simm.s32 $0x6800  }
0x5: {  	s15 =	simm.s32 $0x2;
	s16 =	simm.s32 $0x4;
	s17 =	simm.s32 $0x9C00  }
0x6: {  	s18 =	simm.s32 $0x3;
	s19 =	simm.s32 $0x0;
	[smem:$0x7FF] =	sst s2  }
0x7: {  	s4 =	sand.u32 $0x1, s3;
	s6 =	sshll.u32 s1, $0x6;
	s3 =	sadd.s32 $0xA00, s5  }
0x8: {  	s5 =	sadd.s32 $0x4F6400, s5;
	s7 =	sshll.u32 s4, $0x5;
	s8 =	ssub.s32 $0x2, s4  }
0x9: {  	v0 =	vlaneseq.u32;
	_ =	strace $0x80000047;
	s4 =	sor.u32 s7, s6;
	s31 =	sshrl.u32 s8, $0x1  }
0xa: {  	v0 =	vmul.u32 $0x1A0, v0;
	s7 =	sshrl.u32 s4, $0x3;
	s9 =	ssub.s32 s8, s31;
	s8 =	sor.u32 $0x800, s4  }
0xb: {  	s6 =	sadd.s32 s3, s7;
	s7 =	sor.u32 $0x400, s4;
	s9 =	smax.u32 s9, $0x1  }
.LBB2_1:
0xc: {  	[tilespmem:s2], [sflag:$0x1] =	stream.strided.gather [hbm4b:s6+s10], $0x3400, s11, s10, $0x38;
	[tilespmem:$0xD000] =	vst v63  }
0xd: {  	s20 =	simm.s32 $0x0  }
.LBB2_2:
0xe: {  	s22 =	sshll.u32 s20, $0xB  }
0xf: {  	s21 =	sor.u32 s7, s22  }
0x10: {  	s21 =	smin.u32 s21, $0x18680  }
0x11: {  	s23 =	sshrl.u32 s21, $0x3  }
0x12: {  	s23 =	sadd.s32 s3, s23  }
0x13: {  	[tilespmem:s12], [sflag:$0x2] =	stream.strided.gather [hbm4b:s23+s10], $0x3400, s11, s10, $0x38;
	[tilespmem:$0xD000] =	vst v63  }
0x14: {  	_ =	swait.ge [sflag:s13], $0x3400  }
0x15: {  	p0 =	seq.s32 s20, $0x0;
	[sflag:s13] =	ssyncset.done $0x0  }
0x16: {  	s24 =	simm.s32 @!p0 $0x3;
	[sflag:s13] =	ssyncadd.s32 $0xFFFFCC00  }
0x17: {  	s25 =	simm.s32 $0x100;
	_ =	swait.ge @!p0 [sflag:s24], $0x3400  }
0x18: {  	s28 =	simm.s32 $0x0;
	s26 =	simm.s32 $0x1A1F;
	[sflag:s24] =	ssyncset.done @!p0 $0x0  }
0x19: {  	s23 =	sor.u32 s4, s22;
	[sflag:s24] =	ssyncadd.s32 @!p0 $0xFFFFCC00;
	s24 =	simm.s32 $0x1A0F  }
.LBB2_3:
0x1a: {  	p1 =	sne.s32 s26, $0x1B9F;
	v1 =	vld [tilespmem:s25+$0xFFFFFF00];
	v2 =	vadd.s32 s28, v0;
	_ =	sdelay $0x4  }
0x1b: {  	s28 =	sadd.s32 $0xFFFFFFF1, s24;
	[tilespmem:v2+s14+$0x0] =	vst.idx.msk $0xffff, v1  }
0x1c: {  	v2 =	vadd.s32 s28, v0;
	v1 =	vld [tilespmem:s25+$0xFFFFFF10];
	_ =	sdelay $0x4  }
0x1d: {  	s28 =	sadd.s32 $0xFFFFE5F2, s24;
	[tilespmem:v2+s14+$0x0] =	vst.idx.msk $0xffff, v1  }
0x1e: {  	v2 =	vadd.s32 s28, v0;
	v1 =	vld [tilespmem:s25+$0xFFFFFF20];
	_ =	sdelay $0x4  }
0x1f: {  	s28 =	sadd.s32 $0xFFFFFFF2, s24;
	[tilespmem:v2+s14+$0x0] =	vst.idx.msk $0xffff, v1  }
0x20: {  	v2 =	vadd.s32 s28, v0;
	v1 =	vld [tilespmem:s25+$0xFFFFFF30];
	_ =	sdelay $0x4  }
0x21: {  	s28 =	sadd.s32 $0xFFFFE5F3, s24;
	[tilespmem:v2+s14+$0x0] =	vst.idx.msk $0xffff, v1  }
0x22: {  	v2 =	vadd.s32 s28, v0;
	v1 =	vld [tilespmem:s25+$0xFFFFFF40];
	_ =	sdelay $0x4  }
0x23: {  	s28 =	sadd.s32 $0xFFFFFFF3, s24;
	[tilespmem:v2+s14+$0x0] =	vst.idx.msk $0xffff, v1  }
0x24: {  	v2 =	vadd.s32 s28, v0;
	v1 =	vld [tilespmem:s25+$0xFFFFFF50];
	_ =	sdelay $0x4  }
0x25: {  	s28 =	sadd.s32 $0xFFFFE5F4, s24;
	[tilespmem:v2+s14+$0x0] =	vst.idx.msk $0xffff, v1  }
0x26: {  	v2 =	vadd.s32 s28, v0;
	v1 =	vld [tilespmem:s25+$0xFFFFFF60];
	_ =	sdelay $0x4  }
0x27: {  	s28 =	sadd.s32 $0xFFFFFFF4, s24;
	[tilespmem:v2+s14+$0x0] =	vst.idx.msk $0xffff, v1  }
0x28: {  	v2 =	vadd.s32 s28, v0;
	v1 =	vld [tilespmem:s25+$0xFFFFFF70];
	_ =	sdelay $0x4  }
0x29: {  	s28 =	sadd.s32 $0xFFFFE5F5, s24;
	[tilespmem:v2+s14+$0x0] =	vst.idx.msk $0xffff, v1  }
0x2a: {  	v2 =	vadd.s32 s28, v0;
	v1 =	vld [tilespmem:s25+$0xFFFFFF80];
	_ =	sdelay $0x4  }
0x2b: {  	s28 =	sadd.s32 $0xFFFFFFF5, s24;
	[tilespmem:v2+s14+$0x0] =	vst.idx.msk $0xffff, v1  }
0x2c: {  	v2 =	vadd.s32 s28, v0;
	v1 =	vld [tilespmem:s25+$0xFFFFFF90];
	_ =	sdelay $0x4  }
0x2d: {  	s28 =	sadd.s32 $0xFFFFE5F6, s24;
	[tilespmem:v2+s14+$0x0] =	vst.idx.msk $0xffff, v1  }
0x2e: {  	v2 =	vadd.s32 s28, v0;
	v1 =	vld [tilespmem:s25+$0xFFFFFFA0];
	_ =	sdelay $0x4  }
0x2f: {  	s28 =	sadd.s32 $0xFFFFFFF6, s24;
	[tilespmem:v2+s14+$0x0] =	vst.idx.msk $0xffff, v1  }
0x30: {  	v2 =	vadd.s32 s28, v0;
	v1 =	vld [tilespmem:s25+$0xFFFFFFB0];
	_ =	sdelay $0x4  }
0x31: {  	s28 =	sadd.s32 $0xFFFFE5F7, s24;
	[tilespmem:v2+s14+$0x0] =	vst.idx.msk $0xffff, v1  }
0x32: {  	v2 =	vadd.s32 s28, v0;
	v1 =	vld [tilespmem:s25+$0xFFFFFFC0];
	_ =	sdelay $0x4  }
0x33: {  	s28 =	sadd.s32 $0xFFFFFFF7, s24;
	[tilespmem:v2+s14+$0x0] =	vst.idx.msk $0xffff, v1  }
0x34: {  	v2 =	vadd.s32 s28, v0;
	v1 =	vld [tilespmem:s25+$0xFFFFFFD0];
	_ =	sdelay $0x4  }
0x35: {  	s28 =	sadd.s32 $0xFFFFE5F8, s24;
	[tilespmem:v2+s14+$0x0] =	vst.idx.msk $0xffff, v1  }
0x36: {  	v2 =	vadd.s32 s28, v0;
	v1 =	vld [tilespmem:s25+$0xFFFFFFE0];
	_ =	sdelay $0x4  }
0x37: {  	s28 =	sadd.s32 $0xFFFFFFF8, s24;
	[tilespmem:v2+s14+$0x0] =	vst.idx.msk $0xffff, v1  }
0x38: {  	v2 =	vadd.s32 s28, v0;
	v1 =	vld [tilespmem:s25+$0xFFFFFFF0];
	_ =	sdelay $0x4  }
0x39: {  	s28 =	sadd.s32 $0xFFFFE5F9, s24;
	[tilespmem:v2+s14+$0x0] =	vst.idx.msk $0xffff, v1  }
0x3a: {  	v2 =	vadd.s32 s28, v0;
	v1 =	vld [tilespmem:s25+$0x0];
	_ =	sdelay $0x4  }
0x3b: {  	s28 =	sadd.s32 $0xFFFFFFF9, s24;
	[tilespmem:v2+s14+$0x0] =	vst.idx.msk $0xffff, v1  }
0x3c: {  	v2 =	vadd.s32 s28, v0;
	v1 =	vld [tilespmem:s25+$0x10];
	_ =	sdelay $0x4  }
0x3d: {  	s28 =	sadd.s32 $0xFFFFE5FA, s24;
	[tilespmem:v2+s14+$0x0] =	vst.idx.msk $0xffff, v1  }
0x3e: {  	v2 =	vadd.s32 s28, v0;
	v1 =	vld [tilespmem:s25+$0x20];
	_ =	sdelay $0x4  }
0x3f: {  	s28 =	sadd.s32 $0xFFFFFFFA, s24;
	[tilespmem:v2+s14+$0x0] =	vst.idx.msk $0xffff, v1  }
0x40: {  	v2 =	vadd.s32 s28, v0;
	v1 =	vld [tilespmem:s25+$0x30];
	_ =	sdelay $0x4  }
0x41: {  	s28 =	sadd.s32 $0xFFFFE5FB, s24;
	[tilespmem:v2+s14+$0x0] =	vst.idx.msk $0xffff, v1  }
0x42: {  	v2 =	vadd.s32 s28, v0;
	v1 =	vld [tilespmem:s25+$0x40];
	_ =	sdelay $0x4  }
0x43: {  	s28 =	sadd.s32 $0xFFFFFFFB, s24;
	[tilespmem:v2+s14+$0x0] =	vst.idx.msk $0xffff, v1  }
0x44: {  	v2 =	vadd.s32 s28, v0;
	v1 =	vld [tilespmem:s25+$0x50];
	_ =	sdelay $0x4  }
0x45: {  	s28 =	sadd.s32 $0xFFFFE5FC, s24;
	[tilespmem:v2+s14+$0x0] =	vst.idx.msk $0xffff, v1  }
0x46: {  	v2 =	vadd.s32 s28, v0;
	v1 =	vld [tilespmem:s25+$0x60];
	_ =	sdelay $0x4  }
0x47: {  	s28 =	sadd.s32 $0xFFFFFFFC, s24;
	[tilespmem:v2+s14+$0x0] =	vst.idx.msk $0xffff, v1  }
0x48: {  	v2 =	vadd.s32 s28, v0;
	v1 =	vld [tilespmem:s25+$0x70];
	_ =	sdelay $0x4  }
0x49: {  	s28 =	sadd.s32 $0xFFFFE5FD, s24;
	[tilespmem:v2+s14+$0x0] =	vst.idx.msk $0xffff, v1  }
0x4a: {  	v2 =	vadd.s32 s28, v0;
	v1 =	vld [tilespmem:s25+$0x80];
	_ =	sdelay $0x4  }
0x4b: {  	s28 =	sadd.s32 $0xFFFFFFFD, s24;
	[tilespmem:v2+s14+$0x0] =	vst.idx.msk $0xffff, v1  }
0x4c: {  	v2 =	vadd.s32 s28, v0;
	v1 =	vld [tilespmem:s25+$0x90];
	_ =	sdelay $0x4  }
0x4d: {  	s28 =	sadd.s32 $0xFFFFE5FE, s24;
	[tilespmem:v2+s14+$0x0] =	vst.idx.msk $0xffff, v1  }
0x4e: {  	v2 =	vadd.s32 s28, v0;
	v1 =	vld [tilespmem:s25+$0xA0];
	_ =	sdelay $0x4  }
0x4f: {  	s28 =	sadd.s32 $0xFFFFFFFE, s24;
	[tilespmem:v2+s14+$0x0] =	vst.idx.msk $0xffff, v1  }
0x50: {  	v2 =	vadd.s32 s28, v0;
	v1 =	vld [tilespmem:s25+$0xB0];
	_ =	sdelay $0x4  }
0x51: {  	s28 =	sadd.s32 $0xFFFFE5FF, s24;
	[tilespmem:v2+s14+$0x0] =	vst.idx.msk $0xffff, v1  }
0x52: {  	v2 =	vadd.s32 s28, v0;
	v1 =	vld [tilespmem:s25+$0xC0];
	_ =	sdelay $0x4  }
0x53: {  	s28 =	sadd.s32 $0xFFFFFFFF, s24;
	[tilespmem:v2+s14+$0x0] =	vst.idx.msk $0xffff, v1  }
0x54: {  	v2 =	vadd.s32 s28, v0;
	v1 =	vld [tilespmem:s25+$0xD0];
	_ =	sdelay $0x4  }
0x55: {  	s28 =	sadd.s32 $0xFFFFE600, s24;
	[tilespmem:v2+s14+$0x0] =	vst.idx.msk $0xffff, v1  }
0x56: {  	v2 =	vadd.s32 s28, v0;
	v1 =	vld [tilespmem:s25+$0xE0];
	_ =	sdelay $0x4  }
0x57: {  	[tilespmem:v2+s14+$0x0] =	vst.idx.msk $0xffff, v1  }
0x58: {  	v2 =	vadd.s32 s24, v0;
	s24 =	smov.u32 s26;
	v1 =	vld [tilespmem:s25+$0xF0]  }
.Ltmp0:
0x59: {  	(pc) =	sbr.rel @p1 .LBB2_3-.Ltmp0, $2  }
0x5a: {  	_ =	sdelay $0x2  }
0x5b: {  	s26 =	sadd.s32 $0x10, s26;
	s28 =	sadd.s32 $0xFFFFE5F1, s24;
	s25 =	sadd.s32 $0x200, s25;
	[tilespmem:v2+s14+$0x0] =	vst.idx.msk $0xffff, v1  }
0x5c: {  	v1 =	vld [tilespmem:s25+$0xFFFFFF00];
	v2 =	vadd.s32 s28, v0;
	_ =	sdelay $0x4  }
0x5d: {  	s26 =	sadd.s32 $0xFFFFFFF1, s24;
	[tilespmem:v2+s14+$0x0] =	vst.idx.msk $0xffff, v1  }
0x5e: {  	v2 =	vadd.s32 s26, v0;
	v1 =	vld [tilespmem:s25+$0xFFFFFF10];
	_ =	sdelay $0x4  }
0x5f: {  	s31 =	sadd.s32 $0xFFFFE5F2, s24;
	[tilespmem:v2+s14+$0x0] =	vst.idx.msk $0xffff, v1  }
0x60: {  	v2 =	vadd.s32 s31, v0;
	v1 =	vld [tilespmem:s25+$0xFFFFFF20];
	_ =	sdelay $0x4  }
0x61: {  	s28 =	sadd.s32 $0xFFFFFFF2, s24;
	[tilespmem:v2+s14+$0x0] =	vst.idx.msk $0xffff, v1  }
0x62: {  	v2 =	vadd.s32 s28, v0;
	v1 =	vld [tilespmem:s25+$0xFFFFFF30];
	_ =	sdelay $0x4  }
0x63: {  	s29 =	sadd.s32 $0xFFFFE5F3, s24;
	[tilespmem:v2+s14+$0x0] =	vst.idx.msk $0xffff, v1  }
0x64: {  	v2 =	vadd.s32 s29, v0;
	v1 =	vld [tilespmem:s25+$0xFFFFFF40];
	_ =	sdelay $0x4  }
0x65: {  	s30 =	sadd.s32 $0xFFFFFFF3, s24;
	[tilespmem:v2+s14+$0x0] =	vst.idx.msk $0xffff, v1  }
0x66: {  	v2 =	vadd.s32 s30, v0;
	v1 =	vld [tilespmem:s25+$0xFFFFFF50];
	_ =	sdelay $0x4  }
0x67: {  	s31 =	sadd.s32 $0xFFFFE5F4, s24;
	[tilespmem:v2+s14+$0x0] =	vst.idx.msk $0xffff, v1  }
0x68: {  	v2 =	vadd.s32 s31, v0;
	v1 =	vld [tilespmem:s25+$0xFFFFFF60];
	_ =	sdelay $0x4  }
0x69: {  	s28 =	sadd.s32 $0xFFFFFFF4, s24;
	[tilespmem:v2+s14+$0x0] =	vst.idx.msk $0xffff, v1  }
0x6a: {  	v2 =	vadd.s32 s28, v0;
	v1 =	vld [tilespmem:s25+$0xFFFFFF70];
	_ =	sdelay $0x4  }
0x6b: {  	s29 =	sadd.s32 $0xFFFFE5F5, s24;
	[tilespmem:v2+s14+$0x0] =	vst.idx.msk $0xffff, v1  }
0x6c: {  	v2 =	vadd.s32 s29, v0;
	v1 =	vld [tilespmem:s25+$0xFFFFFF80];
	_ =	sdelay $0x4  }
0x6d: {  	s30 =	sadd.s32 $0xFFFFFFF5, s24;
	[tilespmem:v2+s14+$0x0] =	vst.idx.msk $0xffff, v1  }
0x6e: {  	v2 =	vadd.s32 s30, v0;
	v1 =	vld [tilespmem:s25+$0xFFFFFF90];
	_ =	sdelay $0x4  }
0x6f: {  	s31 =	sadd.s32 $0xFFFFE5F6, s24;
	[tilespmem:v2+s14+$0x0] =	vst.idx.msk $0xffff, v1  }
0x70: {  	v2 =	vadd.s32 s31, v0;
	v1 =	vld [tilespmem:s25+$0xFFFFFFA0];
	_ =	sdelay $0x4  }
0x71: {  	s28 =	sadd.s32 $0xFFFFFFF6, s24;
	[tilespmem:v2+s14+$0x0] =	vst.idx.msk $0xffff, v1  }
0x72: {  	v2 =	vadd.s32 s28, v0;
	v1 =	vld [tilespmem:s25+$0xFFFFFFB0];
	_ =	sdelay $0x4  }
0x73: {  	s29 =	sadd.s32 $0xFFFFE5F7, s24;
	[tilespmem:v2+s14+$0x0] =	vst.idx.msk $0xffff, v1  }
0x74: {  	v2 =	vadd.s32 s29, v0;
	v1 =	vld [tilespmem:s25+$0xFFFFFFC0];
	_ =	sdelay $0x4  }
0x75: {  	s30 =	sadd.s32 $0xFFFFFFF7, s24;
	[tilespmem:v2+s14+$0x0] =	vst.idx.msk $0xffff, v1  }
0x76: {  	v2 =	vadd.s32 s30, v0;
	v1 =	vld [tilespmem:s25+$0xFFFFFFD0];
	_ =	sdelay $0x4  }
0x77: {  	s31 =	sadd.s32 $0xFFFFE5F8, s24;
	[tilespmem:v2+s14+$0x0] =	vst.idx.msk $0xffff, v1  }
0x78: {  	v2 =	vadd.s32 s31, v0;
	v1 =	vld [tilespmem:s25+$0xFFFFFFE0];
	_ =	sdelay $0x4  }
0x79: {  	s28 =	sadd.s32 $0xFFFFFFF8, s24;
	[tilespmem:v2+s14+$0x0] =	vst.idx.msk $0xffff, v1  }
0x7a: {  	v2 =	vadd.s32 s28, v0;
	v1 =	vld [tilespmem:s25+$0xFFFFFFF0];
	_ =	sdelay $0x4  }
0x7b: {  	s29 =	sadd.s32 $0xFFFFE5F9, s24;
	[tilespmem:v2+s14+$0x0] =	vst.idx.msk $0xffff, v1  }
0x7c: {  	v2 =	vadd.s32 s29, v0;
	v1 =	vld [tilespmem:s25+$0x0];
	_ =	sdelay $0x4  }
0x7d: {  	s30 =	sadd.s32 $0xFFFFFFF9, s24;
	[tilespmem:v2+s14+$0x0] =	vst.idx.msk $0xffff, v1  }
0x7e: {  	v2 =	vadd.s32 s30, v0;
	v1 =	vld [tilespmem:s25+$0x10];
	_ =	sdelay $0x4  }
0x7f: {  	s31 =	sadd.s32 $0xFFFFE5FA, s24;
	[tilespmem:v2+s14+$0x0] =	vst.idx.msk $0xffff, v1  }
0x80: {  	v2 =	vadd.s32 s31, v0;
	v1 =	vld [tilespmem:s25+$0x20];
	_ =	sdelay $0x4  }
0x81: {  	s28 =	sadd.s32 $0xFFFFFFFA, s24;
	[tilespmem:v2+s14+$0x0] =	vst.idx.msk $0xffff, v1  }
0x82: {  	v2 =	vadd.s32 s28, v0;
	v1 =	vld [tilespmem:s25+$0x30];
	_ =	sdelay $0x4  }
0x83: {  	s29 =	sadd.s32 $0xFFFFE5FB, s24;
	[tilespmem:v2+s14+$0x0] =	vst.idx.msk $0xffff, v1  }
0x84: {  	v2 =	vadd.s32 s29, v0;
	v1 =	vld [tilespmem:s25+$0x40];
	_ =	sdelay $0x4  }
0x85: {  	s30 =	sadd.s32 $0xFFFFFFFB, s24;
	[tilespmem:v2+s14+$0x0] =	vst.idx.msk $0xffff, v1  }
0x86: {  	v2 =	vadd.s32 s30, v0;
	v1 =	vld [tilespmem:s25+$0x50];
	_ =	sdelay $0x4  }
0x87: {  	s31 =	sadd.s32 $0xFFFFE5FC, s24;
	[tilespmem:v2+s14+$0x0] =	vst.idx.msk $0xffff, v1  }
0x88: {  	v2 =	vadd.s32 s31, v0;
	v1 =	vld [tilespmem:s25+$0x60];
	_ =	sdelay $0x4  }
0x89: {  	s28 =	sadd.s32 $0xFFFFFFFC, s24;
	[tilespmem:v2+s14+$0x0] =	vst.idx.msk $0xffff, v1  }
0x8a: {  	v2 =	vadd.s32 s28, v0;
	v1 =	vld [tilespmem:s25+$0x70];
	_ =	sdelay $0x4  }
0x8b: {  	s29 =	sadd.s32 $0xFFFFE5FD, s24;
	[tilespmem:v2+s14+$0x0] =	vst.idx.msk $0xffff, v1  }
0x8c: {  	v2 =	vadd.s32 s29, v0;
	v1 =	vld [tilespmem:s25+$0x80];
	_ =	sdelay $0x4  }
0x8d: {  	s30 =	sadd.s32 $0xFFFFFFFD, s24;
	[tilespmem:v2+s14+$0x0] =	vst.idx.msk $0xffff, v1  }
0x8e: {  	v2 =	vadd.s32 s30, v0;
	v1 =	vld [tilespmem:s25+$0x90];
	_ =	sdelay $0x4  }
0x8f: {  	s31 =	sadd.s32 $0xFFFFE5FE, s24;
	[tilespmem:v2+s14+$0x0] =	vst.idx.msk $0xffff, v1  }
0x90: {  	v2 =	vadd.s32 s31, v0;
	v1 =	vld [tilespmem:s25+$0xA0];
	_ =	sdelay $0x4  }
0x91: {  	s28 =	sadd.s32 $0xFFFFFFFE, s24;
	[tilespmem:v2+s14+$0x0] =	vst.idx.msk $0xffff, v1  }
0x92: {  	v2 =	vadd.s32 s28, v0;
	v1 =	vld [tilespmem:s25+$0xB0];
	_ =	sdelay $0x4  }
0x93: {  	s29 =	sadd.s32 $0xFFFFE5FF, s24;
	[tilespmem:v2+s14+$0x0] =	vst.idx.msk $0xffff, v1  }
0x94: {  	v2 =	vadd.s32 s29, v0;
	v1 =	vld [tilespmem:s25+$0xC0];
	_ =	sdelay $0x4  }
0x95: {  	s30 =	sadd.s32 $0xFFFFFFFF, s24;
	[tilespmem:v2+s14+$0x0] =	vst.idx.msk $0xffff, v1  }
0x96: {  	v2 =	vadd.s32 s30, v0;
	v1 =	vld [tilespmem:s25+$0xD0];
	_ =	sdelay $0x4  }
0x97: {  	s31 =	sadd.s32 $0xFFFFE600, s24;
	[tilespmem:v2+s14+$0x0] =	vst.idx.msk $0xffff, v1  }
0x98: {  	v2 =	vadd.s32 s31, v0;
	v1 =	vld [tilespmem:s25+$0xE0];
	_ =	sdelay $0x4  }
0x99: {  	[tilespmem:v2+s14+$0x0] =	vst.idx.msk $0xffff, v1  }
0x9a: {  	v2 =	vadd.s32 s24, v0;
	v1 =	vld [tilespmem:s25+$0xF0]  }
0x9b: {  	p1 =	sne.s32 s20, $0x30  }
.Ltmp1:
0x9c: {  	_ = 	snop;
	(pc) =	sbr.rel @p1 .LBB2_6-.Ltmp1, $3  }
0x9d: {  	s23 =	smul.u32 $0x34, s23;
	_ =	sdelay $0x1  }
0x9e: {  	s23 =	sadd.s32 s5, s23;
	[tilespmem:v2+s14+$0x0] =	vst.idx.msk $0xffff, v1  }
0x9f: {  	[hbm4b:s23+s2] =	stream.linear.scatter [tilespmem:s14], [sflag:$0x3], $0x3400, $0x38;
	[tilespmem:$0xD000] =	vst v63  }
.Ltmp2:
0xa0: {  	(pc) =	sbr.rel .LBB2_7-.Ltmp2, $4  }
0xa1: {  	_ = 	snop  }
0xa2: {  	_ =	swait.ge [sflag:s15], $0x3400  }
0xa3: {  	[sflag:s15] =	ssyncset.done $0x0  }
0xa4: {  	[sflag:s15] =	ssyncadd.s32 $0xFFFFCC00  }
.LBB2_6:
0xa5: {  	s22 =	sadd.s32 s8, s22  }
0xa6: {  	s22 =	smin.u32 s22, $0x18680  }
0xa7: {  	s22 =	sshrl.u32 s22, $0x3  }
.Ltmp3:
0xa8: {  	s22 =	sadd.s32 s3, s22;
	(pc) =	sbr.rel @p0 .LBB2_8-.Ltmp3, $4  }
0xa9: {  	[tilespmem:s2], [sflag:$0x1] =	stream.strided.gather [hbm4b:s22+s10], $0x3400, s11, s10, $0x38;
	[tilespmem:$0xD000] =	vst v63  }
0xaa: {  	_ =	swait.ge [sflag:s15], $0x3400  }
0xab: {  	[sflag:s15] =	ssyncset.done $0x0  }
0xac: {  	[sflag:s15] =	ssyncadd.s32 $0xFFFFCC00  }
.LBB2_7:
0xad: {  	_ =	swait.ge [sflag:s16], $0x3400  }
0xae: {  	[sflag:s16] =	ssyncset.done $0x0  }
0xaf: {  	[sflag:s16] =	ssyncadd.s32 $0xFFFFCC00  }
.LBB2_8:
0xb0: {  	s22 =	simm.s32 $0x1A0F  }
0xb1: {  	s23 =	simm.s32 $0x3500;
	s25 =	simm.s32 $0x0;
	s24 =	simm.s32 $0x1A1F  }
.LBB2_9:
0xb2: {  	p0 =	sne.s32 s24, $0x1B9F;
	v1 =	vld [tilespmem:s23+$0xFFFFFF00];
	v2 =	vadd.s32 s25, v0;
	_ =	sdelay $0x4  }
0xb3: {  	s25 =	sadd.s32 $0xFFFFFFF1, s22;
	[tilespmem:v2+s17+$0x0] =	vst.idx.msk $0xffff, v1  }
0xb4: {  	v2 =	vadd.s32 s25, v0;
	v1 =	vld [tilespmem:s23+$0xFFFFFF10];
	_ =	sdelay $0x4  }
0xb5: {  	s25 =	sadd.s32 $0xFFFFE5F2, s22;
	[tilespmem:v2+s17+$0x0] =	vst.idx.msk $0xffff, v1  }
0xb6: {  	v2 =	vadd.s32 s25, v0;
	v1 =	vld [tilespmem:s23+$0xFFFFFF20];
	_ =	sdelay $0x4  }
0xb7: {  	s25 =	sadd.s32 $0xFFFFFFF2, s22;
	[tilespmem:v2+s17+$0x0] =	vst.idx.msk $0xffff, v1  }
0xb8: {  	v2 =	vadd.s32 s25, v0;
	v1 =	vld [tilespmem:s23+$0xFFFFFF30];
	_ =	sdelay $0x4  }
0xb9: {  	s25 =	sadd.s32 $0xFFFFE5F3, s22;
	[tilespmem:v2+s17+$0x0] =	vst.idx.msk $0xffff, v1  }
0xba: {  	v2 =	vadd.s32 s25, v0;
	v1 =	vld [tilespmem:s23+$0xFFFFFF40];
	_ =	sdelay $0x4  }
0xbb: {  	s25 =	sadd.s32 $0xFFFFFFF3, s22;
	[tilespmem:v2+s17+$0x0] =	vst.idx.msk $0xffff, v1  }
0xbc: {  	v2 =	vadd.s32 s25, v0;
	v1 =	vld [tilespmem:s23+$0xFFFFFF50];
	_ =	sdelay $0x4  }
0xbd: {  	s25 =	sadd.s32 $0xFFFFE5F4, s22;
	[tilespmem:v2+s17+$0x0] =	vst.idx.msk $0xffff, v1  }
0xbe: {  	v2 =	vadd.s32 s25, v0;
	v1 =	vld [tilespmem:s23+$0xFFFFFF60];
	_ =	sdelay $0x4  }
0xbf: {  	s25 =	sadd.s32 $0xFFFFFFF4, s22;
	[tilespmem:v2+s17+$0x0] =	vst.idx.msk $0xffff, v1  }
0xc0: {  	v2 =	vadd.s32 s25, v0;
	v1 =	vld [tilespmem:s23+$0xFFFFFF70];
	_ =	sdelay $0x4  }
0xc1: {  	s25 =	sadd.s32 $0xFFFFE5F5, s22;
	[tilespmem:v2+s17+$0x0] =	vst.idx.msk $0xffff, v1  }
0xc2: {  	v2 =	vadd.s32 s25, v0;
	v1 =	vld [tilespmem:s23+$0xFFFFFF80];
	_ =	sdelay $0x4  }
0xc3: {  	s25 =	sadd.s32 $0xFFFFFFF5, s22;
	[tilespmem:v2+s17+$0x0] =	vst.idx.msk $0xffff, v1  }
0xc4: {  	v2 =	vadd.s32 s25, v0;
	v1 =	vld [tilespmem:s23+$0xFFFFFF90];
	_ =	sdelay $0x4  }
0xc5: {  	s25 =	sadd.s32 $0xFFFFE5F6, s22;
	[tilespmem:v2+s17+$0x0] =	vst.idx.msk $0xffff, v1  }
0xc6: {  	v2 =	vadd.s32 s25, v0;
	v1 =	vld [tilespmem:s23+$0xFFFFFFA0];
	_ =	sdelay $0x4  }
0xc7: {  	s25 =	sadd.s32 $0xFFFFFFF6, s22;
	[tilespmem:v2+s17+$0x0] =	vst.idx.msk $0xffff, v1  }
0xc8: {  	v2 =	vadd.s32 s25, v0;
	v1 =	vld [tilespmem:s23+$0xFFFFFFB0];
	_ =	sdelay $0x4  }
0xc9: {  	s25 =	sadd.s32 $0xFFFFE5F7, s22;
	[tilespmem:v2+s17+$0x0] =	vst.idx.msk $0xffff, v1  }
0xca: {  	v2 =	vadd.s32 s25, v0;
	v1 =	vld [tilespmem:s23+$0xFFFFFFC0];
	_ =	sdelay $0x4  }
0xcb: {  	s25 =	sadd.s32 $0xFFFFFFF7, s22;
	[tilespmem:v2+s17+$0x0] =	vst.idx.msk $0xffff, v1  }
0xcc: {  	v2 =	vadd.s32 s25, v0;
	v1 =	vld [tilespmem:s23+$0xFFFFFFD0];
	_ =	sdelay $0x4  }
0xcd: {  	s25 =	sadd.s32 $0xFFFFE5F8, s22;
	[tilespmem:v2+s17+$0x0] =	vst.idx.msk $0xffff, v1  }
0xce: {  	v2 =	vadd.s32 s25, v0;
	v1 =	vld [tilespmem:s23+$0xFFFFFFE0];
	_ =	sdelay $0x4  }
0xcf: {  	s25 =	sadd.s32 $0xFFFFFFF8, s22;
	[tilespmem:v2+s17+$0x0] =	vst.idx.msk $0xffff, v1  }
0xd0: {  	v2 =	vadd.s32 s25, v0;
	v1 =	vld [tilespmem:s23+$0xFFFFFFF0];
	_ =	sdelay $0x4  }
0xd1: {  	s25 =	sadd.s32 $0xFFFFE5F9, s22;
	[tilespmem:v2+s17+$0x0] =	vst.idx.msk $0xffff, v1  }
0xd2: {  	v2 =	vadd.s32 s25, v0;
	v1 =	vld [tilespmem:s23+$0x0];
	_ =	sdelay $0x4  }
0xd3: {  	s25 =	sadd.s32 $0xFFFFFFF9, s22;
	[tilespmem:v2+s17+$0x0] =	vst.idx.msk $0xffff, v1  }
0xd4: {  	v2 =	vadd.s32 s25, v0;
	v1 =	vld [tilespmem:s23+$0x10];
	_ =	sdelay $0x4  }
0xd5: {  	s25 =	sadd.s32 $0xFFFFE5FA, s22;
	[tilespmem:v2+s17+$0x0] =	vst.idx.msk $0xffff, v1  }
0xd6: {  	v2 =	vadd.s32 s25, v0;
	v1 =	vld [tilespmem:s23+$0x20];
	_ =	sdelay $0x4  }
0xd7: {  	s25 =	sadd.s32 $0xFFFFFFFA, s22;
	[tilespmem:v2+s17+$0x0] =	vst.idx.msk $0xffff, v1  }
0xd8: {  	v2 =	vadd.s32 s25, v0;
	v1 =	vld [tilespmem:s23+$0x30];
	_ =	sdelay $0x4  }
0xd9: {  	s25 =	sadd.s32 $0xFFFFE5FB, s22;
	[tilespmem:v2+s17+$0x0] =	vst.idx.msk $0xffff, v1  }
0xda: {  	v2 =	vadd.s32 s25, v0;
	v1 =	vld [tilespmem:s23+$0x40];
	_ =	sdelay $0x4  }
0xdb: {  	s25 =	sadd.s32 $0xFFFFFFFB, s22;
	[tilespmem:v2+s17+$0x0] =	vst.idx.msk $0xffff, v1  }
0xdc: {  	v2 =	vadd.s32 s25, v0;
	v1 =	vld [tilespmem:s23+$0x50];
	_ =	sdelay $0x4  }
0xdd: {  	s25 =	sadd.s32 $0xFFFFE5FC, s22;
	[tilespmem:v2+s17+$0x0] =	vst.idx.msk $0xffff, v1  }
0xde: {  	v2 =	vadd.s32 s25, v0;
	v1 =	vld [tilespmem:s23+$0x60];
	_ =	sdelay $0x4  }
0xdf: {  	s25 =	sadd.s32 $0xFFFFFFFC, s22;
	[tilespmem:v2+s17+$0x0] =	vst.idx.msk $0xffff, v1  }
0xe0: {  	v2 =	vadd.s32 s25, v0;
	v1 =	vld [tilespmem:s23+$0x70];
	_ =	sdelay $0x4  }
0xe1: {  	s25 =	sadd.s32 $0xFFFFE5FD, s22;
	[tilespmem:v2+s17+$0x0] =	vst.idx.msk $0xffff, v1  }
0xe2: {  	v2 =	vadd.s32 s25, v0;
	v1 =	vld [tilespmem:s23+$0x80];
	_ =	sdelay $0x4  }
0xe3: {  	s25 =	sadd.s32 $0xFFFFFFFD, s22;
	[tilespmem:v2+s17+$0x0] =	vst.idx.msk $0xffff, v1  }
0xe4: {  	v2 =	vadd.s32 s25, v0;
	v1 =	vld [tilespmem:s23+$0x90];
	_ =	sdelay $0x4  }
0xe5: {  	s25 =	sadd.s32 $0xFFFFE5FE, s22;
	[tilespmem:v2+s17+$0x0] =	vst.idx.msk $0xffff, v1  }
0xe6: {  	v2 =	vadd.s32 s25, v0;
	v1 =	vld [tilespmem:s23+$0xA0];
	_ =	sdelay $0x4  }
0xe7: {  	s25 =	sadd.s32 $0xFFFFFFFE, s22;
	[tilespmem:v2+s17+$0x0] =	vst.idx.msk $0xffff, v1  }
0xe8: {  	v2 =	vadd.s32 s25, v0;
	v1 =	vld [tilespmem:s23+$0xB0];
	_ =	sdelay $0x4  }
0xe9: {  	s25 =	sadd.s32 $0xFFFFE5FF, s22;
	[tilespmem:v2+s17+$0x0] =	vst.idx.msk $0xffff, v1  }
0xea: {  	v2 =	vadd.s32 s25, v0;
	v1 =	vld [tilespmem:s23+$0xC0];
	_ =	sdelay $0x4  }
0xeb: {  	s25 =	sadd.s32 $0xFFFFFFFF, s22;
	[tilespmem:v2+s17+$0x0] =	vst.idx.msk $0xffff, v1  }
0xec: {  	v2 =	vadd.s32 s25, v0;
	v1 =	vld [tilespmem:s23+$0xD0];
	_ =	sdelay $0x4  }
0xed: {  	s25 =	sadd.s32 $0xFFFFE600, s22;
	[tilespmem:v2+s17+$0x0] =	vst.idx.msk $0xffff, v1  }
0xee: {  	v2 =	vadd.s32 s25, v0;
	v1 =	vld [tilespmem:s23+$0xE0];
	_ =	sdelay $0x4  }
0xef: {  	[tilespmem:v2+s17+$0x0] =	vst.idx.msk $0xffff, v1  }
0xf0: {  	v2 =	vadd.s32 s22, v0;
	s22 =	smov.u32 s24;
	v1 =	vld [tilespmem:s23+$0xF0]  }
.Ltmp4:
0xf1: {  	(pc) =	sbr.rel @p0 .LBB2_9-.Ltmp4, $2  }
0xf2: {  	_ =	sdelay $0x2  }
0xf3: {  	s24 =	sadd.s32 $0x10, s24;
	s25 =	sadd.s32 $0xFFFFE5F1, s22;
	s23 =	sadd.s32 $0x200, s23;
	[tilespmem:v2+s17+$0x0] =	vst.idx.msk $0xffff, v1  }
0xf4: {  	v1 =	vld [tilespmem:s23+$0xFFFFFF00];
	v2 =	vadd.s32 s25, v0;
	_ =	sdelay $0x4  }
0xf5: {  	s24 =	sadd.s32 $0xFFFFFFF1, s22;
	[tilespmem:v2+s17+$0x0] =	vst.idx.msk $0xffff, v1  }
0xf6: {  	v2 =	vadd.s32 s24, v0;
	v1 =	vld [tilespmem:s23+$0xFFFFFF10];
	_ =	sdelay $0x4  }
0xf7: {  	s26 =	sadd.s32 $0xFFFFE5F2, s22;
	[tilespmem:v2+s17+$0x0] =	vst.idx.msk $0xffff, v1  }
0xf8: {  	v2 =	vadd.s32 s26, v0;
	v1 =	vld [tilespmem:s23+$0xFFFFFF20];
	_ =	sdelay $0x4  }
0xf9: {  	s28 =	sadd.s32 $0xFFFFFFF2, s22;
	[tilespmem:v2+s17+$0x0] =	vst.idx.msk $0xffff, v1  }
0xfa: {  	v2 =	vadd.s32 s28, v0;
	v1 =	vld [tilespmem:s23+$0xFFFFFF30];
	_ =	sdelay $0x4  }
0xfb: {  	s29 =	sadd.s32 $0xFFFFE5F3, s22;
	[tilespmem:v2+s17+$0x0] =	vst.idx.msk $0xffff, v1  }
0xfc: {  	v2 =	vadd.s32 s29, v0;
	v1 =	vld [tilespmem:s23+$0xFFFFFF40];
	_ =	sdelay $0x4  }
0xfd: {  	s30 =	sadd.s32 $0xFFFFFFF3, s22;
	[tilespmem:v2+s17+$0x0] =	vst.idx.msk $0xffff, v1  }
0xfe: {  	v2 =	vadd.s32 s30, v0;
	v1 =	vld [tilespmem:s23+$0xFFFFFF50];
	_ =	sdelay $0x4  }
0xff: {  	s31 =	sadd.s32 $0xFFFFE5F4, s22;
	[tilespmem:v2+s17+$0x0] =	vst.idx.msk $0xffff, v1  }
0x100: {  	v2 =	vadd.s32 s31, v0;
	v1 =	vld [tilespmem:s23+$0xFFFFFF60];
	_ =	sdelay $0x4  }
0x101: {  	s25 =	sadd.s32 $0xFFFFFFF4, s22;
	[tilespmem:v2+s17+$0x0] =	vst.idx.msk $0xffff, v1  }
0x102: {  	v2 =	vadd.s32 s25, v0;
	v1 =	vld [tilespmem:s23+$0xFFFFFF70];
	_ =	sdelay $0x4  }
0x103: {  	s26 =	sadd.s32 $0xFFFFE5F5, s22;
	[tilespmem:v2+s17+$0x0] =	vst.idx.msk $0xffff, v1  }
0x104: {  	v2 =	vadd.s32 s26, v0;
	v1 =	vld [tilespmem:s23+$0xFFFFFF80];
	_ =	sdelay $0x4  }
0x105: {  	s28 =	sadd.s32 $0xFFFFFFF5, s22;
	[tilespmem:v2+s17+$0x0] =	vst.idx.msk $0xffff, v1  }
0x106: {  	v2 =	vadd.s32 s28, v0;
	v1 =	vld [tilespmem:s23+$0xFFFFFF90];
	_ =	sdelay $0x4  }
0x107: {  	s29 =	sadd.s32 $0xFFFFE5F6, s22;
	[tilespmem:v2+s17+$0x0] =	vst.idx.msk $0xffff, v1  }
0x108: {  	v2 =	vadd.s32 s29, v0;
	v1 =	vld [tilespmem:s23+$0xFFFFFFA0];
	_ =	sdelay $0x4  }
0x109: {  	s30 =	sadd.s32 $0xFFFFFFF6, s22;
	[tilespmem:v2+s17+$0x0] =	vst.idx.msk $0xffff, v1  }
0x10a: {  	v2 =	vadd.s32 s30, v0;
	v1 =	vld [tilespmem:s23+$0xFFFFFFB0];
	_ =	sdelay $0x4  }
0x10b: {  	s31 =	sadd.s32 $0xFFFFE5F7, s22;
	[tilespmem:v2+s17+$0x0] =	vst.idx.msk $0xffff, v1  }
0x10c: {  	v2 =	vadd.s32 s31, v0;
	v1 =	vld [tilespmem:s23+$0xFFFFFFC0];
	_ =	sdelay $0x4  }
0x10d: {  	s25 =	sadd.s32 $0xFFFFFFF7, s22;
	[tilespmem:v2+s17+$0x0] =	vst.idx.msk $0xffff, v1  }
0x10e: {  	v2 =	vadd.s32 s25, v0;
	v1 =	vld [tilespmem:s23+$0xFFFFFFD0];
	_ =	sdelay $0x4  }
0x10f: {  	s26 =	sadd.s32 $0xFFFFE5F8, s22;
	[tilespmem:v2+s17+$0x0] =	vst.idx.msk $0xffff, v1  }
0x110: {  	v2 =	vadd.s32 s26, v0;
	v1 =	vld [tilespmem:s23+$0xFFFFFFE0];
	_ =	sdelay $0x4  }
0x111: {  	s28 =	sadd.s32 $0xFFFFFFF8, s22;
	[tilespmem:v2+s17+$0x0] =	vst.idx.msk $0xffff, v1  }
0x112: {  	v2 =	vadd.s32 s28, v0;
	v1 =	vld [tilespmem:s23+$0xFFFFFFF0];
	_ =	sdelay $0x4  }
0x113: {  	s29 =	sadd.s32 $0xFFFFE5F9, s22;
	[tilespmem:v2+s17+$0x0] =	vst.idx.msk $0xffff, v1  }
0x114: {  	v2 =	vadd.s32 s29, v0;
	v1 =	vld [tilespmem:s23+$0x0];
	_ =	sdelay $0x4  }
0x115: {  	s30 =	sadd.s32 $0xFFFFFFF9, s22;
	[tilespmem:v2+s17+$0x0] =	vst.idx.msk $0xffff, v1  }
0x116: {  	v2 =	vadd.s32 s30, v0;
	v1 =	vld [tilespmem:s23+$0x10];
	_ =	sdelay $0x4  }
0x117: {  	s31 =	sadd.s32 $0xFFFFE5FA, s22;
	[tilespmem:v2+s17+$0x0] =	vst.idx.msk $0xffff, v1  }
0x118: {  	v2 =	vadd.s32 s31, v0;
	v1 =	vld [tilespmem:s23+$0x20];
	_ =	sdelay $0x4  }
0x119: {  	s25 =	sadd.s32 $0xFFFFFFFA, s22;
	[tilespmem:v2+s17+$0x0] =	vst.idx.msk $0xffff, v1  }
0x11a: {  	v2 =	vadd.s32 s25, v0;
	v1 =	vld [tilespmem:s23+$0x30];
	_ =	sdelay $0x4  }
0x11b: {  	s26 =	sadd.s32 $0xFFFFE5FB, s22;
	[tilespmem:v2+s17+$0x0] =	vst.idx.msk $0xffff, v1  }
0x11c: {  	v2 =	vadd.s32 s26, v0;
	v1 =	vld [tilespmem:s23+$0x40];
	_ =	sdelay $0x4  }
0x11d: {  	s28 =	sadd.s32 $0xFFFFFFFB, s22;
	[tilespmem:v2+s17+$0x0] =	vst.idx.msk $0xffff, v1  }
0x11e: {  	v2 =	vadd.s32 s28, v0;
	v1 =	vld [tilespmem:s23+$0x50];
	_ =	sdelay $0x4  }
0x11f: {  	s29 =	sadd.s32 $0xFFFFE5FC, s22;
	[tilespmem:v2+s17+$0x0] =	vst.idx.msk $0xffff, v1  }
0x120: {  	v2 =	vadd.s32 s29, v0;
	v1 =	vld [tilespmem:s23+$0x60];
	_ =	sdelay $0x4  }
0x121: {  	s30 =	sadd.s32 $0xFFFFFFFC, s22;
	[tilespmem:v2+s17+$0x0] =	vst.idx.msk $0xffff, v1  }
0x122: {  	v2 =	vadd.s32 s30, v0;
	v1 =	vld [tilespmem:s23+$0x70];
	_ =	sdelay $0x4  }
0x123: {  	s31 =	sadd.s32 $0xFFFFE5FD, s22;
	[tilespmem:v2+s17+$0x0] =	vst.idx.msk $0xffff, v1  }
0x124: {  	v2 =	vadd.s32 s31, v0;
	v1 =	vld [tilespmem:s23+$0x80];
	_ =	sdelay $0x4  }
0x125: {  	s25 =	sadd.s32 $0xFFFFFFFD, s22;
	[tilespmem:v2+s17+$0x0] =	vst.idx.msk $0xffff, v1  }
0x126: {  	v2 =	vadd.s32 s25, v0;
	v1 =	vld [tilespmem:s23+$0x90];
	_ =	sdelay $0x4  }
0x127: {  	s26 =	sadd.s32 $0xFFFFE5FE, s22;
	[tilespmem:v2+s17+$0x0] =	vst.idx.msk $0xffff, v1  }
0x128: {  	v2 =	vadd.s32 s26, v0;
	v1 =	vld [tilespmem:s23+$0xA0];
	_ =	sdelay $0x4  }
0x129: {  	s28 =	sadd.s32 $0xFFFFFFFE, s22;
	[tilespmem:v2+s17+$0x0] =	vst.idx.msk $0xffff, v1  }
0x12a: {  	v2 =	vadd.s32 s28, v0;
	v1 =	vld [tilespmem:s23+$0xB0];
	_ =	sdelay $0x4  }
0x12b: {  	s29 =	sadd.s32 $0xFFFFE5FF, s22;
	[tilespmem:v2+s17+$0x0] =	vst.idx.msk $0xffff, v1  }
0x12c: {  	v2 =	vadd.s32 s29, v0;
	v1 =	vld [tilespmem:s23+$0xC0];
	_ =	sdelay $0x4  }
0x12d: {  	s30 =	sadd.s32 $0xFFFFFFFF, s22;
	[tilespmem:v2+s17+$0x0] =	vst.idx.msk $0xffff, v1  }
0x12e: {  	v2 =	vadd.s32 s30, v0;
	v1 =	vld [tilespmem:s23+$0xD0];
	_ =	sdelay $0x4  }
0x12f: {  	s31 =	sadd.s32 $0xFFFFE600, s22;
	[tilespmem:v2+s17+$0x0] =	vst.idx.msk $0xffff, v1  }
0x130: {  	v2 =	vadd.s32 s31, v0;
	v1 =	vld [tilespmem:s23+$0xE0];
	_ =	sdelay $0x4  }
0x131: {  	[tilespmem:v2+s17+$0x0] =	vst.idx.msk $0xffff, v1  }
0x132: {  	s20 =	sadd.s32 $0x1, s20;
	v2 =	vadd.s32 s22, v0;
	v1 =	vld [tilespmem:s23+$0xF0]  }
0x133: {  	p0 =	sne.s32 s20, $0x31  }
.Ltmp5:
0x134: {  	_ = 	snop;
	(pc) =	sbr.rel @p0 .LBB2_2-.Ltmp5, $3  }
0x135: {  	s21 =	smul.u32 $0x34, s21;
	_ =	sdelay $0x1  }
0x136: {  	s21 =	sadd.s32 s5, s21;
	[tilespmem:v2+s17+$0x0] =	vst.idx.msk $0xffff, v1  }
0x137: {  	[hbm4b:s21+s2] =	stream.linear.scatter [tilespmem:s17], [sflag:$0x4], $0x3400, $0x38;
	[tilespmem:$0xD000] =	vst v63  }
0x138: {  	s19 =	sadd.s32 $0x1, s19  }
0x139: {  	_ =	swait.ge [sflag:s18], $0x3400;
	p0 =	sne.s32 s19, s9  }
.Ltmp6:
0x13a: {  	[sflag:s18] =	ssyncset.done $0x0;
	(pc) =	sbr.rel @p0 .LBB2_1-.Ltmp6, $4  }
0x13b: {  	[sflag:s18] =	ssyncadd.s32 $0xFFFFCC00  }
0x13c: {  	_ =	swait.ge [sflag:s16], $0x3400  }
0x13d: {  	[sflag:s16] =	ssyncset.done $0x0  }
0x13e: {  	[sflag:s16] =	ssyncadd.s32 $0xFFFFCC00  }
0x13f: {  	_ =	sfence.sel $0x180000  }
0x140: {  	[bflag:$0x0] =	sbarrier.arrive $0xFFFF  }
0x141: {  	p0 =	sne.s32 s1, $0x0;
	_ =	strace $0x90000047  }
0x142: {  	s0 =	sadd.s32 @!p0 $0x100000, s0;
	[bflag:$0x2] =	sbarrier.arrive $0xFFFF  }
0x143: {  	[sflag:s0] =	ssyncadd.tile.s32 @!p0 $0x1;
	_ =	shalt  }
.Lfunc_end2:
_tile_overlayer_lowered:
.L_overlay_start_2:
0x144: {  	(tag) =	ssettag $0x2  }
0x145: {  	s0 =	rddreg [dreg:$0x0];
	s2 =	stileid.u32  }
0x146: {  	s1 =	rddreg [dreg:$0x1];
	p0 =	sne.s32 s2, $0x0  }
0x147: {  	s3 =	rddreg [dreg:$0x2];
	[bflag:$0x3] =	sbarrier.arrive $0xFFFF;
	s2 =	simm.s32 @!p0 $0x1C05  }
0x148: {  	[timem:s3], [sflag:s2] =	dma.local @!p0 [hbm:s0], s1  }
0x149: {  	s0 =	simm.s32 @!p0 $0x5  }
0x14a: {  	_ =	swait.ge @!p0 [sflag:s0], s1  }
0x14b: {  	s1 =	ssub.s32 @!p0 $0x0, s1;
	[sflag:s0] =	ssyncset.done @!p0 $0x0  }
0x14c: {  	[sflag:s0] =	ssyncadd.s32 @!p0 s1  }
0x14d: {  	[bflag:$0x3] =	sbarrier.arrive $0xFFFF  }
0x14e: {  	_ =	shalt  }

// kernel: kernel.7.cloned.1.call-start
scs
__scs_entry_jumppad:
0x0: {  	(pc) =	sbr.rel $0x88, $3  }
0x1: {  	(tag) =	ssettag $0x0;
	lr =	simm.s32 $0x1  }
0x2: {  	[smem:$0x3F9F] =	sst lr;
	_ =	strace $0xD0000000  }
0x3: {  	_ = 	snop  }
0x4: {  	_ = 	snop  }
0x5: {  	_ = 	snop  }
0x6: {  	_ = 	snop  }
0x7: {  	_ = 	snop  }
__scs_overlays_trampoline_lowered:
0x8: {  	[smem:$0x3FAE] =	sst s0  }
0x9: {  	[smem:$0x3FAF] =	sst s1  }
0xa: {  	[smem:$0x3FB0] =	sst s2  }
0xb: {  	[smem:$0x3FB1] =	sst s3  }
0xc: {  	[smem:$0x3FB2] =	sst s4  }
0xd: {  	[smem:$0x3FB3] =	sst s5  }
0xe: {  	[smem:$0x3FB4] =	sst s6  }
0xf: {  	[smem:$0x3FB5] =	sst s7  }
0x10: {  	[smem:$0x3FB6] =	sst s8  }
0x11: {  	[smem:$0x3FB7] =	sst s9;
	s0 =	simm.s32 @!p0 $0x0  }
0x12: {  	s1 =	sld [smem:$0x3F9D];
	s0 =	simm.s32 @p0 $0x1  }
0x13: {  	[smem:$0x3FB8] =	sst s0;
	s0 =	simm.s32 @!p1 $0x0  }
0x14: {  	s2 =	sld [smem:$0x3F9C];
	s0 =	simm.s32 @p1 $0x1  }
0x15: {  	[smem:$0x3FB9] =	sst s0;
	s0 =	simm.s32 @!p2 $0x0  }
0x16: {  	s3 =	sld [smem:$0x3FDB];
	s0 =	simm.s32 @p2 $0x1  }
0x17: {  	s4 =	simm.s32 $0x1BF5;
	[smem:$0x3FBB] =	sst s0  }
0x18: {  	s0 =	sld [smem:$0x3F9E];
	_ =	swait.ge [sflag:s4], $0x0  }
0x19: {  	s7 =	sld [smem:$0x3F9F]  }
0x1a: {  	s8 =	sadd.s32 $0xFFFFE003, lr  }
0x1b: {  	s9 =	sadd.s32 $0xFFFFFEF7, lr;
	s5 =	simm.s32 $0xFFFFFFFF;
	p2 =	slt.u32 s8, $0xFFFFF086  }
0x1c: {  	p1 =	slt.u32 s9, $0xF7A;
	s5 =	simm.s32 @!p2 $0x0  }
0x1d: {  	s5 =	simm.s32 @p1 $0x1;
	p0 =	seq.s32 s7, s2  }
0x1e: {  	s7 =	smul.u32 @!p0 $0xF7A, s2;
	p2 =	seq.s32 @!p0 s5, $0x0  }
0x1f: {  	s9 =	smul.u32 $0xF7A, s1;
	s8 =	simm.s32 @!p0 $0x1BF5;
	p2 =	por !p2, p0  }
0x20: {  	[sflag:s8] =	ssyncset.s32 @!p0 $0xFFFFF086;
	s6 =	sadd.s32 @!p0 s3, s7;
	s7 =	simm.s32 @!p0 $0x108  }
0x21: {  	s3 =	sadd.s32 s3, s9;
	s6 =	sadd.s32 @!p0 $0x88, s6;
	s7 =	simm.s32 @p2 $0x1082  }
0x22: {  	[simem:s7], [sflag:s8] =	dma.local @!p0 [hbm:s6], $0xF7A  }
0x23: {  	s9 =	sor.u32 $0xD0000000, s2;
	s6 =	simm.s32 $0x108;
	_ =	swait.ge @!p0 [sflag:s8], $0x0  }
0x24: {  	s3 =	sadd.s32 $0x88, s3;
	s6 =	simm.s32 @!p1 $0x1082;
	[sflag:s4] =	ssyncset.s32 $0xFFFFF086  }
0x25: {  	[simem:s6], [sflag:s4] =	dma.local [hbm:s3], $0xF7A  }
0x26: {  	[smem:$0x3F9F] =	sst s1;
	(tag) =	ssettag s2;
	_ =	strace s9  }
0x27: {  	s1 =	sld [smem:$0x3FAF]  }
0x28: {  	s2 =	sld [smem:$0x3FB0]  }
0x29: {  	s4 =	sld [smem:$0x3FB2]  }
0x2a: {  	p0 =	seq.s32 s5, $0x0;
	s5 =	sld [smem:$0x3FB3]  }
0x2b: {  	s6 =	sld [smem:$0x3FB4]  }
0x2c: {  	s7 =	sld [smem:$0x3FB5]  }
0x2d: {  	s3 =	simm.s32 $0x108;
	s8 =	sld [smem:$0x3FB6]  }
0x2e: {  	s3 =	simm.s32 @!p0 $0x1082;
	s9 =	sld [smem:$0x3FB7]  }
0x2f: {  	lr =	sadd.s32 s0, s3;
	s0 =	sld [smem:$0x3FAE]  }
0x30: {  	s3 =	sld [smem:$0x3FB1]  }
0x31: {  	[smem:$0x3FBA] =	sst s10  }
0x32: {  	s10 =	sld [smem:$0x3FB8];
	_ =	sdelay $0x3  }
0x33: {  	p0 =	seq.s32 s10, $0x1;
	s10 =	sld [smem:$0x3FBA];
	_ =	sdelay $0x3  }
0x34: {  	[smem:$0x3FBA] =	sst s10  }
0x35: {  	s10 =	sld [smem:$0x3FB9];
	_ =	sdelay $0x3  }
0x36: {  	p1 =	seq.s32 s10, $0x1;
	s10 =	sld [smem:$0x3FBA];
	_ =	sdelay $0x3  }
0x37: {  	[smem:$0x3FBA] =	sst s10  }
0x38: {  	s10 =	sld [smem:$0x3FBB]  }
0x39: {  	_ = 	snop;
	(pc) =	sbr.ind lr, $3  }
0x3a: {  	_ = 	snop  }
0x3b: {  	_ = 	snop  }
0x3c: {  	p2 =	seq.s32 s10, $0x1;
	s10 =	sld [smem:$0x3FBA]  }
0x3d: {  	_ =	shalt  }
0x3e: {  	_ =	shalt  }
0x3f: {  	_ =	shalt  }
0x40: {  	_ =	shalt  }
0x41: {  	_ =	shalt  }
0x42: {  	_ =	shalt  }
0x43: {  	_ =	shalt  }
0x44: {  	_ =	shalt  }
0x45: {  	_ =	shalt  }
0x46: {  	_ =	shalt  }
0x47: {  	_ =	shalt  }
0x48: {  	_ =	shalt  }
0x49: {  	_ =	shalt  }
0x4a: {  	_ =	shalt  }
0x4b: {  	_ =	shalt  }
0x4c: {  	_ =	shalt  }
0x4d: {  	_ =	shalt  }
0x4e: {  	_ =	shalt  }
0x4f: {  	_ =	shalt  }
0x50: {  	_ =	shalt  }
0x51: {  	_ =	shalt  }
0x52: {  	_ =	shalt  }
0x53: {  	_ =	shalt  }
0x54: {  	_ =	shalt  }
0x55: {  	_ =	shalt  }
0x56: {  	_ =	shalt  }
0x57: {  	_ =	shalt  }
0x58: {  	_ =	shalt  }
0x59: {  	_ =	shalt  }
0x5a: {  	_ =	shalt  }
0x5b: {  	_ =	shalt  }
0x5c: {  	_ =	shalt  }
0x5d: {  	_ =	shalt  }
0x5e: {  	_ =	shalt  }
0x5f: {  	_ =	shalt  }
0x60: {  	_ =	shalt  }
0x61: {  	_ =	shalt  }
0x62: {  	_ =	shalt  }
0x63: {  	_ =	shalt  }
0x64: {  	_ =	shalt  }
0x65: {  	_ =	shalt  }
0x66: {  	_ =	shalt  }
0x67: {  	_ =	shalt  }
0x68: {  	_ =	shalt  }
0x69: {  	_ =	shalt  }
0x6a: {  	_ =	shalt  }
0x6b: {  	_ =	shalt  }
0x6c: {  	_ =	shalt  }
0x6d: {  	_ =	shalt  }
0x6e: {  	_ =	shalt  }
0x6f: {  	_ =	shalt  }
0x70: {  	_ =	shalt  }
0x71: {  	_ =	shalt  }
0x72: {  	_ =	shalt  }
0x73: {  	_ =	shalt  }
0x74: {  	_ =	shalt  }
0x75: {  	_ =	shalt  }
0x76: {  	_ =	shalt  }
0x77: {  	_ =	shalt  }
0x78: {  	_ =	shalt  }
0x79: {  	_ =	shalt  }
0x7a: {  	_ =	shalt  }
0x7b: {  	_ =	shalt  }
0x7c: {  	_ =	shalt  }
0x7d: {  	_ =	shalt  }
0x7e: {  	_ =	shalt  }
0x7f: {  	_ =	shalt  }
0x80: {  	_ =	shalt  }
0x81: {  	_ =	shalt  }
0x82: {  	_ =	shalt  }
0x83: {  	_ =	shalt  }
0x84: {  	_ =	shalt  }
0x85: {  	_ =	shalt  }
0x86: {  	_ =	shalt  }
0x87: {  	_ =	shalt  }
.Lfunc_end0:
.L_simem_size_0:
called_computation.1_lowered:
.L_overlay_start_0:
0x88: {  	s2 =	sld [smem:$0x3FD9]  }
0x89: {  	s3 =	sld [smem:$0x3FFE];
	_ =	sdelay $0x1  }
0x8a: {  	s1 =	srdreg.scid  }
0x8b: {  	s0 =	sand.u32 $0x1, s1  }
0x8c: {  	s17 =	sshll.u32 s0, $0xA;
	s2 =	sadd.s32 s3, s2  }
0x8d: {  	s2 =	sadd.s32 s2, s17  }
0x8e: {  	[smem:$0x3FC6] =	sst s2  }
0x8f: {  	_ = 	snop  }
0x90: {  	s2 =	sld [smem:$0x3FD0];
	(tm) =	ssettm $0x1  }
0x91: {  	s18 =	sld [smem:$0x3FFB];
	_ =	sdelay $0x3  }
0x92: {  	_ =	strace s18  }
0x93: {  	s3 =	sld [smem:$0x3FFC];
	_ =	sdelay $0x3  }
0x94: {  	_ =	strace s3  }
0x95: {  	s3 =	sld [smem:$0x3FFD];
	_ =	sdelay $0x3  }
0x96: {  	_ =	strace s3  }
0x97: {  	_ =	strace $0x8FFFFFFF  }
0x98: {  	s19 =	sld [smem:$0x3FDB];
	_ =	sdelay $0x1  }
0x99: {  	s4 =	simm.s32 $_scs_section_size  }
0x9a: {  	s5 =	simm.s32 $_size__tile_overlayer_lowered;
	s6 =	simm.s32 $_tile_overlayer_lowered  }
0x9b: {  	s22 =	simm.s32 $0x1BFF;
	s21 =	sshll.u32 s6, $0x1;
	s3 =	sadd.s32 s4, s19  }
0x9c: {  	s7 =	simm.s32 $0x0;
	s20 =	sshll.u32 s5, $0x1;
	s5 =	sadd.s32 s21, s3  }
0x9d: {  	[timem:s7], [sflag:s22] =	dma.local [hbm:s5], s20  }
0x9e: {  	_ =	swait.ge [sflag:s22], s20  }
0x9f: {  	s4 =	ssub.s32 $0x0, s20;
	[sflag:s22] =	ssyncset.done $0x0  }
0xa0: {  	[sflag:s22] =	ssyncadd.s32 s4;
	_ =	sdelay $0x1  }
0xa1: {  	s23 =	simm.s32 $0x1B8B  }
0xa2: {  	_ =	swait.ge [sflag:s23], $0x1  }
0xa3: {  	[sflag:s23] =	ssyncset.done $0x0  }
0xa4: {  	s25 =	simm.s32 $0x1B8E;
	s24 =	sld [smem:$0x3FFE];
	[sflag:s23] =	ssyncadd.s32 $0xFFFFFFFF  }
0xa5: {  	s26 =	simm.s32 $execute0_lowered;
	[smem:$0x3FD2] =	sst s25  }
0xa6: {  	s5 =	sshll.u32 s26, $0x1;
	_ =	strace $0x80000049;
	[dreg:$0x1] =	wrdreg $0xFFFFFFFF  }
0xa7: {  	s28 =	simm.s32 $_size_execute0_lowered;
	s3 =	sadd.s32 s3, s5;
	[dreg:$0x0] =	wrdreg $0x0  }
0xa8: {  	s5 =	sshll.u32 s28, $0x1;
	[dreg:$0x2] =	wrdreg s3  }
0xa9: {  	[dreg:$0x3] =	wrdreg s5  }
0xaa: {  	[dreg:$0x4] =	wrdreg $0xC0  }
0xab: {  	_ =	task [dreg:s7], $0x5FFFF  }
0xac: {  	[dreg:$0x1] =	wrdreg $0xFFFFFFFF  }
0xad: {  	[dreg:$0x0] =	wrdreg $0x60  }
0xae: {  	[dreg:$0x2] =	wrdreg s2  }
0xaf: {  	[dreg:$0x3] =	wrdreg s24  }
0xb0: {  	[dreg:$0x4] =	wrdreg $0x9  }
0xb1: {  	_ =	task.clear_ibuf [dreg:s7], $0x5FFFF;
	_ =	strace $0x90000049  }
0xb2: {  	s29 =	simm.s32 $0x9;
	_ =	strace $0x8000004B  }
0xb3: {  	_ =	swait.ge [sflag:s29], $0x1  }
0xb4: {  	[sflag:s29] =	ssyncadd.s32 $0xFFFFFFFF  }
0xb5: {  	_ =	strace $0x9000004B  }
0xb6: {  	_ =	sfence  }
0xb7: {  	s30 =	sld [smem:$0x0];
	_ =	sdelay $0x2  }
0xb8: {  	s31 =	sshll.u32 s1, $0xD;
	s1 =	sshrl.u32 s1, $0x2  }
0xb9: {  	s3 =	sand.u32 $0x4000, s31;
	s1 =	sadd.s32 s1, s30  }
0xba: {  	s0 =	sor.u32 s3, s0;
	s1 =	sshll.u32 s1, $0x11  }
0xbb: {  	s0 =	sor.u32 s1, s0  }
0xbc: {  	s0 =	sadd.s32 $0x8F2B, s0  }
0xbd: {  	[sflag:s0] =	ssyncadd.remote.s32 $0x1  }
0xbe: {  	_ =	sfence.sel $0xFFFF  }
0xbf: {  	[dreg:$0x0] =	wrdreg $0xFFFFFFFF;
	(pc) =	sbr.abs _section_cstart, $3  }
0xc0: {  	[dreg:$0x1] =	wrdreg $0xFFFFFFFF  }
0xc1: {  	_ =	task.clear_ibuf [dreg:s7], $0x2FFFF;
	_ =	strace $0x9FFFFFFF  }
0xc2: {  	(tm) =	ssettm $0x7FFFFFFF  }
0xc3: {  	_ =	shalt  }
tec
execute0_lowered:
.L_overlay_start_1:
0x0: {  	(tag) =	ssettag $0x1  }
0x1: {  	s1 =	rddreg [dreg:$0x0]  }
0x2: {  	s5 =	rddreg [dreg:$0x1];
	s2 =	simm.s32 $0x0;
	s3 =	srdreg.scid  }
0x3: {  	s0 =	stileid.u32;
	s10 =	simm.s32 $0x1;
	s11 =	simm.s32 $0xA968  }
0x4: {  	s12 =	simm.s32 $0x10;
	s13 =	simm.s32 $0x1000;
	s6 =	sand.u32 $0x1, s3  }
0x5: {  	s15 =	simm.s32 $0x0;
	[smem:$0x7FF] =	sst s2;
	s7 =	ssub.s32 $0x2, s6  }
0x6: {  	s4 =	sadd.s32 $0x4F6400, s5;
	s9 =	sshll.u32 s0, $0x8;
	s8 =	sshrl.u32 s7, $0x1  }
0x7: {  	s5 =	sadd.s32 $0xA00, s5;
	s6 =	sshll.u32 s6, $0x7;
	s7 =	ssub.s32 s7, s8  }
0x8: {  	v0 =	vlaneseq.u32;
	_ =	strace $0x8000004A;
	s6 =	sor.u32 s6, s9;
	s31 =	smax.u32 s7, $0x1  }
0x9: {  	v0 =	vmul.u32 $0x10, v0;
	s9 =	simm.s32 $0x68;
	s8 =	simm.s32 $0x3;
	[dreg:$0x3] =	wrdreg s31  }
.LBB2_1:
0xa: {  	s16 =	simm.s32 $0x0  }
.LBB2_2:
0xb: {  	s18 =	sshll.u32 s16, $0x4  }
0xc: {  	s17 =	sor.u32 s6, s18  }
0xd: {  	s19 =	smul.u32 $0x1A, s17;
	_ =	sdelay $0x1  }
0xe: {  	s19 =	sshrl.u32 s19, $0x3  }
0xf: {  	s19 =	sadd.s32 s1, s19  }
0x10: {  	[tilespmem:s2], [sflag:$0x3] =	stream.linear.gather [hbm4b:s19+s2], $0x68, $0x38;
	[tilespmem:$0x1EE68] =	vst v63  }
0x11: {  	_ =	swait.ge [sflag:s8], $0x68  }
0x12: {  	p0 =	seq.s32 s16, $0x0;
	[sflag:s8] =	ssyncset.done $0x0  }
0x13: {  	s19 =	simm.s32 @!p0 $0x2;
	[sflag:s8] =	ssyncadd.s32 $0xFFFFFF98  }
0x14: {  	[tilespmem:s9], [sflag:$0x1] =	stream.indirect.gather [hbm4b:s4+s9], $0x1A0, s2, s9, $0xb8;
	[tilespmem:$0x1EE68] =	vst v63  }
0x15: {  	_ =	swait.ge @!p0 [sflag:s19], $0x14500  }
0x16: {  	[sflag:s19] =	ssyncset.done @!p0 $0x0  }
0x17: {  	[sflag:s19] =	ssyncadd.s32 @!p0 $0xFFFEBB00  }
0x18: {  	_ =	swait.ge [sflag:s10], $0xA900  }
0x19: {  	[sflag:s10] =	ssyncset.done $0x0  }
0x1a: {  	s19 =	simm.s32 $0x0;
	[sflag:s10] =	ssyncadd.s32 $0xFFFF5700  }
.LBB2_3:
0x1b: {  	s20 =	smul.u32 $0x1A, s19;
	_ =	sdelay $0x1  }
0x1c: {  	s21 =	sadd.s32 $0x0, s20  }
0x1d: {  	s22 =	sadd.s32 $0x1, s20;
	s21 =	smul.u32 $0x680, s21  }
0x1e: {  	s22 =	smul.u32 $0x680, s22  }
0x1f: {  	s21 =	sshra.s32 s21, $0x2  }
0x20: {  	v1 =	vmov s19;
	s23 =	simm.s32 $0x0;
	s22 =	sshra.s32 s22, $0x2;
	s21 =	sadd.s32 $0x10, s21  }
0x21: {  	v1 =	vand.u32 $0x7, v1;
	v2 =	vmov s23;
	s31 =	sadd.s32 $0x0, s22;
	v3 =	vld [tilespmem:s21+$0x68]  }
0x22: {  	p0 =	por $0x0, $0x0;
	v1 =	vbroadcast v1, $0x0;
	v2 =	vshll.u32 v2, $0x4;
	v4 =	vld [tilespmem:s31+$0x68];
	s21 =	simm.s32 $0x1  }
0x23: {  	v2 =	vor.u32 v0, v2;
	s21 =	simm.s32 @!p0 $0x0  }
0x24: {  	s23 =	simm.s32 $0x2;
	v2 =	vor.u32 v1, v2;
	s22 =	simm.s32 $0x2;
	s21 =	sadd.s32 $0x0, s21  }
0x25: {  	s23 =	smov.u32 @p0 s22;
	s0 =	sadd.s32 s20, s21  }
0x26: {  	s24 =	sadd.s32 s20, s23;
	s22 =	smul.u32 $0x680, s0  }
0x27: {  	s25 =	simm.s32 $0x10;
	s26 =	sshll.u32 s23, $0x6;
	s24 =	smul.u32 $0x680, s24;
	v3 =	vmul.f32 v4, v3  }
0x28: {  	s26 =	sshra.s32 s26, $0x2;
	s28 =	sshll.u32 s21, $0x6;
	s22 =	sshra.s32 s22, $0x2  }
0x29: {  	s24 =	sshra.s32 s24, $0x2;
	s28 =	sshra.s32 s28, $0x2;
	[tilespmem:v2+s11+$0x0] =	vst.idx.msk $0xffff, v3;
	s22 =	sadd.s32 s26, s22  }
0x2a: {  	s24 =	sadd.s32 s28, s24;
	v2 =	vmov s25;
	v3 =	vld [tilespmem:s22+$0x68]  }
0x2b: {  	p0 =	seq.s32 s23, $0x19;
	v2 =	vshll.u32 v2, $0x4;
	s22 =	simm.s32 $0x1;
	v4 =	vld [tilespmem:s24+$0x68]  }
0x2c: {  	v2 =	vor.u32 v0, v2;
	s22 =	simm.s32 @!p0 $0x0  }
0x2d: {  	s23 =	sadd.s32 $0x1, s23;
	s24 =	sadd.s32 $0x2, s21;
	s21 =	sadd.s32 s22, s21;
	v2 =	vor.u32 v1, v2  }
0x2e: {  	s23 =	smov.u32 @p0 s24;
	s22 =	sadd.s32 s20, s21  }
0x2f: {  	s24 =	sadd.s32 s20, s23;
	s22 =	smul.u32 $0x680, s22  }
0x30: {  	s3 =	simm.s32 $0x20;
	s7 =	sshll.u32 s23, $0x6;
	s24 =	smul.u32 $0x680, s24;
	v3 =	vmul.f32 v4, v3  }
0x31: {  	s14 =	sshll.u32 s21, $0x6;
	s26 =	sshra.s32 s7, $0x2;
	s22 =	sshra.s32 s22, $0x2  }
0x32: {  	s28 =	sshra.s32 s14, $0x2;
	s24 =	sshra.s32 s24, $0x2;
	[tilespmem:v2+s11+$0x0] =	vst.idx.msk $0xffff, v3;
	s22 =	sadd.s32 s26, s22  }
0x33: {  	s29 =	sadd.s32 s28, s24;
	v2 =	vmov s3;
	v3 =	vld [tilespmem:s22+$0x68]  }
0x34: {  	p0 =	seq.s32 s23, $0x19;
	s24 =	simm.s32 $0x1;
	v2 =	vshll.u32 v2, $0x4;
	v4 =	vld [tilespmem:s29+$0x68]  }
0x35: {  	s24 =	simm.s32 @!p0 $0x0;
	v2 =	vor.u32 v0, v2  }
0x36: {  	s23 =	sadd.s32 $0x1, s23;
	s22 =	sadd.s32 $0x2, s21;
	s21 =	sadd.s32 s24, s21;
	v2 =	vor.u32 v1, v2  }
0x37: {  	s23 =	smov.u32 @p0 s22;
	s30 =	sadd.s32 s20, s21  }
0x38: {  	s31 =	sadd.s32 s20, s23;
	s22 =	smul.u32 $0x680, s30  }
0x39: {  	s7 =	simm.s32 $0x30;
	s3 =	sshll.u32 s23, $0x6;
	s24 =	smul.u32 $0x680, s31;
	v3 =	vmul.f32 v4, v3  }
0x3a: {  	s0 =	sshll.u32 s21, $0x6;
	s26 =	sshra.s32 s3, $0x2;
	s22 =	sshra.s32 s22, $0x2  }
0x3b: {  	s25 =	sshra.s32 s0, $0x2;
	s22 =	sadd.s32 s26, s22;
	s24 =	sshra.s32 s24, $0x2;
	[tilespmem:v2+s11+$0x0] =	vst.idx.msk $0xffff, v3  }
0x3c: {  	s14 =	sadd.s32 s25, s24;
	v2 =	vmov s7;
	v3 =	vld [tilespmem:s22+$0x68]  }
0x3d: {  	p0 =	seq.s32 s23, $0x19;
	s25 =	simm.s32 $0x1;
	v2 =	vshll.u32 v2, $0x4;
	v4 =	vld [tilespmem:s14+$0x68]  }
0x3e: {  	s24 =	sadd.s32 $0x1, s23;
	s23 =	sadd.s32 $0x2, s21;
	s25 =	simm.s32 @!p0 $0x0;
	v2 =	vor.u32 v0, v2  }
0x3f: {  	s24 =	smov.u32 @p0 s23;
	s25 =	sadd.s32 s25, s21;
	v2 =	vor.u32 v1, v2  }
0x40: {  	s26 =	sadd.s32 s20, s24;
	s28 =	sadd.s32 s20, s25  }
0x41: {  	s21 =	simm.s32 $0x40;
	s23 =	sadd.s32 $0x1, s24;
	s22 =	smul.u32 $0x680, s28  }
0x42: {  	p0 =	seq.s32 s24, $0x19;
	s24 =	sshll.u32 s24, $0x6;
	s29 =	smul.u32 $0x680, s26;
	v3 =	vmul.f32 v4, v3  }
0x43: {  	s30 =	sshll.u32 s25, $0x6;
	s24 =	sshra.s32 s24, $0x2;
	s22 =	sshra.s32 s22, $0x2  }
0x44: {  	s31 =	sshra.s32 s30, $0x2;
	s26 =	sshra.s32 s29, $0x2;
	s22 =	sadd.s32 s24, s22;
	[tilespmem:v2+s11+$0x0] =	vst.idx.msk $0xffff, v3  }
0x45: {  	s29 =	simm.s32 $0x1;
	s26 =	sadd.s32 s31, s26;
	v3 =	vmov s21;
	v2 =	vld [tilespmem:s22+$0x68]  }
0x46: {  	s28 =	sadd.s32 $0x2, s25;
	s29 =	simm.s32 @!p0 $0x0;
	v4 =	vshll.u32 v3, $0x4;
	v3 =	vld [tilespmem:s26+$0x68]  }
0x47: {  	s23 =	smov.u32 @p0 s28;
	s24 =	sadd.s32 s29, s25;
	s22 =	simm.s32 $0x0;
	v4 =	vor.u32 v0, v4  }
.LBB2_4:
0x48: {  	s22 =	sadd.s32 $0x5, s22;
	v4 =	vor.u32 v1, v4;
	s21 =	sadd.s32 $0x50, s21  }
0x49: {  	s25 =	sadd.s32 s20, s24;
	s26 =	sadd.s32 s20, s23;
	p0 =	slt.u32 s22, $0x140  }
0x4a: {  	s25 =	smul.u32 $0x680, s25;
	s28 =	sadd.s32 $0xFFFFFFC0, s21  }
0x4b: {  	s29 =	sshll.u32 s23, $0x6;
	s30 =	sshll.u32 s24, $0x6;
	s26 =	smul.u32 $0x680, s26;
	v5 =	vmov s28;
	v2 =	vmul.f32 v3, v2  }
0x4c: {  	s28 =	sshra.s32 s29, $0x2;
	s29 =	sshra.s32 s30, $0x2;
	s25 =	sshra.s32 s25, $0x2;
	v3 =	vshll.u32 v5, $0x4  }
0x4d: {  	s26 =	sshra.s32 s26, $0x2;
	s25 =	sadd.s32 s28, s25;
	v3 =	vor.u32 v0, v3;
	[tilespmem:v4+s11+$0x0] =	vst.idx.msk $0xffff, v2  }
0x4e: {  	v2 =	vld [tilespmem:s25+$0x68];
	s25 =	sadd.s32 s29, s26;
	s26 =	sadd.s32 $0xFFFFFFE0, s21  }
0x4f: {  	p1 =	seq.s32 s23, $0x19;
	s23 =	sadd.s32 $0x1, s23;
	v5 =	vmov s26;
	s26 =	simm.s32 $0x1  }
0x50: {  	s31 =	simm.s32 $0x1;
	v4 =	vld [tilespmem:s25+$0x68];
	s25 =	sadd.s32 $0x2, s24;
	s26 =	simm.s32 @!p1 $0x0  }
0x51: {  	v3 =	vor.u32 v1, v3;
	s23 =	smov.u32 @p1 s25;
	s25 =	sadd.s32 $0xFFFFFFD0, s21;
	v5 =	vshll.u32 v5, $0x4;
	s24 =	sadd.s32 s26, s24  }
0x52: {  	s26 =	sshll.u32 s23, $0x6;
	s28 =	sadd.s32 s20, s23;
	v6 =	vmov s25;
	v5 =	vor.u32 v0, v5;
	s29 =	sadd.s32 $0x1, s23  }
0x53: {  	p1 =	seq.s32 s23, $0x19;
	s25 =	sadd.s32 s20, s24;
	s28 =	smul.u32 $0x680, s28;
	v6 =	vshll.u32 v6, $0x4  }
0x54: {  	s23 =	sadd.s32 $0x2, s24;
	s30 =	sshll.u32 s24, $0x6;
	s25 =	smul.u32 $0x680, s25;
	v6 =	vor.u32 v0, v6  }
0x55: {  	s31 =	simm.s32 @!p1 $0x0;
	s26 =	sshra.s32 s26, $0x2;
	v2 =	vmul.f32 v4, v2;
	s28 =	sshra.s32 s28, $0x2  }
0x56: {  	s30 =	sshra.s32 s30, $0x2;
	s24 =	sadd.s32 s31, s24;
	s25 =	sshra.s32 s25, $0x2  }
0x57: {  	s29 =	smov.u32 @p1 s23;
	[tilespmem:v3+s11+$0x0] =	vst.idx.msk $0xffff, v2;
	s25 =	sadd.s32 s26, s25;
	s26 =	sadd.s32 s30, s28  }
0x58: {  	s31 =	simm.s32 $0x1;
	s23 =	sadd.s32 s20, s24;
	s28 =	sshll.u32 s24, $0x6;
	v2 =	vld [tilespmem:s25+$0x68]  }
0x59: {  	s23 =	smul.u32 $0x680, s23;
	s25 =	sadd.s32 s20, s29;
	v3 =	vld [tilespmem:s26+$0x68];
	s26 =	sadd.s32 $0x2, s24  }
0x5a: {  	p1 =	seq.s32 s29, $0x19;
	s30 =	sshll.u32 s29, $0x6;
	s25 =	smul.u32 $0x680, s25  }
0x5b: {  	v4 =	vor.u32 v1, v6;
	s31 =	simm.s32 @!p1 $0x0;
	s23 =	sshra.s32 s23, $0x2;
	s29 =	sadd.s32 $0x1, s29  }
0x5c: {  	s24 =	sadd.s32 s31, s24;
	s29 =	smov.u32 @p1 s26;
	s0 =	sshra.s32 s25, $0x2  }
0x5d: {  	s25 =	sadd.s32 s20, s24;
	s26 =	sadd.s32 s20, s29;
	p1 =	seq.s32 s29, $0x19  }
0x5e: {  	s3 =	sshll.u32 s24, $0x6;
	s31 =	smul.u32 $0x680, s25;
	s25 =	sadd.s32 $0x1, s29;
	v2 =	vmul.f32 v3, v2  }
0x5f: {  	s30 =	sshra.s32 s30, $0x2;
	s7 =	sadd.s32 $0x2, s24;
	s26 =	smul.u32 $0x680, s26  }
0x60: {  	s28 =	sshra.s32 s28, $0x2;
	s23 =	sadd.s32 s30, s23;
	s30 =	sshra.s32 s31, $0x2;
	[tilespmem:v4+s11+$0x0] =	vst.idx.msk $0xffff, v2  }
0x61: {  	s14 =	simm.s32 $0x1;
	v2 =	vld [tilespmem:s23+$0x68];
	s23 =	simm.s32 $0x1  }
0x62: {  	s0 =	sadd.s32 s28, s0;
	s25 =	smov.u32 @p1 s7;
	s23 =	simm.s32 @!p1 $0x0  }
0x63: {  	s7 =	sadd.s32 s20, s25;
	v3 =	vld [tilespmem:s0+$0x68];
	s0 =	sadd.s32 s23, s24;
	s23 =	sadd.s32 $0x1, s25  }
0x64: {  	s7 =	smul.u32 $0x680, s7;
	s24 =	sadd.s32 s20, s0;
	s28 =	sshll.u32 s0, $0x6  }
0x65: {  	v4 =	vor.u32 v1, v5;
	p1 =	seq.s32 s25, $0x19;
	s31 =	sadd.s32 $0x2, s0;
	s24 =	smul.u32 $0x680, s24  }
0x66: {  	s7 =	sshra.s32 s7, $0x2;
	s14 =	simm.s32 @!p1 $0x0;
	s23 =	smov.u32 @p1 s31  }
0x67: {  	s31 =	sshra.s32 s24, $0x2;
	s24 =	sadd.s32 s14, s0  }
0x68: {  	s0 =	sshll.u32 s29, $0x6;
	v2 =	vmul.f32 v3, v2  }
0x69: {  	s14 =	sadd.s32 $0xFFFFFFF0, s21;
	s0 =	sshra.s32 s0, $0x2  }
0x6a: {  	s3 =	sshra.s32 s3, $0x2;
	s26 =	sshra.s32 s26, $0x2;
	s0 =	sadd.s32 s0, s30;
	[tilespmem:v4+s11+$0x0] =	vst.idx.msk $0xffff, v2;
	v2 =	vmov s14  }
0x6b: {  	v3 =	vld [tilespmem:s0+$0x68];
	s0 =	sadd.s32 s3, s26;
	v2 =	vshll.u32 v2, $0x4  }
0x6c: {  	v4 =	vld [tilespmem:s0+$0x68];
	v2 =	vor.u32 v0, v2;
	_ =	sdelay $0x1  }
0x6d: {  	v2 =	vor.u32 v1, v2;
	_ =	sdelay $0x2  }
0x6e: {  	s0 =	sshll.u32 s25, $0x6;
	v3 =	vmul.f32 v4, v3  }
.Ltmp0:
0x6f: {  	s0 =	sshra.s32 s0, $0x2;
	(pc) =	sbr.rel @p0 .LBB2_4-.Ltmp0, $4  }
0x70: {  	s3 =	sshra.s32 s28, $0x2;
	s0 =	sadd.s32 s0, s31;
	[tilespmem:v2+s11+$0x0] =	vst.idx.msk $0xffff, v3  }
0x71: {  	v4 =	vmov s21;
	v2 =	vld [tilespmem:s0+$0x68];
	s0 =	sadd.s32 s3, s7  }
0x72: {  	v4 =	vshll.u32 v4, $0x4;
	v3 =	vld [tilespmem:s0+$0x68]  }
0x73: {  	v4 =	vor.u32 v0, v4  }
0x74: {  	s19 =	sadd.s32 $0x1, s19  }
0x75: {  	v1 =	vor.u32 v1, v4;
	p0 =	sne.s32 s19, $0x4  }
.Ltmp1:
0x76: {  	_ = 	snop;
	(pc) =	sbr.rel @p0 .LBB2_3-.Ltmp1, $3  }
0x77: {  	_ = 	snop  }
0x78: {  	v2 =	vmul.f32 v3, v2;
	_ =	sdelay $0x1  }
0x79: {  	[tilespmem:v1+s11+$0x0] =	vst.idx.msk $0xffff, v2  }
0x7a: {  	s0 =	sadd.s32 s18, s6  }
0x7b: {  	s18 =	smul.u32 $0x1A, s0;
	_ =	sdelay $0x1  }
0x7c: {  	s0 =	sadd.s32 $0x68, s18  }
0x7d: {  	s0 =	sshrl.u32 s0, $0x3  }
0x7e: {  	s19 =	simm.s32 $0x0;
	s0 =	sadd.s32 s1, s0  }
0x7f: {  	[tilespmem:s19], [sflag:$0x3] =	stream.linear.gather [hbm4b:s0+s19], $0x68, $0x38;
	[tilespmem:$0x1EE68] =	vst v63  }
0x80: {  	_ =	swait.ge [sflag:s8], $0x68  }
0x81: {  	[sflag:s8] =	ssyncset.done $0x0  }
0x82: {  	[sflag:s8] =	ssyncadd.s32 $0xFFFFFF98  }
0x83: {  	[tilespmem:s9], [sflag:$0x1] =	stream.indirect.gather [hbm4b:s4+s9], $0x1A0, s19, s9, $0xb8;
	[tilespmem:$0x1EE68] =	vst v63  }
0x84: {  	_ =	swait.ge [sflag:s10], $0xA900  }
0x85: {  	[sflag:s10] =	ssyncset.done $0x0  }
0x86: {  	[sflag:s10] =	ssyncadd.s32 $0xFFFF5700  }
.LBB2_7:
0x87: {  	s20 =	smul.u32 $0x1A, s19;
	_ =	sdelay $0x1  }
0x88: {  	s0 =	sadd.s32 $0x0, s20  }
0x89: {  	s3 =	sadd.s32 $0x1, s20;
	s0 =	smul.u32 $0x680, s0  }
0x8a: {  	s3 =	smul.u32 $0x680, s3  }
0x8b: {  	s7 =	sor.u32 $0x4, s19;
	s0 =	sshra.s32 s0, $0x2  }
0x8c: {  	s23 =	simm.s32 $0x0;
	v1 =	vmov s7;
	s3 =	sshra.s32 s3, $0x2;
	s0 =	sadd.s32 $0x10, s0  }
0x8d: {  	v2 =	vmov s23;
	v1 =	vand.u32 $0x7, v1;
	s24 =	sadd.s32 $0x0, s3;
	v3 =	vld [tilespmem:s0+$0x68]  }
0x8e: {  	p0 =	por $0x0, $0x0;
	v2 =	vshll.u32 v2, $0x4;
	v1 =	vbroadcast v1, $0x0;
	v4 =	vld [tilespmem:s24+$0x68];
	s0 =	simm.s32 $0x1  }
0x8f: {  	v2 =	vor.u32 v0, v2;
	s0 =	simm.s32 @!p0 $0x0  }
0x90: {  	s7 =	simm.s32 $0x2;
	v2 =	vor.u32 v1, v2;
	s3 =	simm.s32 $0x2;
	s0 =	sadd.s32 $0x0, s0  }
0x91: {  	s7 =	smov.u32 @p0 s3;
	s25 =	sadd.s32 s20, s0  }
0x92: {  	s14 =	sadd.s32 s20, s7;
	s3 =	smul.u32 $0x680, s25  }
0x93: {  	s21 =	simm.s32 $0x10;
	s22 =	sshll.u32 s7, $0x6;
	s14 =	smul.u32 $0x680, s14;
	v3 =	vmul.f32 v4, v3  }
0x94: {  	s22 =	sshra.s32 s22, $0x2;
	s23 =	sshll.u32 s0, $0x6;
	s3 =	sshra.s32 s3, $0x2  }
0x95: {  	s14 =	sshra.s32 s14, $0x2;
	s23 =	sshra.s32 s23, $0x2;
	[tilespmem:v2+s11+$0x0] =	vst.idx.msk $0xffff, v3;
	s3 =	sadd.s32 s22, s3  }
0x96: {  	s14 =	sadd.s32 s23, s14;
	v2 =	vmov s21;
	v3 =	vld [tilespmem:s3+$0x68]  }
0x97: {  	p0 =	seq.s32 s7, $0x19;
	v2 =	vshll.u32 v2, $0x4;
	s3 =	simm.s32 $0x1;
	v4 =	vld [tilespmem:s14+$0x68]  }
0x98: {  	v2 =	vor.u32 v0, v2;
	s3 =	simm.s32 @!p0 $0x0  }
0x99: {  	s7 =	sadd.s32 $0x1, s7;
	s14 =	sadd.s32 $0x2, s0;
	s0 =	sadd.s32 s3, s0;
	v2 =	vor.u32 v1, v2  }
0x9a: {  	s7 =	smov.u32 @p0 s14;
	s3 =	sadd.s32 s20, s0  }
0x9b: {  	s14 =	sadd.s32 s20, s7;
	s3 =	smul.u32 $0x680, s3  }
0x9c: {  	s26 =	simm.s32 $0x20;
	s28 =	sshll.u32 s7, $0x6;
	s14 =	smul.u32 $0x680, s14;
	v3 =	vmul.f32 v4, v3  }
0x9d: {  	s29 =	sshll.u32 s0, $0x6;
	s22 =	sshra.s32 s28, $0x2;
	s3 =	sshra.s32 s3, $0x2  }
0x9e: {  	s30 =	sshra.s32 s29, $0x2;
	s14 =	sshra.s32 s14, $0x2;
	[tilespmem:v2+s11+$0x0] =	vst.idx.msk $0xffff, v3;
	s3 =	sadd.s32 s22, s3  }
0x9f: {  	s31 =	sadd.s32 s30, s14;
	v2 =	vmov s26;
	v3 =	vld [tilespmem:s3+$0x68]  }
0xa0: {  	p0 =	seq.s32 s7, $0x19;
	s14 =	simm.s32 $0x1;
	v2 =	vshll.u32 v2, $0x4;
	v4 =	vld [tilespmem:s31+$0x68]  }
0xa1: {  	s14 =	simm.s32 @!p0 $0x0;
	v2 =	vor.u32 v0, v2  }
0xa2: {  	s7 =	sadd.s32 $0x1, s7;
	s3 =	sadd.s32 $0x2, s0;
	s0 =	sadd.s32 s14, s0;
	v2 =	vor.u32 v1, v2  }
0xa3: {  	s7 =	smov.u32 @p0 s3;
	s21 =	sadd.s32 s20, s0  }
0xa4: {  	s22 =	sadd.s32 s20, s7;
	s3 =	smul.u32 $0x680, s21  }
0xa5: {  	s25 =	simm.s32 $0x30;
	s24 =	sshll.u32 s7, $0x6;
	s14 =	smul.u32 $0x680, s22;
	v3 =	vmul.f32 v4, v3  }
0xa6: {  	s23 =	sshll.u32 s0, $0x6;
	s22 =	sshra.s32 s24, $0x2;
	s3 =	sshra.s32 s3, $0x2  }
0xa7: {  	s21 =	sshra.s32 s23, $0x2;
	s3 =	sadd.s32 s22, s3;
	s14 =	sshra.s32 s14, $0x2;
	[tilespmem:v2+s11+$0x0] =	vst.idx.msk $0xffff, v3  }
0xa8: {  	s26 =	sadd.s32 s21, s14;
	v2 =	vmov s25;
	v3 =	vld [tilespmem:s3+$0x68]  }
0xa9: {  	p0 =	seq.s32 s7, $0x19;
	s21 =	simm.s32 $0x1;
	v2 =	vshll.u32 v2, $0x4;
	v4 =	vld [tilespmem:s26+$0x68]  }
0xaa: {  	s7 =	sadd.s32 $0x1, s7;
	s14 =	sadd.s32 $0x2, s0;
	s21 =	simm.s32 @!p0 $0x0;
	v2 =	vor.u32 v0, v2  }
0xab: {  	s7 =	smov.u32 @p0 s14;
	s0 =	sadd.s32 s21, s0;
	v2 =	vor.u32 v1, v2  }
0xac: {  	s28 =	sadd.s32 s20, s7;
	s29 =	sadd.s32 s20, s0  }
0xad: {  	s21 =	simm.s32 $0x40;
	s23 =	sadd.s32 $0x1, s7;
	s14 =	smul.u32 $0x680, s29  }
0xae: {  	p0 =	seq.s32 s7, $0x19;
	s7 =	sshll.u32 s7, $0x6;
	s3 =	smul.u32 $0x680, s28;
	v3 =	vmul.f32 v4, v3  }
0xaf: {  	s30 =	sshll.u32 s0, $0x6;
	s7 =	sshra.s32 s7, $0x2;
	s14 =	sshra.s32 s14, $0x2  }
0xb0: {  	s31 =	sshra.s32 s30, $0x2;
	s3 =	sshra.s32 s3, $0x2;
	s7 =	sadd.s32 s7, s14;
	[tilespmem:v2+s11+$0x0] =	vst.idx.msk $0xffff, v3  }
0xb1: {  	s24 =	simm.s32 $0x1;
	s3 =	sadd.s32 s31, s3;
	v3 =	vmov s21;
	v2 =	vld [tilespmem:s7+$0x68]  }
0xb2: {  	s25 =	sadd.s32 $0x2, s0;
	s24 =	simm.s32 @!p0 $0x0;
	v4 =	vshll.u32 v3, $0x4;
	v3 =	vld [tilespmem:s3+$0x68]  }
0xb3: {  	s22 =	simm.s32 $0x0;
	s23 =	smov.u32 @p0 s25;
	s24 =	sadd.s32 s24, s0;
	v4 =	vor.u32 v0, v4  }
.LBB2_8:
0xb4: {  	s22 =	sadd.s32 $0x5, s22;
	v4 =	vor.u32 v1, v4;
	s21 =	sadd.s32 $0x50, s21  }
0xb5: {  	s0 =	sadd.s32 s20, s24;
	s3 =	sadd.s32 s20, s23;
	p0 =	slt.u32 s22, $0x140  }
0xb6: {  	s0 =	smul.u32 $0x680, s0;
	s7 =	sadd.s32 $0xFFFFFFC0, s21  }
0xb7: {  	s14 =	sshll.u32 s23, $0x6;
	s25 =	sshll.u32 s24, $0x6;
	s3 =	smul.u32 $0x680, s3;
	v5 =	vmov s7;
	v2 =	vmul.f32 v3, v2  }
0xb8: {  	s7 =	sshra.s32 s14, $0x2;
	s14 =	sshra.s32 s25, $0x2;
	s0 =	sshra.s32 s0, $0x2;
	v3 =	vshll.u32 v5, $0x4  }
0xb9: {  	s3 =	sshra.s32 s3, $0x2;
	s0 =	sadd.s32 s7, s0;
	v3 =	vor.u32 v0, v3;
	[tilespmem:v4+s11+$0x0] =	vst.idx.msk $0xffff, v2  }
0xba: {  	v2 =	vld [tilespmem:s0+$0x68];
	s0 =	sadd.s32 s14, s3;
	s3 =	sadd.s32 $0xFFFFFFE0, s21  }
0xbb: {  	p1 =	seq.s32 s23, $0x19;
	s26 =	simm.s32 $0x1;
	v5 =	vmov s3;
	s3 =	simm.s32 $0x1  }
0xbc: {  	s7 =	sadd.s32 $0x1, s23;
	v4 =	vld [tilespmem:s0+$0x68];
	s0 =	sadd.s32 $0x2, s24;
	s3 =	simm.s32 @!p1 $0x0  }
0xbd: {  	v3 =	vor.u32 v1, v3;
	s7 =	smov.u32 @p1 s0;
	s0 =	sadd.s32 $0xFFFFFFD0, s21;
	v5 =	vshll.u32 v5, $0x4;
	s3 =	sadd.s32 s3, s24  }
0xbe: {  	s14 =	sshll.u32 s7, $0x6;
	s23 =	sadd.s32 s20, s7;
	v6 =	vmov s0;
	v5 =	vor.u32 v0, v5;
	s24 =	sadd.s32 $0x1, s7  }
0xbf: {  	p1 =	seq.s32 s7, $0x19;
	s0 =	sadd.s32 s20, s3;
	s23 =	smul.u32 $0x680, s23;
	v6 =	vshll.u32 v6, $0x4  }
0xc0: {  	s7 =	sadd.s32 $0x2, s3;
	s25 =	sshll.u32 s3, $0x6;
	s0 =	smul.u32 $0x680, s0;
	v6 =	vor.u32 v0, v6  }
0xc1: {  	s26 =	simm.s32 @!p1 $0x0;
	s14 =	sshra.s32 s14, $0x2;
	v2 =	vmul.f32 v4, v2;
	s23 =	sshra.s32 s23, $0x2  }
0xc2: {  	s25 =	sshra.s32 s25, $0x2;
	s3 =	sadd.s32 s26, s3;
	s0 =	sshra.s32 s0, $0x2  }
0xc3: {  	s24 =	smov.u32 @p1 s7;
	[tilespmem:v3+s11+$0x0] =	vst.idx.msk $0xffff, v2;
	s0 =	sadd.s32 s14, s0;
	s14 =	sadd.s32 s25, s23  }
0xc4: {  	s7 =	sshll.u32 s3, $0x6;
	s26 =	sshll.u32 s24, $0x6;
	v2 =	vld [tilespmem:s0+$0x68];
	s0 =	sadd.s32 s20, s3  }
0xc5: {  	s23 =	sadd.s32 $0x2, s3;
	v3 =	vld [tilespmem:s14+$0x68];
	s0 =	smul.u32 $0x680, s0;
	s14 =	sadd.s32 s20, s24  }
0xc6: {  	p1 =	seq.s32 s24, $0x19;
	s25 =	simm.s32 $0x1;
	s14 =	smul.u32 $0x680, s14  }
0xc7: {  	v4 =	vor.u32 v1, v6;
	s28 =	sadd.s32 $0x1, s24;
	s25 =	simm.s32 @!p1 $0x0;
	s0 =	sshra.s32 s0, $0x2  }
0xc8: {  	s28 =	smov.u32 @p1 s23;
	s3 =	sadd.s32 s25, s3;
	s14 =	sshra.s32 s14, $0x2  }
0xc9: {  	s24 =	sadd.s32 s20, s28;
	p1 =	seq.s32 s28, $0x19;
	s23 =	sadd.s32 s20, s3  }
0xca: {  	s25 =	sadd.s32 $0x1, s28;
	s29 =	sshll.u32 s3, $0x6;
	s23 =	smul.u32 $0x680, s23;
	v2 =	vmul.f32 v3, v2  }
0xcb: {  	s26 =	sshra.s32 s26, $0x2;
	s30 =	smul.u32 $0x680, s24;
	s24 =	sadd.s32 $0x2, s3  }
0xcc: {  	s7 =	sshra.s32 s7, $0x2;
	s0 =	sadd.s32 s26, s0;
	s26 =	sshra.s32 s23, $0x2;
	[tilespmem:v4+s11+$0x0] =	vst.idx.msk $0xffff, v2  }
0xcd: {  	v2 =	vld [tilespmem:s0+$0x68];
	s0 =	sadd.s32 s7, s14;
	s7 =	simm.s32 $0x1  }
0xce: {  	s31 =	simm.s32 $0x1;
	s25 =	smov.u32 @p1 s24;
	s7 =	simm.s32 @!p1 $0x0  }
0xcf: {  	s23 =	sadd.s32 $0x1, s25;
	v3 =	vld [tilespmem:s0+$0x68];
	s0 =	sadd.s32 s7, s3;
	s3 =	sadd.s32 s20, s25  }
0xd0: {  	s7 =	sadd.s32 s20, s0;
	s3 =	smul.u32 $0x680, s3;
	s14 =	sshll.u32 s0, $0x6  }
0xd1: {  	v4 =	vor.u32 v1, v5;
	p1 =	seq.s32 s25, $0x19;
	s24 =	sadd.s32 $0x2, s0;
	s7 =	smul.u32 $0x680, s7  }
0xd2: {  	s31 =	simm.s32 @!p1 $0x0;
	s23 =	smov.u32 @p1 s24;
	s3 =	sshra.s32 s3, $0x2  }
0xd3: {  	s24 =	sadd.s32 s31, s0;
	s7 =	sshra.s32 s7, $0x2  }
0xd4: {  	s0 =	sshll.u32 s28, $0x6;
	v2 =	vmul.f32 v3, v2  }
0xd5: {  	s28 =	sadd.s32 $0xFFFFFFF0, s21;
	s0 =	sshra.s32 s0, $0x2  }
0xd6: {  	s29 =	sshra.s32 s29, $0x2;
	s0 =	sadd.s32 s0, s26;
	s26 =	sshra.s32 s30, $0x2;
	[tilespmem:v4+s11+$0x0] =	vst.idx.msk $0xffff, v2;
	v2 =	vmov s28  }
0xd7: {  	v3 =	vld [tilespmem:s0+$0x68];
	s0 =	sadd.s32 s29, s26;
	v2 =	vshll.u32 v2, $0x4  }
0xd8: {  	v4 =	vld [tilespmem:s0+$0x68];
	v2 =	vor.u32 v0, v2;
	_ =	sdelay $0x1  }
0xd9: {  	v2 =	vor.u32 v1, v2;
	_ =	sdelay $0x2  }
0xda: {  	s0 =	sshll.u32 s25, $0x6;
	v3 =	vmul.f32 v4, v3  }
.Ltmp2:
0xdb: {  	s0 =	sshra.s32 s0, $0x2;
	(pc) =	sbr.rel @p0 .LBB2_8-.Ltmp2, $4  }
0xdc: {  	s0 =	sadd.s32 s0, s7;
	s7 =	sshra.s32 s14, $0x2;
	[tilespmem:v2+s11+$0x0] =	vst.idx.msk $0xffff, v3  }
0xdd: {  	v4 =	vmov s21;
	v2 =	vld [tilespmem:s0+$0x68];
	s0 =	sadd.s32 s7, s3  }
0xde: {  	v4 =	vshll.u32 v4, $0x4;
	v3 =	vld [tilespmem:s0+$0x68]  }
0xdf: {  	v4 =	vor.u32 v0, v4  }
0xe0: {  	s19 =	sadd.s32 $0x1, s19  }
0xe1: {  	v1 =	vor.u32 v1, v4;
	p0 =	sne.s32 s19, $0x4  }
.Ltmp3:
0xe2: {  	_ = 	snop;
	(pc) =	sbr.rel @p0 .LBB2_7-.Ltmp3, $3  }
0xe3: {  	_ = 	snop  }
0xe4: {  	v2 =	vmul.f32 v3, v2;
	_ =	sdelay $0x1  }
0xe5: {  	[tilespmem:v1+s11+$0x0] =	vst.idx.msk $0xffff, v2  }
0xe6: {  	s0 =	sadd.s32 $0xD0, s18  }
0xe7: {  	s0 =	sshrl.u32 s0, $0x3  }
0xe8: {  	s19 =	simm.s32 $0x0;
	s0 =	sadd.s32 s1, s0  }
0xe9: {  	[tilespmem:s19], [sflag:$0x3] =	stream.linear.gather [hbm4b:s0+s19], $0x68, $0x38;
	[tilespmem:$0x1EE68] =	vst v63  }
0xea: {  	_ =	swait.ge [sflag:s8], $0x68  }
0xeb: {  	[sflag:s8] =	ssyncset.done $0x0  }
0xec: {  	[sflag:s8] =	ssyncadd.s32 $0xFFFFFF98  }
0xed: {  	[tilespmem:s9], [sflag:$0x1] =	stream.indirect.gather [hbm4b:s4+s9], $0x1A0, s19, s9, $0xb8;
	[tilespmem:$0x1EE68] =	vst v63  }
0xee: {  	_ =	swait.ge [sflag:s10], $0xA900  }
0xef: {  	[sflag:s10] =	ssyncset.done $0x0  }
0xf0: {  	[sflag:s10] =	ssyncadd.s32 $0xFFFF5700  }
.LBB2_11:
0xf1: {  	s20 =	smul.u32 $0x1A, s19;
	_ =	sdelay $0x1  }
0xf2: {  	s0 =	sadd.s32 $0x0, s20  }
0xf3: {  	s3 =	sadd.s32 $0x1, s20;
	s0 =	smul.u32 $0x680, s0  }
0xf4: {  	s3 =	smul.u32 $0x680, s3  }
0xf5: {  	v1 =	vmov s19;
	s0 =	sshra.s32 s0, $0x2  }
0xf6: {  	s7 =	simm.s32 $0x0;
	v1 =	vand.u32 $0x7, v1;
	s3 =	sshra.s32 s3, $0x2;
	s0 =	sadd.s32 $0x10, s0  }
0xf7: {  	v2 =	vmov s7;
	v1 =	vor.u32 $0x8, v1;
	s24 =	sadd.s32 $0x0, s3;
	v3 =	vld [tilespmem:s0+$0x68]  }
0xf8: {  	p0 =	por $0x0, $0x0;
	v2 =	vshll.u32 v2, $0x4;
	v1 =	vbroadcast v1, $0x0;
	v4 =	vld [tilespmem:s24+$0x68];
	s0 =	simm.s32 $0x1  }
0xf9: {  	v2 =	vor.u32 v0, v2;
	s0 =	simm.s32 @!p0 $0x0  }
0xfa: {  	s7 =	simm.s32 $0x2;
	v2 =	vor.u32 v1, v2;
	s3 =	simm.s32 $0x2;
	s0 =	sadd.s32 $0x0, s0  }
0xfb: {  	s7 =	smov.u32 @p0 s3;
	s25 =	sadd.s32 s20, s0  }
0xfc: {  	s14 =	sadd.s32 s20, s7;
	s3 =	smul.u32 $0x680, s25  }
0xfd: {  	s21 =	simm.s32 $0x10;
	s22 =	sshll.u32 s7, $0x6;
	s14 =	smul.u32 $0x680, s14;
	v3 =	vmul.f32 v4, v3  }
0xfe: {  	s22 =	sshra.s32 s22, $0x2;
	s23 =	sshll.u32 s0, $0x6;
	s3 =	sshra.s32 s3, $0x2  }
0xff: {  	s14 =	sshra.s32 s14, $0x2;
	s23 =	sshra.s32 s23, $0x2;
	[tilespmem:v2+s11+$0x0] =	vst.idx.msk $0xffff, v3;
	s3 =	sadd.s32 s22, s3  }
0x100: {  	s14 =	sadd.s32 s23, s14;
	v2 =	vmov s21;
	v3 =	vld [tilespmem:s3+$0x68]  }
0x101: {  	p0 =	seq.s32 s7, $0x19;
	v2 =	vshll.u32 v2, $0x4;
	s3 =	simm.s32 $0x1;
	v4 =	vld [tilespmem:s14+$0x68]  }
0x102: {  	v2 =	vor.u32 v0, v2;
	s3 =	simm.s32 @!p0 $0x0  }
0x103: {  	s7 =	sadd.s32 $0x1, s7;
	s14 =	sadd.s32 $0x2, s0;
	s0 =	sadd.s32 s3, s0;
	v2 =	vor.u32 v1, v2  }
0x104: {  	s7 =	smov.u32 @p0 s14;
	s3 =	sadd.s32 s20, s0  }
0x105: {  	s14 =	sadd.s32 s20, s7;
	s3 =	smul.u32 $0x680, s3  }
0x106: {  	s26 =	simm.s32 $0x20;
	s28 =	sshll.u32 s7, $0x6;
	s14 =	smul.u32 $0x680, s14;
	v3 =	vmul.f32 v4, v3  }
0x107: {  	s29 =	sshll.u32 s0, $0x6;
	s22 =	sshra.s32 s28, $0x2;
	s3 =	sshra.s32 s3, $0x2  }
0x108: {  	s30 =	sshra.s32 s29, $0x2;
	s14 =	sshra.s32 s14, $0x2;
	[tilespmem:v2+s11+$0x0] =	vst.idx.msk $0xffff, v3;
	s3 =	sadd.s32 s22, s3  }
0x109: {  	s31 =	sadd.s32 s30, s14;
	v2 =	vmov s26;
	v3 =	vld [tilespmem:s3+$0x68]  }
0x10a: {  	p0 =	seq.s32 s7, $0x19;
	s14 =	simm.s32 $0x1;
	v2 =	vshll.u32 v2, $0x4;
	v4 =	vld [tilespmem:s31+$0x68]  }
0x10b: {  	s14 =	simm.s32 @!p0 $0x0;
	v2 =	vor.u32 v0, v2  }
0x10c: {  	s7 =	sadd.s32 $0x1, s7;
	s3 =	sadd.s32 $0x2, s0;
	s0 =	sadd.s32 s14, s0;
	v2 =	vor.u32 v1, v2  }
0x10d: {  	s7 =	smov.u32 @p0 s3;
	s21 =	sadd.s32 s20, s0  }
0x10e: {  	s22 =	sadd.s32 s20, s7;
	s3 =	smul.u32 $0x680, s21  }
0x10f: {  	s25 =	simm.s32 $0x30;
	s24 =	sshll.u32 s7, $0x6;
	s14 =	smul.u32 $0x680, s22;
	v3 =	vmul.f32 v4, v3  }
0x110: {  	s23 =	sshll.u32 s0, $0x6;
	s22 =	sshra.s32 s24, $0x2;
	s3 =	sshra.s32 s3, $0x2  }
0x111: {  	s21 =	sshra.s32 s23, $0x2;
	s3 =	sadd.s32 s22, s3;
	s14 =	sshra.s32 s14, $0x2;
	[tilespmem:v2+s11+$0x0] =	vst.idx.msk $0xffff, v3  }
0x112: {  	s26 =	sadd.s32 s21, s14;
	v2 =	vmov s25;
	v3 =	vld [tilespmem:s3+$0x68]  }
0x113: {  	p0 =	seq.s32 s7, $0x19;
	s21 =	simm.s32 $0x1;
	v2 =	vshll.u32 v2, $0x4;
	v4 =	vld [tilespmem:s26+$0x68]  }
0x114: {  	s7 =	sadd.s32 $0x1, s7;
	s14 =	sadd.s32 $0x2, s0;
	s21 =	simm.s32 @!p0 $0x0;
	v2 =	vor.u32 v0, v2  }
0x115: {  	s7 =	smov.u32 @p0 s14;
	s0 =	sadd.s32 s21, s0;
	v2 =	vor.u32 v1, v2  }
0x116: {  	s28 =	sadd.s32 s20, s7;
	s29 =	sadd.s32 s20, s0  }
0x117: {  	s21 =	simm.s32 $0x40;
	s23 =	sadd.s32 $0x1, s7;
	s14 =	smul.u32 $0x680, s29  }
0x118: {  	p0 =	seq.s32 s7, $0x19;
	s7 =	sshll.u32 s7, $0x6;
	s3 =	smul.u32 $0x680, s28;
	v3 =	vmul.f32 v4, v3  }
0x119: {  	s30 =	sshll.u32 s0, $0x6;
	s7 =	sshra.s32 s7, $0x2;
	s14 =	sshra.s32 s14, $0x2  }
0x11a: {  	s31 =	sshra.s32 s30, $0x2;
	s3 =	sshra.s32 s3, $0x2;
	s7 =	sadd.s32 s7, s14;
	[tilespmem:v2+s11+$0x0] =	vst.idx.msk $0xffff, v3  }
0x11b: {  	s24 =	simm.s32 $0x1;
	s3 =	sadd.s32 s31, s3;
	v3 =	vmov s21;
	v2 =	vld [tilespmem:s7+$0x68]  }
0x11c: {  	s25 =	sadd.s32 $0x2, s0;
	s24 =	simm.s32 @!p0 $0x0;
	v4 =	vshll.u32 v3, $0x4;
	v3 =	vld [tilespmem:s3+$0x68]  }
0x11d: {  	s22 =	simm.s32 $0x0;
	s23 =	smov.u32 @p0 s25;
	s24 =	sadd.s32 s24, s0;
	v4 =	vor.u32 v0, v4  }
.LBB2_12:
0x11e: {  	s22 =	sadd.s32 $0x5, s22;
	v4 =	vor.u32 v1, v4;
	s21 =	sadd.s32 $0x50, s21  }
0x11f: {  	s0 =	sadd.s32 s20, s24;
	s3 =	sadd.s32 s20, s23;
	p0 =	slt.u32 s22, $0x140  }
0x120: {  	s0 =	smul.u32 $0x680, s0;
	s7 =	sadd.s32 $0xFFFFFFC0, s21  }
0x121: {  	s14 =	sshll.u32 s23, $0x6;
	s25 =	sshll.u32 s24, $0x6;
	s3 =	smul.u32 $0x680, s3;
	v5 =	vmov s7;
	v2 =	vmul.f32 v3, v2  }
0x122: {  	s7 =	sshra.s32 s14, $0x2;
	s14 =	sshra.s32 s25, $0x2;
	s0 =	sshra.s32 s0, $0x2;
	v3 =	vshll.u32 v5, $0x4  }
0x123: {  	s3 =	sshra.s32 s3, $0x2;
	s0 =	sadd.s32 s7, s0;
	v3 =	vor.u32 v0, v3;
	[tilespmem:v4+s11+$0x0] =	vst.idx.msk $0xffff, v2  }
0x124: {  	v2 =	vld [tilespmem:s0+$0x68];
	s0 =	sadd.s32 s14, s3;
	s3 =	sadd.s32 $0xFFFFFFE0, s21  }
0x125: {  	p1 =	seq.s32 s23, $0x19;
	s26 =	simm.s32 $0x1;
	v5 =	vmov s3;
	s3 =	simm.s32 $0x1  }
0x126: {  	s7 =	sadd.s32 $0x1, s23;
	v4 =	vld [tilespmem:s0+$0x68];
	s0 =	sadd.s32 $0x2, s24;
	s3 =	simm.s32 @!p1 $0x0  }
0x127: {  	v3 =	vor.u32 v1, v3;
	s7 =	smov.u32 @p1 s0;
	s0 =	sadd.s32 $0xFFFFFFD0, s21;
	v5 =	vshll.u32 v5, $0x4;
	s3 =	sadd.s32 s3, s24  }
0x128: {  	s14 =	sshll.u32 s7, $0x6;
	s23 =	sadd.s32 s20, s7;
	v6 =	vmov s0;
	v5 =	vor.u32 v0, v5;
	s24 =	sadd.s32 $0x1, s7  }
0x129: {  	p1 =	seq.s32 s7, $0x19;
	s0 =	sadd.s32 s20, s3;
	s23 =	smul.u32 $0x680, s23;
	v6 =	vshll.u32 v6, $0x4  }
0x12a: {  	s7 =	sadd.s32 $0x2, s3;
	s25 =	sshll.u32 s3, $0x6;
	s0 =	smul.u32 $0x680, s0;
	v6 =	vor.u32 v0, v6  }
0x12b: {  	s26 =	simm.s32 @!p1 $0x0;
	s14 =	sshra.s32 s14, $0x2;
	v2 =	vmul.f32 v4, v2;
	s23 =	sshra.s32 s23, $0x2  }
0x12c: {  	s25 =	sshra.s32 s25, $0x2;
	s3 =	sadd.s32 s26, s3;
	s0 =	sshra.s32 s0, $0x2  }
0x12d: {  	s24 =	smov.u32 @p1 s7;
	[tilespmem:v3+s11+$0x0] =	vst.idx.msk $0xffff, v2;
	s0 =	sadd.s32 s14, s0;
	s14 =	sadd.s32 s25, s23  }
0x12e: {  	s7 =	sshll.u32 s3, $0x6;
	s26 =	sshll.u32 s24, $0x6;
	v2 =	vld [tilespmem:s0+$0x68];
	s0 =	sadd.s32 s20, s3  }
0x12f: {  	s23 =	sadd.s32 $0x2, s3;
	v3 =	vld [tilespmem:s14+$0x68];
	s0 =	smul.u32 $0x680, s0;
	s14 =	sadd.s32 s20, s24  }
0x130: {  	p1 =	seq.s32 s24, $0x19;
	s25 =	simm.s32 $0x1;
	s14 =	smul.u32 $0x680, s14  }
0x131: {  	v4 =	vor.u32 v1, v6;
	s28 =	sadd.s32 $0x1, s24;
	s25 =	simm.s32 @!p1 $0x0;
	s0 =	sshra.s32 s0, $0x2  }
0x132: {  	s28 =	smov.u32 @p1 s23;
	s3 =	sadd.s32 s25, s3;
	s14 =	sshra.s32 s14, $0x2  }
0x133: {  	s24 =	sadd.s32 s20, s28;
	p1 =	seq.s32 s28, $0x19;
	s23 =	sadd.s32 s20, s3  }
0x134: {  	s25 =	sadd.s32 $0x1, s28;
	s29 =	sshll.u32 s3, $0x6;
	s23 =	smul.u32 $0x680, s23;
	v2 =	vmul.f32 v3, v2  }
0x135: {  	s26 =	sshra.s32 s26, $0x2;
	s30 =	smul.u32 $0x680, s24;
	s24 =	sadd.s32 $0x2, s3  }
0x136: {  	s7 =	sshra.s32 s7, $0x2;
	s0 =	sadd.s32 s26, s0;
	s26 =	sshra.s32 s23, $0x2;
	[tilespmem:v4+s11+$0x0] =	vst.idx.msk $0xffff, v2  }
0x137: {  	v2 =	vld [tilespmem:s0+$0x68];
	s0 =	sadd.s32 s7, s14;
	s7 =	simm.s32 $0x1  }
0x138: {  	s31 =	simm.s32 $0x1;
	s25 =	smov.u32 @p1 s24;
	s7 =	simm.s32 @!p1 $0x0  }
0x139: {  	s23 =	sadd.s32 $0x1, s25;
	v3 =	vld [tilespmem:s0+$0x68];
	s0 =	sadd.s32 s7, s3;
	s3 =	sadd.s32 s20, s25  }
0x13a: {  	s7 =	sadd.s32 s20, s0;
	s3 =	smul.u32 $0x680, s3;
	s14 =	sshll.u32 s0, $0x6  }
0x13b: {  	v4 =	vor.u32 v1, v5;
	p1 =	seq.s32 s25, $0x19;
	s24 =	sadd.s32 $0x2, s0;
	s7 =	smul.u32 $0x680, s7  }
0x13c: {  	s31 =	simm.s32 @!p1 $0x0;
	s23 =	smov.u32 @p1 s24;
	s3 =	sshra.s32 s3, $0x2  }
0x13d: {  	s24 =	sadd.s32 s31, s0;
	s7 =	sshra.s32 s7, $0x2  }
0x13e: {  	s0 =	sshll.u32 s28, $0x6;
	v2 =	vmul.f32 v3, v2  }
0x13f: {  	s28 =	sadd.s32 $0xFFFFFFF0, s21;
	s0 =	sshra.s32 s0, $0x2  }
0x140: {  	s29 =	sshra.s32 s29, $0x2;
	s0 =	sadd.s32 s0, s26;
	s26 =	sshra.s32 s30, $0x2;
	[tilespmem:v4+s11+$0x0] =	vst.idx.msk $0xffff, v2;
	v2 =	vmov s28  }
0x141: {  	v3 =	vld [tilespmem:s0+$0x68];
	s0 =	sadd.s32 s29, s26;
	v2 =	vshll.u32 v2, $0x4  }
0x142: {  	v4 =	vld [tilespmem:s0+$0x68];
	v2 =	vor.u32 v0, v2;
	_ =	sdelay $0x1  }
0x143: {  	v2 =	vor.u32 v1, v2;
	_ =	sdelay $0x2  }
0x144: {  	s0 =	sshll.u32 s25, $0x6;
	v3 =	vmul.f32 v4, v3  }
.Ltmp4:
0x145: {  	s0 =	sshra.s32 s0, $0x2;
	(pc) =	sbr.rel @p0 .LBB2_12-.Ltmp4, $4  }
0x146: {  	s0 =	sadd.s32 s0, s7;
	s7 =	sshra.s32 s14, $0x2;
	[tilespmem:v2+s11+$0x0] =	vst.idx.msk $0xffff, v3  }
0x147: {  	v4 =	vmov s21;
	v2 =	vld [tilespmem:s0+$0x68];
	s0 =	sadd.s32 s7, s3  }
0x148: {  	v4 =	vshll.u32 v4, $0x4;
	v3 =	vld [tilespmem:s0+$0x68]  }
0x149: {  	v4 =	vor.u32 v0, v4  }
0x14a: {  	s19 =	sadd.s32 $0x1, s19  }
0x14b: {  	v1 =	vor.u32 v1, v4;
	p0 =	sne.s32 s19, $0x4  }
.Ltmp5:
0x14c: {  	_ = 	snop;
	(pc) =	sbr.rel @p0 .LBB2_11-.Ltmp5, $3  }
0x14d: {  	_ = 	snop  }
0x14e: {  	v2 =	vmul.f32 v3, v2;
	_ =	sdelay $0x1  }
0x14f: {  	[tilespmem:v1+s11+$0x0] =	vst.idx.msk $0xffff, v2  }
0x150: {  	s0 =	sadd.s32 $0x138, s18  }
0x151: {  	s0 =	sshrl.u32 s0, $0x3  }
0x152: {  	s18 =	simm.s32 $0x0;
	s0 =	sadd.s32 s1, s0  }
0x153: {  	[tilespmem:s18], [sflag:$0x3] =	stream.linear.gather [hbm4b:s0+s18], $0x68, $0x38;
	[tilespmem:$0x1EE68] =	vst v63  }
0x154: {  	_ =	swait.ge [sflag:s8], $0x68  }
0x155: {  	[sflag:s8] =	ssyncset.done $0x0  }
0x156: {  	[sflag:s8] =	ssyncadd.s32 $0xFFFFFF98  }
0x157: {  	[tilespmem:s9], [sflag:$0x1] =	stream.indirect.gather [hbm4b:s4+s9], $0x1A0, s18, s9, $0xb8;
	[tilespmem:$0x1EE68] =	vst v63  }
0x158: {  	_ =	swait.ge [sflag:s10], $0xA900  }
0x159: {  	[sflag:s10] =	ssyncset.done $0x0  }
0x15a: {  	[sflag:s10] =	ssyncadd.s32 $0xFFFF5700  }
.LBB2_15:
0x15b: {  	s19 =	smul.u32 $0x1A, s18;
	_ =	sdelay $0x1  }
0x15c: {  	s0 =	sadd.s32 $0x0, s19  }
0x15d: {  	s3 =	sadd.s32 $0x1, s19;
	s0 =	smul.u32 $0x680, s0  }
0x15e: {  	s7 =	sor.u32 $0x4, s18;
	s3 =	smul.u32 $0x680, s3  }
0x15f: {  	v1 =	vmov s7;
	s0 =	sshra.s32 s0, $0x2  }
0x160: {  	s24 =	simm.s32 $0x0;
	v1 =	vand.u32 $0x7, v1;
	s3 =	sshra.s32 s3, $0x2;
	s0 =	sadd.s32 $0x10, s0  }
0x161: {  	v2 =	vmov s24;
	v1 =	vor.u32 $0x8, v1;
	s25 =	sadd.s32 $0x0, s3;
	v3 =	vld [tilespmem:s0+$0x68]  }
0x162: {  	p0 =	por $0x0, $0x0;
	v2 =	vshll.u32 v2, $0x4;
	v1 =	vbroadcast v1, $0x0;
	v4 =	vld [tilespmem:s25+$0x68];
	s0 =	simm.s32 $0x1  }
0x163: {  	v2 =	vor.u32 v0, v2;
	s0 =	simm.s32 @!p0 $0x0  }
0x164: {  	s7 =	simm.s32 $0x2;
	s3 =	simm.s32 $0x2;
	v2 =	vor.u32 v1, v2;
	s0 =	sadd.s32 $0x0, s0  }
0x165: {  	s7 =	smov.u32 @p0 s3;
	s26 =	sadd.s32 s19, s0  }
0x166: {  	s14 =	sadd.s32 s19, s7;
	s3 =	smul.u32 $0x680, s26  }
0x167: {  	s20 =	simm.s32 $0x10;
	s21 =	sshll.u32 s7, $0x6;
	s14 =	smul.u32 $0x680, s14;
	v3 =	vmul.f32 v4, v3  }
0x168: {  	s21 =	sshra.s32 s21, $0x2;
	s22 =	sshll.u32 s0, $0x6;
	s3 =	sshra.s32 s3, $0x2  }
0x169: {  	s14 =	sshra.s32 s14, $0x2;
	s22 =	sshra.s32 s22, $0x2;
	[tilespmem:v2+s11+$0x0] =	vst.idx.msk $0xffff, v3;
	s3 =	sadd.s32 s21, s3  }
0x16a: {  	s14 =	sadd.s32 s22, s14;
	v2 =	vmov s20;
	v3 =	vld [tilespmem:s3+$0x68]  }
0x16b: {  	p0 =	seq.s32 s7, $0x19;
	v2 =	vshll.u32 v2, $0x4;
	s3 =	simm.s32 $0x1;
	v4 =	vld [tilespmem:s14+$0x68]  }
0x16c: {  	v2 =	vor.u32 v0, v2;
	s3 =	simm.s32 @!p0 $0x0  }
0x16d: {  	s7 =	sadd.s32 $0x1, s7;
	s14 =	sadd.s32 $0x2, s0;
	s0 =	sadd.s32 s3, s0;
	v2 =	vor.u32 v1, v2  }
0x16e: {  	s7 =	smov.u32 @p0 s14;
	s3 =	sadd.s32 s19, s0  }
0x16f: {  	s14 =	sadd.s32 s19, s7;
	s3 =	smul.u32 $0x680, s3  }
0x170: {  	s28 =	simm.s32 $0x20;
	s29 =	sshll.u32 s7, $0x6;
	s14 =	smul.u32 $0x680, s14;
	v3 =	vmul.f32 v4, v3  }
0x171: {  	s30 =	sshll.u32 s0, $0x6;
	s21 =	sshra.s32 s29, $0x2;
	s3 =	sshra.s32 s3, $0x2  }
0x172: {  	s31 =	sshra.s32 s30, $0x2;
	s14 =	sshra.s32 s14, $0x2;
	[tilespmem:v2+s11+$0x0] =	vst.idx.msk $0xffff, v3;
	s3 =	sadd.s32 s21, s3  }
0x173: {  	s20 =	sadd.s32 s31, s14;
	v2 =	vmov s28;
	v3 =	vld [tilespmem:s3+$0x68]  }
0x174: {  	p0 =	seq.s32 s7, $0x19;
	s14 =	simm.s32 $0x1;
	v2 =	vshll.u32 v2, $0x4;
	v4 =	vld [tilespmem:s20+$0x68]  }
0x175: {  	s14 =	simm.s32 @!p0 $0x0;
	v2 =	vor.u32 v0, v2  }
0x176: {  	s7 =	sadd.s32 $0x1, s7;
	s3 =	sadd.s32 $0x2, s0;
	s0 =	sadd.s32 s14, s0;
	v2 =	vor.u32 v1, v2  }
0x177: {  	s7 =	smov.u32 @p0 s3;
	s21 =	sadd.s32 s19, s0  }
0x178: {  	s22 =	sadd.s32 s19, s7;
	s3 =	smul.u32 $0x680, s21  }
0x179: {  	s25 =	simm.s32 $0x30;
	s24 =	sshll.u32 s7, $0x6;
	s14 =	smul.u32 $0x680, s22;
	v3 =	vmul.f32 v4, v3  }
0x17a: {  	s23 =	sshll.u32 s0, $0x6;
	s21 =	sshra.s32 s24, $0x2;
	s3 =	sshra.s32 s3, $0x2  }
0x17b: {  	s20 =	sshra.s32 s23, $0x2;
	s3 =	sadd.s32 s21, s3;
	s14 =	sshra.s32 s14, $0x2;
	[tilespmem:v2+s11+$0x0] =	vst.idx.msk $0xffff, v3  }
0x17c: {  	s26 =	sadd.s32 s20, s14;
	v2 =	vmov s25;
	v3 =	vld [tilespmem:s3+$0x68]  }
0x17d: {  	p0 =	seq.s32 s7, $0x19;
	s20 =	simm.s32 $0x1;
	v2 =	vshll.u32 v2, $0x4;
	v4 =	vld [tilespmem:s26+$0x68]  }
0x17e: {  	s7 =	sadd.s32 $0x1, s7;
	s14 =	sadd.s32 $0x2, s0;
	s20 =	simm.s32 @!p0 $0x0;
	v2 =	vor.u32 v0, v2  }
0x17f: {  	s7 =	smov.u32 @p0 s14;
	s0 =	sadd.s32 s20, s0;
	v2 =	vor.u32 v1, v2  }
0x180: {  	s28 =	sadd.s32 s19, s7;
	s29 =	sadd.s32 s19, s0  }
0x181: {  	s20 =	simm.s32 $0x40;
	s22 =	sadd.s32 $0x1, s7;
	s14 =	smul.u32 $0x680, s29  }
0x182: {  	p0 =	seq.s32 s7, $0x19;
	s7 =	sshll.u32 s7, $0x6;
	s3 =	smul.u32 $0x680, s28;
	v3 =	vmul.f32 v4, v3  }
0x183: {  	s30 =	sshll.u32 s0, $0x6;
	s7 =	sshra.s32 s7, $0x2;
	s14 =	sshra.s32 s14, $0x2  }
0x184: {  	s31 =	sshra.s32 s30, $0x2;
	s3 =	sshra.s32 s3, $0x2;
	s7 =	sadd.s32 s7, s14;
	[tilespmem:v2+s11+$0x0] =	vst.idx.msk $0xffff, v3  }
0x185: {  	s23 =	simm.s32 $0x1;
	s3 =	sadd.s32 s31, s3;
	v3 =	vmov s20;
	v2 =	vld [tilespmem:s7+$0x68]  }
0x186: {  	s24 =	sadd.s32 $0x2, s0;
	s23 =	simm.s32 @!p0 $0x0;
	v4 =	vshll.u32 v3, $0x4;
	v3 =	vld [tilespmem:s3+$0x68]  }
0x187: {  	s21 =	simm.s32 $0x0;
	s22 =	smov.u32 @p0 s24;
	s23 =	sadd.s32 s23, s0;
	v4 =	vor.u32 v0, v4  }
.LBB2_16:
0x188: {  	s21 =	sadd.s32 $0x5, s21;
	v4 =	vor.u32 v1, v4;
	s20 =	sadd.s32 $0x50, s20  }
0x189: {  	s0 =	sadd.s32 s19, s23;
	s3 =	sadd.s32 s19, s22;
	p0 =	slt.u32 s21, $0x140  }
0x18a: {  	s0 =	smul.u32 $0x680, s0;
	s7 =	sadd.s32 $0xFFFFFFC0, s20  }
0x18b: {  	s14 =	sshll.u32 s22, $0x6;
	s24 =	sshll.u32 s23, $0x6;
	s3 =	smul.u32 $0x680, s3;
	v5 =	vmov s7;
	v2 =	vmul.f32 v3, v2  }
0x18c: {  	s7 =	sshra.s32 s14, $0x2;
	s14 =	sshra.s32 s24, $0x2;
	s0 =	sshra.s32 s0, $0x2;
	v3 =	vshll.u32 v5, $0x4  }
0x18d: {  	s3 =	sshra.s32 s3, $0x2;
	s0 =	sadd.s32 s7, s0;
	v3 =	vor.u32 v0, v3;
	[tilespmem:v4+s11+$0x0] =	vst.idx.msk $0xffff, v2  }
0x18e: {  	v2 =	vld [tilespmem:s0+$0x68];
	s0 =	sadd.s32 s14, s3;
	s3 =	sadd.s32 $0xFFFFFFE0, s20  }
0x18f: {  	p1 =	seq.s32 s22, $0x19;
	s25 =	simm.s32 $0x1;
	v5 =	vmov s3;
	s3 =	simm.s32 $0x1  }
0x190: {  	s7 =	sadd.s32 $0x1, s22;
	v4 =	vld [tilespmem:s0+$0x68];
	s0 =	sadd.s32 $0x2, s23;
	s3 =	simm.s32 @!p1 $0x0  }
0x191: {  	v3 =	vor.u32 v1, v3;
	s7 =	smov.u32 @p1 s0;
	s0 =	sadd.s32 $0xFFFFFFD0, s20;
	v5 =	vshll.u32 v5, $0x4;
	s3 =	sadd.s32 s3, s23  }
0x192: {  	s14 =	sshll.u32 s7, $0x6;
	s22 =	sadd.s32 s19, s7;
	v6 =	vmov s0;
	v5 =	vor.u32 v0, v5;
	s23 =	sadd.s32 $0x1, s7  }
0x193: {  	p1 =	seq.s32 s7, $0x19;
	s0 =	sadd.s32 s19, s3;
	s22 =	smul.u32 $0x680, s22;
	v6 =	vshll.u32 v6, $0x4  }
0x194: {  	s7 =	sadd.s32 $0x2, s3;
	s24 =	sshll.u32 s3, $0x6;
	s0 =	smul.u32 $0x680, s0;
	v6 =	vor.u32 v0, v6  }
0x195: {  	s25 =	simm.s32 @!p1 $0x0;
	s14 =	sshra.s32 s14, $0x2;
	v2 =	vmul.f32 v4, v2;
	s22 =	sshra.s32 s22, $0x2  }
0x196: {  	s24 =	sshra.s32 s24, $0x2;
	s3 =	sadd.s32 s25, s3;
	s0 =	sshra.s32 s0, $0x2  }
0x197: {  	s23 =	smov.u32 @p1 s7;
	[tilespmem:v3+s11+$0x0] =	vst.idx.msk $0xffff, v2;
	s0 =	sadd.s32 s14, s0;
	s14 =	sadd.s32 s24, s22  }
0x198: {  	s7 =	sshll.u32 s3, $0x6;
	s25 =	sshll.u32 s23, $0x6;
	v2 =	vld [tilespmem:s0+$0x68];
	s0 =	sadd.s32 s19, s3  }
0x199: {  	s22 =	sadd.s32 $0x2, s3;
	v3 =	vld [tilespmem:s14+$0x68];
	s0 =	smul.u32 $0x680, s0;
	s14 =	sadd.s32 s19, s23  }
0x19a: {  	p1 =	seq.s32 s23, $0x19;
	s24 =	simm.s32 $0x1;
	s14 =	smul.u32 $0x680, s14  }
0x19b: {  	v4 =	vor.u32 v1, v6;
	s26 =	sadd.s32 $0x1, s23;
	s24 =	simm.s32 @!p1 $0x0;
	s0 =	sshra.s32 s0, $0x2  }
0x19c: {  	s26 =	smov.u32 @p1 s22;
	s3 =	sadd.s32 s24, s3;
	s14 =	sshra.s32 s14, $0x2  }
0x19d: {  	s23 =	sadd.s32 s19, s26;
	p1 =	seq.s32 s26, $0x19;
	s22 =	sadd.s32 s19, s3  }
0x19e: {  	s24 =	sadd.s32 $0x1, s26;
	s28 =	sshll.u32 s3, $0x6;
	s22 =	smul.u32 $0x680, s22;
	v2 =	vmul.f32 v3, v2  }
0x19f: {  	s25 =	sshra.s32 s25, $0x2;
	s29 =	smul.u32 $0x680, s23;
	s23 =	sadd.s32 $0x2, s3  }
0x1a0: {  	s7 =	sshra.s32 s7, $0x2;
	s0 =	sadd.s32 s25, s0;
	s25 =	sshra.s32 s22, $0x2;
	[tilespmem:v4+s11+$0x0] =	vst.idx.msk $0xffff, v2  }
0x1a1: {  	v2 =	vld [tilespmem:s0+$0x68];
	s0 =	sadd.s32 s7, s14;
	s7 =	simm.s32 $0x1  }
0x1a2: {  	s30 =	simm.s32 $0x1;
	s24 =	smov.u32 @p1 s23;
	s7 =	simm.s32 @!p1 $0x0  }
0x1a3: {  	s22 =	sadd.s32 $0x1, s24;
	v3 =	vld [tilespmem:s0+$0x68];
	s0 =	sadd.s32 s7, s3;
	s3 =	sadd.s32 s19, s24  }
0x1a4: {  	s7 =	sadd.s32 s19, s0;
	s3 =	smul.u32 $0x680, s3;
	s14 =	sshll.u32 s0, $0x6  }
0x1a5: {  	v4 =	vor.u32 v1, v5;
	p1 =	seq.s32 s24, $0x19;
	s23 =	sadd.s32 $0x2, s0;
	s7 =	smul.u32 $0x680, s7  }
0x1a6: {  	s30 =	simm.s32 @!p1 $0x0;
	s22 =	smov.u32 @p1 s23;
	s3 =	sshra.s32 s3, $0x2  }
0x1a7: {  	s23 =	sadd.s32 s30, s0;
	s7 =	sshra.s32 s7, $0x2  }
0x1a8: {  	s0 =	sshll.u32 s26, $0x6;
	v2 =	vmul.f32 v3, v2  }
0x1a9: {  	s26 =	sadd.s32 $0xFFFFFFF0, s20;
	s0 =	sshra.s32 s0, $0x2  }
0x1aa: {  	s28 =	sshra.s32 s28, $0x2;
	s0 =	sadd.s32 s0, s25;
	s25 =	sshra.s32 s29, $0x2;
	[tilespmem:v4+s11+$0x0] =	vst.idx.msk $0xffff, v2;
	v2 =	vmov s26  }
0x1ab: {  	v3 =	vld [tilespmem:s0+$0x68];
	s0 =	sadd.s32 s28, s25;
	v2 =	vshll.u32 v2, $0x4  }
0x1ac: {  	v4 =	vld [tilespmem:s0+$0x68];
	v2 =	vor.u32 v0, v2;
	_ =	sdelay $0x1  }
0x1ad: {  	v2 =	vor.u32 v1, v2;
	_ =	sdelay $0x2  }
0x1ae: {  	s0 =	sshll.u32 s24, $0x6;
	v3 =	vmul.f32 v4, v3  }
.Ltmp6:
0x1af: {  	s0 =	sshra.s32 s0, $0x2;
	(pc) =	sbr.rel @p0 .LBB2_16-.Ltmp6, $4  }
0x1b0: {  	s0 =	sadd.s32 s0, s7;
	s7 =	sshra.s32 s14, $0x2;
	[tilespmem:v2+s11+$0x0] =	vst.idx.msk $0xffff, v3  }
0x1b1: {  	v4 =	vmov s20;
	v2 =	vld [tilespmem:s0+$0x68];
	s0 =	sadd.s32 s7, s3  }
0x1b2: {  	v4 =	vshll.u32 v4, $0x4;
	v3 =	vld [tilespmem:s0+$0x68]  }
0x1b3: {  	v4 =	vor.u32 v0, v4  }
0x1b4: {  	s18 =	sadd.s32 $0x1, s18  }
0x1b5: {  	v1 =	vor.u32 v1, v4;
	p0 =	sne.s32 s18, $0x4  }
.Ltmp7:
0x1b6: {  	_ = 	snop;
	(pc) =	sbr.rel @p0 .LBB2_15-.Ltmp7, $3  }
0x1b7: {  	_ = 	snop  }
0x1b8: {  	v2 =	vmul.f32 v3, v2;
	_ =	sdelay $0x1  }
0x1b9: {  	[tilespmem:v1+s11+$0x0] =	vst.idx.msk $0xffff, v2  }
0x1ba: {  	s16 =	sadd.s32 $0x1, s16  }
0x1bb: {  	p0 =	sne.s32 s16, $0x8  }
.Ltmp8:
0x1bc: {  	_ = 	snop;
	(pc) =	sbr.rel @p0 .LBB2_2-.Ltmp8, $4  }
0x1bd: {  	_ = 	snop  }
0x1be: {  	s0 =	sshrl.u32 s17, $0x3  }
0x1bf: {  	s0 =	sadd.s32 s5, s0  }
0x1c0: {  	[hbm4b:s0+s12] =	stream.strided.scatter [tilespmem:s11], [sflag:$0x2], $0x14500, s13, s12, $0x38;
	[tilespmem:$0x1EE68] =	vst v63  }
0x1c1: {  	s3 =	simm.s32 $0x2  }
0x1c2: {  	_ =	swait.ge [sflag:s3], $0x14500  }
0x1c3: {  	s15 =	sadd.s32 $0x1, s15;
	s0 =	rddreg [dreg:$0x3]  }
0x1c4: {  	p0 =	sne.s32 s15, s0  }
.Ltmp9:
0x1c5: {  	_ = 	snop;
	(pc) =	sbr.rel @p0 .LBB2_1-.Ltmp9, $3  }
0x1c6: {  	_ =	sdelay $0x1  }
0x1c7: {  	[sflag:s3] =	ssyncset.done $0x0  }
0x1c8: {  	[sflag:s3] =	ssyncadd.s32 $0xFFFEBB00  }
0x1c9: {  	_ =	sfence.sel $0x180000  }
0x1ca: {  	[bflag:$0x0] =	sbarrier.arrive $0xFFFF  }
0x1cb: {  	_ =	strace $0x9000004A  }
0x1cc: {  	s0 =	stileid.u32;
	[bflag:$0x2] =	sbarrier.arrive $0xFFFF  }
0x1cd: {  	p0 =	sne.s32 s0, $0x0;
	s0 =	rddreg [dreg:$0x2]  }
0x1ce: {  	s0 =	sadd.s32 @!p0 $0x100000, s0  }
0x1cf: {  	[sflag:s0] =	ssyncadd.tile.s32 @!p0 $0x1;
	_ =	shalt  }
.Lfunc_end2:
_tile_overlayer_lowered:
.L_overlay_start_2:
0x1d0: {  	(tag) =	ssettag $0x2  }
0x1d1: {  	s0 =	rddreg [dreg:$0x0];
	s2 =	stileid.u32  }
0x1d2: {  	s1 =	rddreg [dreg:$0x1];
	p0 =	sne.s32 s2, $0x0  }
0x1d3: {  	s3 =	rddreg [dreg:$0x2];
	[bflag:$0x3] =	sbarrier.arrive $0xFFFF;
	s2 =	simm.s32 @!p0 $0x1C03  }
0x1d4: {  	[timem:s3], [sflag:s2] =	dma.local @!p0 [hbm:s0], s1  }
0x1d5: {  	s0 =	simm.s32 @!p0 $0x3  }
0x1d6: {  	_ =	swait.ge @!p0 [sflag:s0], s1  }
0x1d7: {  	s1 =	ssub.s32 @!p0 $0x0, s1;
	[sflag:s0] =	ssyncset.done @!p0 $0x0  }
0x1d8: {  	[sflag:s0] =	ssyncadd.s32 @!p0 s1  }
0x1d9: {  	[bflag:$0x3] =	sbarrier.arrive $0xFFFF  }
0x1da: {  	_ =	shalt  }

</sc_bundles>
